<compile_context>
chip_gen: v7x
topology: tpu7x:2x2x1
jax: 0.10.2.dev20260603
libtpu: 0.0.44.dev20260713+nightly
codegen_flags: <defaults>
</compile_context>

<pallas_src>
import functools

import jax
import jax.numpy as jnp
from jax import lax
from jax.experimental import pallas as pl
from jax.experimental.pallas import tpu as pltpu
from jax.experimental.pallas import tpu_sc as plsc

B, C, N, S = 8, 128, 4096, 64
L = 16
NCHUNK = N // L
NSEGV = S // L
ROWS_PER_W = (B * C) // 32
RPC = 8
NDMA = ROWS_PER_W // RPC


def _sc_body(x_hbm, idx_hbm, cnt_hbm, out_hbm,
             idxbuf, xbufa, xbufb, scanbuf, ccbuf, ebuf, gebuf, gqbuf,
             invbuf, gbidx, tstage, tpfull, outstage, sema, semb):
    cid = lax.axis_index("c")
    sid = lax.axis_index("s")
    wid = sid * 2 + cid
    b = wid // 4
    c0 = (wid % 4) * ROWS_PER_W
    rowbase0 = (b * C + c0) * N

    iota = lax.iota(jnp.int32, L)
    xbufs = [xbufa, xbufb]
    sems = [sema, semb]

    cps = [pltpu.async_copy(
        x_hbm.at[pl.ds(rowbase0, RPC * N)], xbufa, sema)]

    pltpu.sync_copy(idx_hbm.at[pl.ds(b * N, N)], idxbuf.at[pl.ds(0, N)])
    pltpu.sync_copy(cnt_hbm.at[pl.ds(b * S, S)], invbuf)
    idxbuf[pl.ds(N, L)] = jnp.full((L,), S, jnp.int32)
    scanbuf[pl.ds(N, L)] = jnp.zeros((L,), jnp.float32)
    ccbuf[pl.ds(NCHUNK, L)] = jnp.zeros((L,), jnp.float32)
    tstage[pl.ds(ROWS_PER_W * S, L)] = jnp.zeros((L,), jnp.float32)
    for i in range(NSEGV):
        ebuf[pl.ds(i * L, L)] = jnp.zeros((L,), jnp.int32)
        invbuf[pl.ds(i * L, L)] = 1.0 / invbuf[pl.ds(i * L, L)]

    @plsc.parallel_loop(0, NCHUNK, 1, unroll=4)
    def bmeta(q):
        base = q * L
        a = idxbuf[pl.ds(base, L)]
        nxt = plsc.load_gather(idxbuf, [iota + (base + 1)])
        pos = iota + (base + 1)
        plsc.store_scatter(ebuf, [a], pos, mask=a != nxt)

    carry = jnp.zeros((L,), jnp.int32)
    for i in range(NSEGV):
        m = jnp.maximum(plsc.cummax(ebuf[pl.ds(i * L, L)]), carry)
        gebuf[pl.ds(i * L, L)] = jnp.where(m >= 1, m - 1, N)
        gqbuf[pl.ds(i * L, L)] = jnp.where(m >= 1, (m - 1) >> 4, NCHUNK)
        carry = jnp.full((L,), jnp.max(m), jnp.int32)

    for i in range(NCHUNK // L):
        gbidx[pl.ds(i * L, L)] = (iota + i * L) * L + (L - 1)

    @plsc.parallel_loop(0, ROWS_PER_W * NSEGV, 1, unroll=4)
    def buildtp(k):
        glob = iota + k * L
        tpfull[pl.ds(k * L, L)] = jnp.where(
            (glob & (S - 1)) >= 1, glob - 1, ROWS_PER_W * S)

    ge_vs = [gebuf[pl.ds(i * L, L)] for i in range(NSEGV)]
    gq_vs = [gqbuf[pl.ds(i * L, L)] for i in range(NSEGV)]

    for g in range(NDMA):
        if g + 1 < NDMA:
            cps.append(pltpu.async_copy(
                x_hbm.at[pl.ds(rowbase0 + (g + 1) * RPC * N, RPC * N)],
                xbufs[(g + 1) % 2], sems[(g + 1) % 2]))
        cps[g].wait()
        xbuf = xbufs[g % 2]

        def row(r, carry_r):
            rbase = r * N

            @plsc.parallel_loop(0, NCHUNK, 1, unroll=64)
            def passa(q):
                s = plsc.cumsum(xbuf[pl.ds(rbase + q * L, L)])
                scanbuf[pl.ds(q * L, L)] = s

            @plsc.parallel_loop(0, NCHUNK // L, 1, unroll=16,
                                carry=jnp.zeros((L,), jnp.float32))
            def passb(i, carry_b):
                gsum = plsc.load_gather(scanbuf, [gbidx[pl.ds(i * L, L)]])
                inc = plsc.cumsum(gsum)
                ccbuf[pl.ds(i * L, L)] = inc - gsum + carry_b
                return carry_b + jnp.full((L,), jnp.sum(gsum), jnp.float32)

            obase = (g * RPC + r) * S
            for i in range(NSEGV):
                t = (plsc.load_gather(scanbuf, [ge_vs[i]])
                     + plsc.load_gather(ccbuf, [gq_vs[i]]))
                tstage[pl.ds(obase + i * L, L)] = t
            return carry_r

        lax.fori_loop(0, RPC, row, 0)

    @plsc.parallel_loop(0, ROWS_PER_W * NSEGV, 1, unroll=8)
    def passc(k):
        t = tstage[pl.ds(k * L, L)]
        tp = plsc.load_gather(tstage, [tpfull[pl.ds(k * L, L)]])
        iv = invbuf[pl.ds((k & (NSEGV - 1)) * L, L)]
        outstage[pl.ds(k * L, L)] = (t - tp) * iv

    pltpu.sync_copy(outstage,
                    out_hbm.at[pl.ds((b * C + c0) * S, ROWS_PER_W * S)])


@jax.jit
def _run(x, idx, cnt):
    mesh = plsc.VectorSubcoreMesh(
        core_axis_name="c", subcore_axis_name="s", num_cores=2,
        num_subcores=16)
    f = pl.kernel(
        _sc_body,
        out_type=jax.ShapeDtypeStruct((B * C * S,), jnp.float32),
        mesh=mesh,
        compiler_params=pltpu.CompilerParams(
            needs_layout_passes=False,
            skip_device_barrier=True,
            disable_bounds_checks=True,
            disable_semaphore_checks=True),
        scratch_types=[
            pltpu.VMEM((N + L,), jnp.int32),
            pltpu.VMEM((RPC * N,), jnp.float32),
            pltpu.VMEM((RPC * N,), jnp.float32),
            pltpu.VMEM((N + L,), jnp.float32),
            pltpu.VMEM((NCHUNK + L,), jnp.float32),
            pltpu.VMEM((S,), jnp.int32),
            pltpu.VMEM((S,), jnp.int32),
            pltpu.VMEM((S,), jnp.int32),
            pltpu.VMEM((S,), jnp.float32),
            pltpu.VMEM((NCHUNK,), jnp.int32),
            pltpu.VMEM((ROWS_PER_W * S + L,), jnp.float32),
            pltpu.VMEM((ROWS_PER_W * S,), jnp.int32),
            pltpu.VMEM((ROWS_PER_W * S,), jnp.float32),
            pltpu.SemaphoreType.DMA,
            pltpu.SemaphoreType.DMA,
        ],
    )
    return f(x, idx, cnt)


def kernel(input, slice_idx_mat, slice_counts):
    x = input.reshape(B * C * N)
    idx = slice_idx_mat.astype(jnp.int32).reshape(B * N)
    cnt = slice_counts.reshape(B * S).astype(jnp.float32)
    out = _run(x, idx, cnt)
    return out.reshape(B, C, S, 1)

# --- scband reference (transcript-rebuilt; emitter-appended) ---
"""Pipeline reference for scband-sp-31980326486805 (READ-ONLY COPY).

The authoritative reference and input builder live on the scoring server;
editing this copy changes nothing except your own understanding.
"""

import jax, jax.numpy as jnp
import numpy as np

NUM_SLICE = 64

def setup_inputs(seed: int = 0) -> dict:
    key = jax.random.key(seed)
    k1, k2 = jax.random.split(key)
    B, C, N = 8, 128, 4096
    inp = jax.random.normal(k1, (B, C, N, 1), dtype=jnp.float32)
    slice_idx_mat = jnp.sort(jax.random.randint(k2, (B, N), 0, NUM_SLICE), axis=-1).astype(jnp.int64)
    counts = jax.vmap(lambda i: jnp.bincount(i, length=NUM_SLICE))(slice_idx_mat).astype(jnp.float32)
    slice_counts = jnp.maximum(counts, 1.0)
    return {"input": inp, "slice_idx_mat": slice_idx_mat, "slice_counts": slice_counts}

def reference(input, slice_idx_mat, slice_counts):
    # SP module with pool_type='Avg_Pool': average-pool points into slices per batch/channel.
    B, C, N, _ = input.shape
    x = input[..., 0]                              # [B, C, N]
    flat = jnp.transpose(x, (0, 2, 1)).reshape(B * N, C)   # [B*N, C]
    seg = (slice_idx_mat.astype(jnp.int32) + jnp.arange(B, dtype=jnp.int32)[:, None] * NUM_SLICE).reshape(-1)
    sums = jax.ops.segment_sum(flat, seg, num_segments=B * NUM_SLICE)  # [B*NUM_SLICE, C]
    sums = sums.reshape(B, NUM_SLICE, C)
    avg = sums / slice_counts[:, :, None]          # [B, NUM_SLICE, C]
    out = jnp.transpose(avg, (0, 2, 1))[..., None] # [B, C, NUM_SLICE, 1]
    return out

if __name__ == "__main__":
    import jax
    _d = setup_inputs()
    print(jax.jit(kernel)(*tuple(_d.values())))

</pallas_src>

<mosaic_0001>
#map = affine_map<(d0, d1) -> (0)>
module attributes {stable_mosaic.version = 14 : i64} {
  func.func @_sc_body(%arg0: i32, %arg1: i32, %arg2: memref<4194304xf32, #tpu.memory_space<hbm>>, %arg3: memref<32768xi32, #tpu.memory_space<hbm>>, %arg4: memref<512xf32, #tpu.memory_space<hbm>>, %arg5: memref<65536xf32, #tpu.memory_space<hbm>>, %arg6: memref<4112xi32, #tpu.memory_space<vmem>>, %arg7: memref<32768xf32, #tpu.memory_space<vmem>>, %arg8: memref<32768xf32, #tpu.memory_space<vmem>>, %arg9: memref<4112xf32, #tpu.memory_space<vmem>>, %arg10: memref<272xf32, #tpu.memory_space<vmem>>, %arg11: memref<64xi32, #tpu.memory_space<vmem>>, %arg12: memref<64xi32, #tpu.memory_space<vmem>>, %arg13: memref<64xi32, #tpu.memory_space<vmem>>, %arg14: memref<64xf32, #tpu.memory_space<vmem>>, %arg15: memref<256xi32, #tpu.memory_space<vmem>>, %arg16: memref<2064xf32, #tpu.memory_space<vmem>>, %arg17: memref<2048xi32, #tpu.memory_space<vmem>>, %arg18: memref<2048xf32, #tpu.memory_space<vmem>>, %arg19: memref<!tpu.dma_semaphore, #tpu.memory_space<semaphore_mem>>, %arg20: memref<!tpu.dma_semaphore, #tpu.memory_space<semaphore_mem>>) attributes {dimension_semantics = [#tpu.dimension_semantics<core_parallel>, #tpu.dimension_semantics<subcore_parallel>], iteration_bounds = array<i64: 2, 16>, scalar_prefetch = 0 : i64, scratch_operands = 15 : i64, tpu.core_type = #tpu.core_type<sc_vector_subcore>, window_params = [{transform_indices = #map}, {transform_indices = #map}, {transform_indices = #map}, {transform_indices = #map}]} {
    %mul3A = arith.constant 2 : i32
    %mul3A_0 = arith.muli %arg1, %mul3A : i32
    %add3A = arith.addi %mul3A_0, %arg0 : i32
    %jit3A = arith.constant 4 : i32
    %div3A = arith.divsi %add3A, %jit3A : i32
    %sign3A = arith.constant 0 : i32
    %sign3A_1 = arith.cmpi sgt, %add3A, %sign3A : i32
    %sign3A_2 = arith.extui %sign3A_1 : i1 to i32
    %sign3A_3 = arith.constant 0 : i32
    %sign3A_4 = arith.cmpi slt, %add3A, %sign3A_3 : i32
    %sign3A_5 = arith.extui %sign3A_4 : i1 to i32
    %sign3A_6 = arith.subi %sign3A_2, %sign3A_5 : i32
    %sign3A_7 = arith.constant 0 : i32
    %sign3A_8 = arith.cmpi sgt, %jit3A, %sign3A_7 : i32
    %sign3A_9 = arith.extui %sign3A_8 : i1 to i32
    %sign3A_10 = arith.constant 0 : i32
    %sign3A_11 = arith.cmpi slt, %jit3A, %sign3A_10 : i32
    %sign3A_12 = arith.extui %sign3A_11 : i1 to i32
    %sign3A_13 = arith.subi %sign3A_9, %sign3A_12 : i32
    %ne3A = arith.cmpi ne, %sign3A_6, %sign3A_13 : i32
    %rem3A = arith.remsi %add3A, %jit3A : i32
    %ne3A_14 = arith.constant 0 : i32
    %ne3A_15 = arith.cmpi ne, %rem3A, %ne3A_14 : i32
    %and3A = arith.andi %ne3A, %ne3A_15 : i1
    %sub3A = arith.constant 1 : i32
    %sub3A_16 = arith.subi %div3A, %sub3A : i32
    %select_n3A = arith.select %and3A, %sub3A_16, %div3A : i32
    %jit3A_17 = arith.constant 4 : i32
    %eq3A = arith.constant 0 : i32
    %eq3A_18 = arith.cmpi eq, %jit3A_17, %eq3A : i32
    %jit3A_19 = arith.constant 1 : i32
    %select_n3A_20 = arith.select %eq3A_18, %jit3A_19, %jit3A_17 : i32
    %rem3A_21 = arith.remsi %add3A, %select_n3A_20 : i32
    %ne3A_22 = arith.constant 0 : i32
    %ne3A_23 = arith.cmpi ne, %rem3A_21, %ne3A_22 : i32
    %lt3A = arith.constant 0 : i32
    %lt3A_24 = arith.cmpi slt, %rem3A_21, %lt3A : i32
    %lt3A_25 = arith.constant 0 : i32
    %lt3A_26 = arith.cmpi slt, %select_n3A_20, %lt3A_25 : i32
    %ne3A_27 = arith.xori %lt3A_24, %lt3A_26 : i1
    %and3A_28 = arith.andi %ne3A_27, %ne3A_23 : i1
    %add3A_29 = arith.addi %rem3A_21, %select_n3A_20 : i32
    %select_n3A_30 = arith.select %and3A_28, %add3A_29, %rem3A_21 : i32
    %mul3A_31 = arith.constant 32 : i32
    %mul3A_32 = arith.muli %select_n3A_30, %mul3A_31 : i32
    %mul3A_33 = arith.constant 128 : i32
    %mul3A_34 = arith.muli %select_n3A, %mul3A_33 : i32
    %add3A_35 = arith.addi %mul3A_34, %mul3A_32 : i32
    %mul3A_36 = arith.constant 4096 : i32
    %mul3A_37 = arith.muli %add3A_35, %mul3A_36 : i32
    %iota3A = tpu.iota {dimensions = array<i32: 0>} : vector<16xi32>
    %dma_start3A = tpu.memref_slice %arg2[%mul3A_37] : memref<4194304xf32, #tpu.memory_space<hbm>> -> memref<32768xf32, #tpu.memory_space<hbm>>
    %dma_start3A_38 = tpu.memref_slice %arg2[%mul3A_37] : memref<4194304xf32, #tpu.memory_space<hbm>> -> memref<32768xf32, #tpu.memory_space<hbm>>
    tpu.enqueue_dma source(%dma_start3A_38 : memref<32768xf32, #tpu.memory_space<hbm>>) target(%arg7 : memref<32768xf32, #tpu.memory_space<vmem>>) target_semaphore(%arg19 : memref<!tpu.dma_semaphore, #tpu.memory_space<semaphore_mem>>)
    %mul3A_39 = arith.constant 4096 : i32
    %mul3A_40 = arith.muli %select_n3A, %mul3A_39 : i32
    "tpu.region"() ({
      %run_scoped3A = tpu.sem_alloc : memref<!tpu.dma_semaphore, #tpu.memory_space<semaphore_mem>>
      %dma_start3A_520 = arith.constant 0 : i32
      %dma_start3A_521 = tpu.memref_slice %arg6[%dma_start3A_520] : memref<4112xi32, #tpu.memory_space<vmem>> -> memref<4096xi32, #tpu.memory_space<vmem>>
      %dma_start3A_522 = tpu.memref_slice %arg3[%mul3A_40] : memref<32768xi32, #tpu.memory_space<hbm>> -> memref<4096xi32, #tpu.memory_space<hbm>>
      %dma_start3A_523 = arith.constant 0 : i32
      %dma_start3A_524 = tpu.memref_slice %arg6[%dma_start3A_523] : memref<4112xi32, #tpu.memory_space<vmem>> -> memref<4096xi32, #tpu.memory_space<vmem>>
      %dma_start3A_525 = tpu.memref_slice %arg3[%mul3A_40] : memref<32768xi32, #tpu.memory_space<hbm>> -> memref<4096xi32, #tpu.memory_space<hbm>>
      tpu.enqueue_dma source(%dma_start3A_525 : memref<4096xi32, #tpu.memory_space<hbm>>) target(%dma_start3A_524 : memref<4096xi32, #tpu.memory_space<vmem>>) target_semaphore(%run_scoped3A : memref<!tpu.dma_semaphore, #tpu.memory_space<semaphore_mem>>)
      %dma_wait3A_526 = arith.constant 0 : i32
      %dma_wait3A_527 = tpu.memref_slice %arg6[%dma_wait3A_526] : memref<4112xi32, #tpu.memory_space<vmem>> -> memref<4096xi32, #tpu.memory_space<vmem>>
      %dma_wait3A_528 = tpu.memref_slice %arg3[%mul3A_40] : memref<32768xi32, #tpu.memory_space<hbm>> -> memref<4096xi32, #tpu.memory_space<hbm>>
      %dma_wait3A_529 = arith.constant 0 : i32
      %dma_wait3A_530 = tpu.memref_slice %arg6[%dma_wait3A_529] : memref<4112xi32, #tpu.memory_space<vmem>> -> memref<4096xi32, #tpu.memory_space<vmem>>
      %dma_wait3A_531 = tpu.memref_slice %arg3[%mul3A_40] : memref<32768xi32, #tpu.memory_space<hbm>> -> memref<4096xi32, #tpu.memory_space<hbm>>
      tpu.wait_dma2 semaphore(%run_scoped3A : memref<!tpu.dma_semaphore, #tpu.memory_space<semaphore_mem>>) src(%dma_wait3A_531 : memref<4096xi32, #tpu.memory_space<hbm>>) dst(%dma_wait3A_530 : memref<4096xi32, #tpu.memory_space<vmem>>)
      tpu.yield
    }) : () -> ()
    %mul3A_41 = arith.constant 64 : i32
    %mul3A_42 = arith.muli %select_n3A, %mul3A_41 : i32
    "tpu.region"() ({
      %run_scoped3A = tpu.sem_alloc : memref<!tpu.dma_semaphore, #tpu.memory_space<semaphore_mem>>
      %dma_start3A_520 = tpu.memref_slice %arg4[%mul3A_42] : memref<512xf32, #tpu.memory_space<hbm>> -> memref<64xf32, #tpu.memory_space<hbm>>
      %dma_start3A_521 = tpu.memref_slice %arg4[%mul3A_42] : memref<512xf32, #tpu.memory_space<hbm>> -> memref<64xf32, #tpu.memory_space<hbm>>
      tpu.enqueue_dma source(%dma_start3A_521 : memref<64xf32, #tpu.memory_space<hbm>>) target(%arg14 : memref<64xf32, #tpu.memory_space<vmem>>) target_semaphore(%run_scoped3A : memref<!tpu.dma_semaphore, #tpu.memory_space<semaphore_mem>>)
      %dma_wait3A_522 = tpu.memref_slice %arg4[%mul3A_42] : memref<512xf32, #tpu.memory_space<hbm>> -> memref<64xf32, #tpu.memory_space<hbm>>
      %dma_wait3A_523 = tpu.memref_slice %arg4[%mul3A_42] : memref<512xf32, #tpu.memory_space<hbm>> -> memref<64xf32, #tpu.memory_space<hbm>>
      tpu.wait_dma2 semaphore(%run_scoped3A : memref<!tpu.dma_semaphore, #tpu.memory_space<semaphore_mem>>) src(%dma_wait3A_523 : memref<64xf32, #tpu.memory_space<hbm>>) dst(%arg14 : memref<64xf32, #tpu.memory_space<vmem>>)
      tpu.yield
    }) : () -> ()
    %broadcast_in_dim3A = arith.constant 64 : i32
    %broadcast_in_dim3A_43 = vector.broadcast %broadcast_in_dim3A : i32 to vector<16xi32>
    %swap3A = arith.constant 4096 : index
    %swap3A_44 = tpu.vector_load %arg6[%swap3A] {strides = array<i32>} : memref<4112xi32, #tpu.memory_space<vmem>>, vector<16xi32>,
    tpu.vector_store %arg6[%swap3A], %broadcast_in_dim3A_43 {strides = array<i32>} : memref<4112xi32, #tpu.memory_space<vmem>>, vector<16xi32>,
    %broadcast_in_dim3A_45 = arith.constant 0.000000e+00 : f32
    %broadcast_in_dim3A_46 = vector.broadcast %broadcast_in_dim3A_45 : f32 to vector<16xf32>
    %swap3A_47 = arith.constant 4096 : index
    %swap3A_48 = tpu.vector_load %arg9[%swap3A_47] {strides = array<i32>} : memref<4112xf32, #tpu.memory_space<vmem>>, vector<16xf32>,
    tpu.vector_store %arg9[%swap3A_47], %broadcast_in_dim3A_46 {strides = array<i32>} : memref<4112xf32, #tpu.memory_space<vmem>>, vector<16xf32>,
    %broadcast_in_dim3A_49 = arith.constant 0.000000e+00 : f32
    %broadcast_in_dim3A_50 = vector.broadcast %broadcast_in_dim3A_49 : f32 to vector<16xf32>
    %swap3A_51 = arith.constant 256 : index
    %swap3A_52 = tpu.vector_load %arg10[%swap3A_51] {strides = array<i32>} : memref<272xf32, #tpu.memory_space<vmem>>, vector<16xf32>,
    tpu.vector_store %arg10[%swap3A_51], %broadcast_in_dim3A_50 {strides = array<i32>} : memref<272xf32, #tpu.memory_space<vmem>>, vector<16xf32>,
    %broadcast_in_dim3A_53 = arith.constant 0.000000e+00 : f32
    %broadcast_in_dim3A_54 = vector.broadcast %broadcast_in_dim3A_53 : f32 to vector<16xf32>
    %swap3A_55 = arith.constant 2048 : index
    %swap3A_56 = tpu.vector_load %arg16[%swap3A_55] {strides = array<i32>} : memref<2064xf32, #tpu.memory_space<vmem>>, vector<16xf32>,
    tpu.vector_store %arg16[%swap3A_55], %broadcast_in_dim3A_54 {strides = array<i32>} : memref<2064xf32, #tpu.memory_space<vmem>>, vector<16xf32>,
    %broadcast_in_dim3A_57 = arith.constant 0 : i32
    %broadcast_in_dim3A_58 = vector.broadcast %broadcast_in_dim3A_57 : i32 to vector<16xi32>
    %swap3A_59 = arith.constant 0 : index
    %swap3A_60 = tpu.vector_load %arg11[%swap3A_59] {strides = array<i32>} : memref<64xi32, #tpu.memory_space<vmem>>, vector<16xi32>,
    tpu.vector_store %arg11[%swap3A_59], %broadcast_in_dim3A_58 {strides = array<i32>} : memref<64xi32, #tpu.memory_space<vmem>>, vector<16xi32>,
    %get3A = arith.constant 0 : index
    %get3A_61 = tpu.vector_load %arg14[%get3A] {strides = array<i32>} : memref<64xf32, #tpu.memory_space<vmem>>, vector<16xf32>,
    %div3A_62 = arith.constant 1.000000e+00 : f32
    %div3A_63 = vector.broadcast %div3A_62 : f32 to vector<16xf32>
    %div3A_64 = arith.divf %div3A_63, %get3A_61 : vector<16xf32>
    %swap3A_65 = arith.constant 0 : index
    %swap3A_66 = tpu.vector_load %arg14[%swap3A_65] {strides = array<i32>} : memref<64xf32, #tpu.memory_space<vmem>>, vector<16xf32>,
    tpu.vector_store %arg14[%swap3A_65], %div3A_64 {strides = array<i32>} : memref<64xf32, #tpu.memory_space<vmem>>, vector<16xf32>,
    %broadcast_in_dim3A_67 = arith.constant 0 : i32
    %broadcast_in_dim3A_68 = vector.broadcast %broadcast_in_dim3A_67 : i32 to vector<16xi32>
    %swap3A_69 = arith.constant 16 : index
    %swap3A_70 = tpu.vector_load %arg11[%swap3A_69] {strides = array<i32>} : memref<64xi32, #tpu.memory_space<vmem>>, vector<16xi32>,
    tpu.vector_store %arg11[%swap3A_69], %broadcast_in_dim3A_68 {strides = array<i32>} : memref<64xi32, #tpu.memory_space<vmem>>, vector<16xi32>,
    %get3A_71 = arith.constant 16 : index
    %get3A_72 = tpu.vector_load %arg14[%get3A_71] {strides = array<i32>} : memref<64xf32, #tpu.memory_space<vmem>>, vector<16xf32>,
    %div3A_73 = arith.constant 1.000000e+00 : f32
    %div3A_74 = vector.broadcast %div3A_73 : f32 to vector<16xf32>
    %div3A_75 = arith.divf %div3A_74, %get3A_72 : vector<16xf32>
    %swap3A_76 = arith.constant 16 : index
    %swap3A_77 = tpu.vector_load %arg14[%swap3A_76] {strides = array<i32>} : memref<64xf32, #tpu.memory_space<vmem>>, vector<16xf32>,
    tpu.vector_store %arg14[%swap3A_76], %div3A_75 {strides = array<i32>} : memref<64xf32, #tpu.memory_space<vmem>>, vector<16xf32>,
    %broadcast_in_dim3A_78 = arith.constant 0 : i32
    %broadcast_in_dim3A_79 = vector.broadcast %broadcast_in_dim3A_78 : i32 to vector<16xi32>
    %swap3A_80 = arith.constant 32 : index
    %swap3A_81 = tpu.vector_load %arg11[%swap3A_80] {strides = array<i32>} : memref<64xi32, #tpu.memory_space<vmem>>, vector<16xi32>,
    tpu.vector_store %arg11[%swap3A_80], %broadcast_in_dim3A_79 {strides = array<i32>} : memref<64xi32, #tpu.memory_space<vmem>>, vector<16xi32>,
    %get3A_82 = arith.constant 32 : index
    %get3A_83 = tpu.vector_load %arg14[%get3A_82] {strides = array<i32>} : memref<64xf32, #tpu.memory_space<vmem>>, vector<16xf32>,
    %div3A_84 = arith.constant 1.000000e+00 : f32
    %div3A_85 = vector.broadcast %div3A_84 : f32 to vector<16xf32>
    %div3A_86 = arith.divf %div3A_85, %get3A_83 : vector<16xf32>
    %swap3A_87 = arith.constant 32 : index
    %swap3A_88 = tpu.vector_load %arg14[%swap3A_87] {strides = array<i32>} : memref<64xf32, #tpu.memory_space<vmem>>, vector<16xf32>,
    tpu.vector_store %arg14[%swap3A_87], %div3A_86 {strides = array<i32>} : memref<64xf32, #tpu.memory_space<vmem>>, vector<16xf32>,
    %broadcast_in_dim3A_89 = arith.constant 0 : i32
    %broadcast_in_dim3A_90 = vector.broadcast %broadcast_in_dim3A_89 : i32 to vector<16xi32>
    %swap3A_91 = arith.constant 48 : index
    %swap3A_92 = tpu.vector_load %arg11[%swap3A_91] {strides = array<i32>} : memref<64xi32, #tpu.memory_space<vmem>>, vector<16xi32>,
    tpu.vector_store %arg11[%swap3A_91], %broadcast_in_dim3A_90 {strides = array<i32>} : memref<64xi32, #tpu.memory_space<vmem>>, vector<16xi32>,
    %get3A_93 = arith.constant 48 : index
    %get3A_94 = tpu.vector_load %arg14[%get3A_93] {strides = array<i32>} : memref<64xf32, #tpu.memory_space<vmem>>, vector<16xf32>,
    %div3A_95 = arith.constant 1.000000e+00 : f32
    %div3A_96 = vector.broadcast %div3A_95 : f32 to vector<16xf32>
    %div3A_97 = arith.divf %div3A_96, %get3A_94 : vector<16xf32>
    %swap3A_98 = arith.constant 48 : index
    %swap3A_99 = tpu.vector_load %arg14[%swap3A_98] {strides = array<i32>} : memref<64xf32, #tpu.memory_space<vmem>>, vector<16xf32>,
    tpu.vector_store %arg14[%swap3A_98], %div3A_97 {strides = array<i32>} : memref<64xf32, #tpu.memory_space<vmem>>, vector<16xf32>,
    %parallel_loop3A = arith.constant 0 : i32
    %parallel_loop3A_100 = arith.constant 256 : i32
    %parallel_loop3A_101 = arith.constant 1 : i32
    scf.for %parallel_loop3A_520 = %parallel_loop3A to %parallel_loop3A_100 step %parallel_loop3A_101  : i32 {
      %parallel_loop3A_521 = arith.constant 16 : i32
      %parallel_loop3A_522 = arith.muli %parallel_loop3A_520, %parallel_loop3A_521 : i32
      %parallel_loop3A_523 = arith.index_cast %parallel_loop3A_522 : i32 to index
      %parallel_loop3A_524 = tpu.vector_load %arg6[%parallel_loop3A_523] {strides = array<i32>} : memref<4112xi32, #tpu.memory_space<vmem>>, vector<16xi32>,
      %parallel_loop3A_525 = arith.constant 1 : i32
      %parallel_loop3A_526 = arith.addi %parallel_loop3A_522, %parallel_loop3A_525 : i32
      %parallel_loop3A_527 = vector.broadcast %parallel_loop3A_526 : i32 to vector<16xi32>
      %parallel_loop3A_528 = arith.addi %iota3A, %parallel_loop3A_527 : vector<16xi32>
      %parallel_loop3A_529 = tpu.vector_load_idx %arg6[%parallel_loop3A_528] : memref<4112xi32, #tpu.memory_space<vmem>>[vector<16xi32>], vector<16xi32>,
      %parallel_loop3A_530 = arith.constant 1 : i32
      %parallel_loop3A_531 = arith.addi %parallel_loop3A_522, %parallel_loop3A_530 : i32
      %parallel_loop3A_532 = vector.broadcast %parallel_loop3A_531 : i32 to vector<16xi32>
      %parallel_loop3A_533 = arith.addi %iota3A, %parallel_loop3A_532 : vector<16xi32>
      %parallel_loop3A_534 = arith.cmpi ne, %parallel_loop3A_524, %parallel_loop3A_529 : vector<16xi32>
      tpu.vector_store_idx %arg11[%parallel_loop3A_524], %parallel_loop3A_533 masked %parallel_loop3A_534 : memref<64xi32, #tpu.memory_space<vmem>>[vector<16xi32>], vector<16xi32>, vector<16xi1>
    } {sc.loop_unroll_factor = 4 : i64, sc.parallel_access}
    %broadcast_in_dim3A_102 = arith.constant 0 : i32
    %broadcast_in_dim3A_103 = vector.broadcast %broadcast_in_dim3A_102 : i32 to vector<16xi32>
    %get3A_104 = arith.constant 0 : index
    %get3A_105 = tpu.vector_load %arg11[%get3A_104] {strides = array<i32>} : memref<64xi32, #tpu.memory_space<vmem>>, vector<16xi32>,
    %broadcast_in_dim3A_106 = arith.constant true
    %broadcast_in_dim3A_107 = vector.broadcast %broadcast_in_dim3A_106 : i1 to vector<16xi1>
    %masked_cummax3A = arith.constant -2147483648 : i32
    %masked_cummax3A_108 = vector.broadcast %masked_cummax3A : i32 to vector<16xi32>
    %masked_cummax3A_109 = arith.xori %get3A_105, %masked_cummax3A_108 : vector<16xi32>
    %masked_cummax3A_110 = tpu.scan <max>, %masked_cummax3A_109 masked %broadcast_in_dim3A_107 : vector<16xi32>, vector<16xi1> -> vector<16xi32>
    %masked_cummax3A_111 = arith.xori %masked_cummax3A_110, %masked_cummax3A_108 : vector<16xi32>
    %max3A = arith.maxsi %masked_cummax3A_111, %broadcast_in_dim3A_103 : vector<16xi32>
    %ge3A = arith.constant 1 : i32
    %ge3A_112 = vector.broadcast %ge3A : i32 to vector<16xi32>
    %ge3A_113 = arith.cmpi sge, %max3A, %ge3A_112 : vector<16xi32>
    %sub3A_114 = arith.constant 1 : i32
    %sub3A_115 = vector.broadcast %sub3A_114 : i32 to vector<16xi32>
    %sub3A_116 = arith.subi %max3A, %sub3A_115 : vector<16xi32>
    %jit3A_117 = arith.constant 4096 : i32
    %broadcast_in_dim3A_118 = vector.broadcast %jit3A_117 : i32 to vector<16xi32>
    %select_n3A_119 = arith.select %ge3A_113, %sub3A_116, %broadcast_in_dim3A_118 : vector<16xi1>, vector<16xi32>
    %swap3A_120 = arith.constant 0 : index
    %swap3A_121 = tpu.vector_load %arg12[%swap3A_120] {strides = array<i32>} : memref<64xi32, #tpu.memory_space<vmem>>, vector<16xi32>,
    tpu.vector_store %arg12[%swap3A_120], %select_n3A_119 {strides = array<i32>} : memref<64xi32, #tpu.memory_space<vmem>>, vector<16xi32>,
    %ge3A_122 = arith.constant 1 : i32
    %ge3A_123 = vector.broadcast %ge3A_122 : i32 to vector<16xi32>
    %ge3A_124 = arith.cmpi sge, %max3A, %ge3A_123 : vector<16xi32>
    %sub3A_125 = arith.constant 1 : i32
    %sub3A_126 = vector.broadcast %sub3A_125 : i32 to vector<16xi32>
    %sub3A_127 = arith.subi %max3A, %sub3A_126 : vector<16xi32>
    %shift_right_arithmetic3A = arith.constant 4 : i32
    %shift_right_arithmetic3A_128 = vector.broadcast %shift_right_arithmetic3A : i32 to vector<16xi32>
    %shift_right_arithmetic3A_129 = arith.shrsi %sub3A_127, %shift_right_arithmetic3A_128 : vector<16xi32>
    %jit3A_130 = arith.constant 256 : i32
    %broadcast_in_dim3A_131 = vector.broadcast %jit3A_130 : i32 to vector<16xi32>
    %select_n3A_132 = arith.select %ge3A_124, %shift_right_arithmetic3A_129, %broadcast_in_dim3A_131 : vector<16xi1>, vector<16xi32>
    %swap3A_133 = arith.constant 0 : index
    %swap3A_134 = tpu.vector_load %arg13[%swap3A_133] {strides = array<i32>} : memref<64xi32, #tpu.memory_space<vmem>>, vector<16xi32>,
    tpu.vector_store %arg13[%swap3A_133], %select_n3A_132 {strides = array<i32>} : memref<64xi32, #tpu.memory_space<vmem>>, vector<16xi32>,
    %reduce_max3A = arith.constant true
    %reduce_max3A_135 = vector.broadcast %reduce_max3A : i1 to vector<16xi1>
    %reduce_max3A_136 = arith.constant -2147483648 : i32
    %reduce_max3A_137 = vector.broadcast %reduce_max3A_136 : i32 to vector<16xi32>
    %reduce_max3A_138 = arith.xori %max3A, %reduce_max3A_137 : vector<16xi32>
    %reduce_max3A_139 = tpu.scan <max>, %reduce_max3A_138 masked %reduce_max3A_135 : vector<16xi32>, vector<16xi1> -> vector<16xi32>
    %reduce_max3A_140 = arith.xori %reduce_max3A_139, %reduce_max3A_137 : vector<16xi32>
    %reduce_max3A_141 = vector.extract %reduce_max3A_140[15] : i32 from vector<16xi32>
    %broadcast_in_dim3A_142 = vector.broadcast %reduce_max3A_141 : i32 to vector<16xi32>
    %get3A_143 = arith.constant 16 : index
    %get3A_144 = tpu.vector_load %arg11[%get3A_143] {strides = array<i32>} : memref<64xi32, #tpu.memory_space<vmem>>, vector<16xi32>,
    %broadcast_in_dim3A_145 = arith.constant true
    %broadcast_in_dim3A_146 = vector.broadcast %broadcast_in_dim3A_145 : i1 to vector<16xi1>
    %masked_cummax3A_147 = arith.constant -2147483648 : i32
    %masked_cummax3A_148 = vector.broadcast %masked_cummax3A_147 : i32 to vector<16xi32>
    %masked_cummax3A_149 = arith.xori %get3A_144, %masked_cummax3A_148 : vector<16xi32>
    %masked_cummax3A_150 = tpu.scan <max>, %masked_cummax3A_149 masked %broadcast_in_dim3A_146 : vector<16xi32>, vector<16xi1> -> vector<16xi32>
    %masked_cummax3A_151 = arith.xori %masked_cummax3A_150, %masked_cummax3A_148 : vector<16xi32>
    %max3A_152 = arith.maxsi %masked_cummax3A_151, %broadcast_in_dim3A_142 : vector<16xi32>
    %ge3A_153 = arith.constant 1 : i32
    %ge3A_154 = vector.broadcast %ge3A_153 : i32 to vector<16xi32>
    %ge3A_155 = arith.cmpi sge, %max3A_152, %ge3A_154 : vector<16xi32>
    %sub3A_156 = arith.constant 1 : i32
    %sub3A_157 = vector.broadcast %sub3A_156 : i32 to vector<16xi32>
    %sub3A_158 = arith.subi %max3A_152, %sub3A_157 : vector<16xi32>
    %jit3A_159 = arith.constant 4096 : i32
    %broadcast_in_dim3A_160 = vector.broadcast %jit3A_159 : i32 to vector<16xi32>
    %select_n3A_161 = arith.select %ge3A_155, %sub3A_158, %broadcast_in_dim3A_160 : vector<16xi1>, vector<16xi32>
    %swap3A_162 = arith.constant 16 : index
    %swap3A_163 = tpu.vector_load %arg12[%swap3A_162] {strides = array<i32>} : memref<64xi32, #tpu.memory_space<vmem>>, vector<16xi32>,
    tpu.vector_store %arg12[%swap3A_162], %select_n3A_161 {strides = array<i32>} : memref<64xi32, #tpu.memory_space<vmem>>, vector<16xi32>,
    %ge3A_164 = arith.constant 1 : i32
    %ge3A_165 = vector.broadcast %ge3A_164 : i32 to vector<16xi32>
    %ge3A_166 = arith.cmpi sge, %max3A_152, %ge3A_165 : vector<16xi32>
    %sub3A_167 = arith.constant 1 : i32
    %sub3A_168 = vector.broadcast %sub3A_167 : i32 to vector<16xi32>
    %sub3A_169 = arith.subi %max3A_152, %sub3A_168 : vector<16xi32>
    %shift_right_arithmetic3A_170 = arith.constant 4 : i32
    %shift_right_arithmetic3A_171 = vector.broadcast %shift_right_arithmetic3A_170 : i32 to vector<16xi32>
    %shift_right_arithmetic3A_172 = arith.shrsi %sub3A_169, %shift_right_arithmetic3A_171 : vector<16xi32>
    %jit3A_173 = arith.constant 256 : i32
    %broadcast_in_dim3A_174 = vector.broadcast %jit3A_173 : i32 to vector<16xi32>
    %select_n3A_175 = arith.select %ge3A_166, %shift_right_arithmetic3A_172, %broadcast_in_dim3A_174 : vector<16xi1>, vector<16xi32>
    %swap3A_176 = arith.constant 16 : index
    %swap3A_177 = tpu.vector_load %arg13[%swap3A_176] {strides = array<i32>} : memref<64xi32, #tpu.memory_space<vmem>>, vector<16xi32>,
    tpu.vector_store %arg13[%swap3A_176], %select_n3A_175 {strides = array<i32>} : memref<64xi32, #tpu.memory_space<vmem>>, vector<16xi32>,
    %reduce_max3A_178 = arith.constant true
    %reduce_max3A_179 = vector.broadcast %reduce_max3A_178 : i1 to vector<16xi1>
    %reduce_max3A_180 = arith.constant -2147483648 : i32
    %reduce_max3A_181 = vector.broadcast %reduce_max3A_180 : i32 to vector<16xi32>
    %reduce_max3A_182 = arith.xori %max3A_152, %reduce_max3A_181 : vector<16xi32>
    %reduce_max3A_183 = tpu.scan <max>, %reduce_max3A_182 masked %reduce_max3A_179 : vector<16xi32>, vector<16xi1> -> vector<16xi32>
    %reduce_max3A_184 = arith.xori %reduce_max3A_183, %reduce_max3A_181 : vector<16xi32>
    %reduce_max3A_185 = vector.extract %reduce_max3A_184[15] : i32 from vector<16xi32>
    %broadcast_in_dim3A_186 = vector.broadcast %reduce_max3A_185 : i32 to vector<16xi32>
    %get3A_187 = arith.constant 32 : index
    %get3A_188 = tpu.vector_load %arg11[%get3A_187] {strides = array<i32>} : memref<64xi32, #tpu.memory_space<vmem>>, vector<16xi32>,
    %broadcast_in_dim3A_189 = arith.constant true
    %broadcast_in_dim3A_190 = vector.broadcast %broadcast_in_dim3A_189 : i1 to vector<16xi1>
    %masked_cummax3A_191 = arith.constant -2147483648 : i32
    %masked_cummax3A_192 = vector.broadcast %masked_cummax3A_191 : i32 to vector<16xi32>
    %masked_cummax3A_193 = arith.xori %get3A_188, %masked_cummax3A_192 : vector<16xi32>
    %masked_cummax3A_194 = tpu.scan <max>, %masked_cummax3A_193 masked %broadcast_in_dim3A_190 : vector<16xi32>, vector<16xi1> -> vector<16xi32>
    %masked_cummax3A_195 = arith.xori %masked_cummax3A_194, %masked_cummax3A_192 : vector<16xi32>
    %max3A_196 = arith.maxsi %masked_cummax3A_195, %broadcast_in_dim3A_186 : vector<16xi32>
    %ge3A_197 = arith.constant 1 : i32
    %ge3A_198 = vector.broadcast %ge3A_197 : i32 to vector<16xi32>
    %ge3A_199 = arith.cmpi sge, %max3A_196, %ge3A_198 : vector<16xi32>
    %sub3A_200 = arith.constant 1 : i32
    %sub3A_201 = vector.broadcast %sub3A_200 : i32 to vector<16xi32>
    %sub3A_202 = arith.subi %max3A_196, %sub3A_201 : vector<16xi32>
    %jit3A_203 = arith.constant 4096 : i32
    %broadcast_in_dim3A_204 = vector.broadcast %jit3A_203 : i32 to vector<16xi32>
    %select_n3A_205 = arith.select %ge3A_199, %sub3A_202, %broadcast_in_dim3A_204 : vector<16xi1>, vector<16xi32>
    %swap3A_206 = arith.constant 32 : index
    %swap3A_207 = tpu.vector_load %arg12[%swap3A_206] {strides = array<i32>} : memref<64xi32, #tpu.memory_space<vmem>>, vector<16xi32>,
    tpu.vector_store %arg12[%swap3A_206], %select_n3A_205 {strides = array<i32>} : memref<64xi32, #tpu.memory_space<vmem>>, vector<16xi32>,
    %ge3A_208 = arith.constant 1 : i32
    %ge3A_209 = vector.broadcast %ge3A_208 : i32 to vector<16xi32>
    %ge3A_210 = arith.cmpi sge, %max3A_196, %ge3A_209 : vector<16xi32>
    %sub3A_211 = arith.constant 1 : i32
    %sub3A_212 = vector.broadcast %sub3A_211 : i32 to vector<16xi32>
    %sub3A_213 = arith.subi %max3A_196, %sub3A_212 : vector<16xi32>
    %shift_right_arithmetic3A_214 = arith.constant 4 : i32
    %shift_right_arithmetic3A_215 = vector.broadcast %shift_right_arithmetic3A_214 : i32 to vector<16xi32>
    %shift_right_arithmetic3A_216 = arith.shrsi %sub3A_213, %shift_right_arithmetic3A_215 : vector<16xi32>
    %jit3A_217 = arith.constant 256 : i32
    %broadcast_in_dim3A_218 = vector.broadcast %jit3A_217 : i32 to vector<16xi32>
    %select_n3A_219 = arith.select %ge3A_210, %shift_right_arithmetic3A_216, %broadcast_in_dim3A_218 : vector<16xi1>, vector<16xi32>
    %swap3A_220 = arith.constant 32 : index
    %swap3A_221 = tpu.vector_load %arg13[%swap3A_220] {strides = array<i32>} : memref<64xi32, #tpu.memory_space<vmem>>, vector<16xi32>,
    tpu.vector_store %arg13[%swap3A_220], %select_n3A_219 {strides = array<i32>} : memref<64xi32, #tpu.memory_space<vmem>>, vector<16xi32>,
    %reduce_max3A_222 = arith.constant true
    %reduce_max3A_223 = vector.broadcast %reduce_max3A_222 : i1 to vector<16xi1>
    %reduce_max3A_224 = arith.constant -2147483648 : i32
    %reduce_max3A_225 = vector.broadcast %reduce_max3A_224 : i32 to vector<16xi32>
    %reduce_max3A_226 = arith.xori %max3A_196, %reduce_max3A_225 : vector<16xi32>
    %reduce_max3A_227 = tpu.scan <max>, %reduce_max3A_226 masked %reduce_max3A_223 : vector<16xi32>, vector<16xi1> -> vector<16xi32>
    %reduce_max3A_228 = arith.xori %reduce_max3A_227, %reduce_max3A_225 : vector<16xi32>
    %reduce_max3A_229 = vector.extract %reduce_max3A_228[15] : i32 from vector<16xi32>
    %broadcast_in_dim3A_230 = vector.broadcast %reduce_max3A_229 : i32 to vector<16xi32>
    %get3A_231 = arith.constant 48 : index
    %get3A_232 = tpu.vector_load %arg11[%get3A_231] {strides = array<i32>} : memref<64xi32, #tpu.memory_space<vmem>>, vector<16xi32>,
    %broadcast_in_dim3A_233 = arith.constant true
    %broadcast_in_dim3A_234 = vector.broadcast %broadcast_in_dim3A_233 : i1 to vector<16xi1>
    %masked_cummax3A_235 = arith.constant -2147483648 : i32
    %masked_cummax3A_236 = vector.broadcast %masked_cummax3A_235 : i32 to vector<16xi32>
    %masked_cummax3A_237 = arith.xori %get3A_232, %masked_cummax3A_236 : vector<16xi32>
    %masked_cummax3A_238 = tpu.scan <max>, %masked_cummax3A_237 masked %broadcast_in_dim3A_234 : vector<16xi32>, vector<16xi1> -> vector<16xi32>
    %masked_cummax3A_239 = arith.xori %masked_cummax3A_238, %masked_cummax3A_236 : vector<16xi32>
    %max3A_240 = arith.maxsi %masked_cummax3A_239, %broadcast_in_dim3A_230 : vector<16xi32>
    %ge3A_241 = arith.constant 1 : i32
    %ge3A_242 = vector.broadcast %ge3A_241 : i32 to vector<16xi32>
    %ge3A_243 = arith.cmpi sge, %max3A_240, %ge3A_242 : vector<16xi32>
    %sub3A_244 = arith.constant 1 : i32
    %sub3A_245 = vector.broadcast %sub3A_244 : i32 to vector<16xi32>
    %sub3A_246 = arith.subi %max3A_240, %sub3A_245 : vector<16xi32>
    %jit3A_247 = arith.constant 4096 : i32
    %broadcast_in_dim3A_248 = vector.broadcast %jit3A_247 : i32 to vector<16xi32>
    %select_n3A_249 = arith.select %ge3A_243, %sub3A_246, %broadcast_in_dim3A_248 : vector<16xi1>, vector<16xi32>
    %swap3A_250 = arith.constant 48 : index
    %swap3A_251 = tpu.vector_load %arg12[%swap3A_250] {strides = array<i32>} : memref<64xi32, #tpu.memory_space<vmem>>, vector<16xi32>,
    tpu.vector_store %arg12[%swap3A_250], %select_n3A_249 {strides = array<i32>} : memref<64xi32, #tpu.memory_space<vmem>>, vector<16xi32>,
    %ge3A_252 = arith.constant 1 : i32
    %ge3A_253 = vector.broadcast %ge3A_252 : i32 to vector<16xi32>
    %ge3A_254 = arith.cmpi sge, %max3A_240, %ge3A_253 : vector<16xi32>
    %sub3A_255 = arith.constant 1 : i32
    %sub3A_256 = vector.broadcast %sub3A_255 : i32 to vector<16xi32>
    %sub3A_257 = arith.subi %max3A_240, %sub3A_256 : vector<16xi32>
    %shift_right_arithmetic3A_258 = arith.constant 4 : i32
    %shift_right_arithmetic3A_259 = vector.broadcast %shift_right_arithmetic3A_258 : i32 to vector<16xi32>
    %shift_right_arithmetic3A_260 = arith.shrsi %sub3A_257, %shift_right_arithmetic3A_259 : vector<16xi32>
    %jit3A_261 = arith.constant 256 : i32
    %broadcast_in_dim3A_262 = vector.broadcast %jit3A_261 : i32 to vector<16xi32>
    %select_n3A_263 = arith.select %ge3A_254, %shift_right_arithmetic3A_260, %broadcast_in_dim3A_262 : vector<16xi1>, vector<16xi32>
    %swap3A_264 = arith.constant 48 : index
    %swap3A_265 = tpu.vector_load %arg13[%swap3A_264] {strides = array<i32>} : memref<64xi32, #tpu.memory_space<vmem>>, vector<16xi32>,
    tpu.vector_store %arg13[%swap3A_264], %select_n3A_263 {strides = array<i32>} : memref<64xi32, #tpu.memory_space<vmem>>, vector<16xi32>,
    %reduce_max3A_266 = arith.constant true
    %reduce_max3A_267 = vector.broadcast %reduce_max3A_266 : i1 to vector<16xi1>
    %reduce_max3A_268 = arith.constant -2147483648 : i32
    %reduce_max3A_269 = vector.broadcast %reduce_max3A_268 : i32 to vector<16xi32>
    %reduce_max3A_270 = arith.xori %max3A_240, %reduce_max3A_269 : vector<16xi32>
    %reduce_max3A_271 = tpu.scan <max>, %reduce_max3A_270 masked %reduce_max3A_267 : vector<16xi32>, vector<16xi1> -> vector<16xi32>
    %reduce_max3A_272 = arith.xori %reduce_max3A_271, %reduce_max3A_269 : vector<16xi32>
    %reduce_max3A_273 = vector.extract %reduce_max3A_272[15] : i32 from vector<16xi32>
    %broadcast_in_dim3A_274 = vector.broadcast %reduce_max3A_273 : i32 to vector<16xi32>
    %add3A_275 = arith.constant 0 : i32
    %add3A_276 = vector.broadcast %add3A_275 : i32 to vector<16xi32>
    %add3A_277 = arith.addi %iota3A, %add3A_276 : vector<16xi32>
    %mul3A_278 = arith.constant 16 : i32
    %mul3A_279 = vector.broadcast %mul3A_278 : i32 to vector<16xi32>
    %mul3A_280 = arith.muli %add3A_277, %mul3A_279 : vector<16xi32>
    %add3A_281 = arith.constant 15 : i32
    %add3A_282 = vector.broadcast %add3A_281 : i32 to vector<16xi32>
    %add3A_283 = arith.addi %mul3A_280, %add3A_282 : vector<16xi32>
    %swap3A_284 = arith.constant 0 : index
    %swap3A_285 = tpu.vector_load %arg15[%swap3A_284] {strides = array<i32>} : memref<256xi32, #tpu.memory_space<vmem>>, vector<16xi32>,
    tpu.vector_store %arg15[%swap3A_284], %add3A_283 {strides = array<i32>} : memref<256xi32, #tpu.memory_space<vmem>>, vector<16xi32>,
    %add3A_286 = arith.constant 16 : i32
    %add3A_287 = vector.broadcast %add3A_286 : i32 to vector<16xi32>
    %add3A_288 = arith.addi %iota3A, %add3A_287 : vector<16xi32>
    %mul3A_289 = arith.constant 16 : i32
    %mul3A_290 = vector.broadcast %mul3A_289 : i32 to vector<16xi32>
    %mul3A_291 = arith.muli %add3A_288, %mul3A_290 : vector<16xi32>
    %add3A_292 = arith.constant 15 : i32
    %add3A_293 = vector.broadcast %add3A_292 : i32 to vector<16xi32>
    %add3A_294 = arith.addi %mul3A_291, %add3A_293 : vector<16xi32>
    %swap3A_295 = arith.constant 16 : index
    %swap3A_296 = tpu.vector_load %arg15[%swap3A_295] {strides = array<i32>} : memref<256xi32, #tpu.memory_space<vmem>>, vector<16xi32>,
    tpu.vector_store %arg15[%swap3A_295], %add3A_294 {strides = array<i32>} : memref<256xi32, #tpu.memory_space<vmem>>, vector<16xi32>,
    %add3A_297 = arith.constant 32 : i32
    %add3A_298 = vector.broadcast %add3A_297 : i32 to vector<16xi32>
    %add3A_299 = arith.addi %iota3A, %add3A_298 : vector<16xi32>
    %mul3A_300 = arith.constant 16 : i32
    %mul3A_301 = vector.broadcast %mul3A_300 : i32 to vector<16xi32>
    %mul3A_302 = arith.muli %add3A_299, %mul3A_301 : vector<16xi32>
    %add3A_303 = arith.constant 15 : i32
    %add3A_304 = vector.broadcast %add3A_303 : i32 to vector<16xi32>
    %add3A_305 = arith.addi %mul3A_302, %add3A_304 : vector<16xi32>
    %swap3A_306 = arith.constant 32 : index
    %swap3A_307 = tpu.vector_load %arg15[%swap3A_306] {strides = array<i32>} : memref<256xi32, #tpu.memory_space<vmem>>, vector<16xi32>,
    tpu.vector_store %arg15[%swap3A_306], %add3A_305 {strides = array<i32>} : memref<256xi32, #tpu.memory_space<vmem>>, vector<16xi32>,
    %add3A_308 = arith.constant 48 : i32
    %add3A_309 = vector.broadcast %add3A_308 : i32 to vector<16xi32>
    %add3A_310 = arith.addi %iota3A, %add3A_309 : vector<16xi32>
    %mul3A_311 = arith.constant 16 : i32
    %mul3A_312 = vector.broadcast %mul3A_311 : i32 to vector<16xi32>
    %mul3A_313 = arith.muli %add3A_310, %mul3A_312 : vector<16xi32>
    %add3A_314 = arith.constant 15 : i32
    %add3A_315 = vector.broadcast %add3A_314 : i32 to vector<16xi32>
    %add3A_316 = arith.addi %mul3A_313, %add3A_315 : vector<16xi32>
    %swap3A_317 = arith.constant 48 : index
    %swap3A_318 = tpu.vector_load %arg15[%swap3A_317] {strides = array<i32>} : memref<256xi32, #tpu.memory_space<vmem>>, vector<16xi32>,
    tpu.vector_store %arg15[%swap3A_317], %add3A_316 {strides = array<i32>} : memref<256xi32, #tpu.memory_space<vmem>>, vector<16xi32>,
    %add3A_319 = arith.constant 64 : i32
    %add3A_320 = vector.broadcast %add3A_319 : i32 to vector<16xi32>
    %add3A_321 = arith.addi %iota3A, %add3A_320 : vector<16xi32>
    %mul3A_322 = arith.constant 16 : i32
    %mul3A_323 = vector.broadcast %mul3A_322 : i32 to vector<16xi32>
    %mul3A_324 = arith.muli %add3A_321, %mul3A_323 : vector<16xi32>
    %add3A_325 = arith.constant 15 : i32
    %add3A_326 = vector.broadcast %add3A_325 : i32 to vector<16xi32>
    %add3A_327 = arith.addi %mul3A_324, %add3A_326 : vector<16xi32>
    %swap3A_328 = arith.constant 64 : index
    %swap3A_329 = tpu.vector_load %arg15[%swap3A_328] {strides = array<i32>} : memref<256xi32, #tpu.memory_space<vmem>>, vector<16xi32>,
    tpu.vector_store %arg15[%swap3A_328], %add3A_327 {strides = array<i32>} : memref<256xi32, #tpu.memory_space<vmem>>, vector<16xi32>,
    %add3A_330 = arith.constant 80 : i32
    %add3A_331 = vector.broadcast %add3A_330 : i32 to vector<16xi32>
    %add3A_332 = arith.addi %iota3A, %add3A_331 : vector<16xi32>
    %mul3A_333 = arith.constant 16 : i32
    %mul3A_334 = vector.broadcast %mul3A_333 : i32 to vector<16xi32>
    %mul3A_335 = arith.muli %add3A_332, %mul3A_334 : vector<16xi32>
    %add3A_336 = arith.constant 15 : i32
    %add3A_337 = vector.broadcast %add3A_336 : i32 to vector<16xi32>
    %add3A_338 = arith.addi %mul3A_335, %add3A_337 : vector<16xi32>
    %swap3A_339 = arith.constant 80 : index
    %swap3A_340 = tpu.vector_load %arg15[%swap3A_339] {strides = array<i32>} : memref<256xi32, #tpu.memory_space<vmem>>, vector<16xi32>,
    tpu.vector_store %arg15[%swap3A_339], %add3A_338 {strides = array<i32>} : memref<256xi32, #tpu.memory_space<vmem>>, vector<16xi32>,
    %add3A_341 = arith.constant 96 : i32
    %add3A_342 = vector.broadcast %add3A_341 : i32 to vector<16xi32>
    %add3A_343 = arith.addi %iota3A, %add3A_342 : vector<16xi32>
    %mul3A_344 = arith.constant 16 : i32
    %mul3A_345 = vector.broadcast %mul3A_344 : i32 to vector<16xi32>
    %mul3A_346 = arith.muli %add3A_343, %mul3A_345 : vector<16xi32>
    %add3A_347 = arith.constant 15 : i32
    %add3A_348 = vector.broadcast %add3A_347 : i32 to vector<16xi32>
    %add3A_349 = arith.addi %mul3A_346, %add3A_348 : vector<16xi32>
    %swap3A_350 = arith.constant 96 : index
    %swap3A_351 = tpu.vector_load %arg15[%swap3A_350] {strides = array<i32>} : memref<256xi32, #tpu.memory_space<vmem>>, vector<16xi32>,
    tpu.vector_store %arg15[%swap3A_350], %add3A_349 {strides = array<i32>} : memref<256xi32, #tpu.memory_space<vmem>>, vector<16xi32>,
    %add3A_352 = arith.constant 112 : i32
    %add3A_353 = vector.broadcast %add3A_352 : i32 to vector<16xi32>
    %add3A_354 = arith.addi %iota3A, %add3A_353 : vector<16xi32>
    %mul3A_355 = arith.constant 16 : i32
    %mul3A_356 = vector.broadcast %mul3A_355 : i32 to vector<16xi32>
    %mul3A_357 = arith.muli %add3A_354, %mul3A_356 : vector<16xi32>
    %add3A_358 = arith.constant 15 : i32
    %add3A_359 = vector.broadcast %add3A_358 : i32 to vector<16xi32>
    %add3A_360 = arith.addi %mul3A_357, %add3A_359 : vector<16xi32>
    %swap3A_361 = arith.constant 112 : index
    %swap3A_362 = tpu.vector_load %arg15[%swap3A_361] {strides = array<i32>} : memref<256xi32, #tpu.memory_space<vmem>>, vector<16xi32>,
    tpu.vector_store %arg15[%swap3A_361], %add3A_360 {strides = array<i32>} : memref<256xi32, #tpu.memory_space<vmem>>, vector<16xi32>,
    %add3A_363 = arith.constant 128 : i32
    %add3A_364 = vector.broadcast %add3A_363 : i32 to vector<16xi32>
    %add3A_365 = arith.addi %iota3A, %add3A_364 : vector<16xi32>
    %mul3A_366 = arith.constant 16 : i32
    %mul3A_367 = vector.broadcast %mul3A_366 : i32 to vector<16xi32>
    %mul3A_368 = arith.muli %add3A_365, %mul3A_367 : vector<16xi32>
    %add3A_369 = arith.constant 15 : i32
    %add3A_370 = vector.broadcast %add3A_369 : i32 to vector<16xi32>
    %add3A_371 = arith.addi %mul3A_368, %add3A_370 : vector<16xi32>
    %swap3A_372 = arith.constant 128 : index
    %swap3A_373 = tpu.vector_load %arg15[%swap3A_372] {strides = array<i32>} : memref<256xi32, #tpu.memory_space<vmem>>, vector<16xi32>,
    tpu.vector_store %arg15[%swap3A_372], %add3A_371 {strides = array<i32>} : memref<256xi32, #tpu.memory_space<vmem>>, vector<16xi32>,
    %add3A_374 = arith.constant 144 : i32
    %add3A_375 = vector.broadcast %add3A_374 : i32 to vector<16xi32>
    %add3A_376 = arith.addi %iota3A, %add3A_375 : vector<16xi32>
    %mul3A_377 = arith.constant 16 : i32
    %mul3A_378 = vector.broadcast %mul3A_377 : i32 to vector<16xi32>
    %mul3A_379 = arith.muli %add3A_376, %mul3A_378 : vector<16xi32>
    %add3A_380 = arith.constant 15 : i32
    %add3A_381 = vector.broadcast %add3A_380 : i32 to vector<16xi32>
    %add3A_382 = arith.addi %mul3A_379, %add3A_381 : vector<16xi32>
    %swap3A_383 = arith.constant 144 : index
    %swap3A_384 = tpu.vector_load %arg15[%swap3A_383] {strides = array<i32>} : memref<256xi32, #tpu.memory_space<vmem>>, vector<16xi32>,
    tpu.vector_store %arg15[%swap3A_383], %add3A_382 {strides = array<i32>} : memref<256xi32, #tpu.memory_space<vmem>>, vector<16xi32>,
    %add3A_385 = arith.constant 160 : i32
    %add3A_386 = vector.broadcast %add3A_385 : i32 to vector<16xi32>
    %add3A_387 = arith.addi %iota3A, %add3A_386 : vector<16xi32>
    %mul3A_388 = arith.constant 16 : i32
    %mul3A_389 = vector.broadcast %mul3A_388 : i32 to vector<16xi32>
    %mul3A_390 = arith.muli %add3A_387, %mul3A_389 : vector<16xi32>
    %add3A_391 = arith.constant 15 : i32
    %add3A_392 = vector.broadcast %add3A_391 : i32 to vector<16xi32>
    %add3A_393 = arith.addi %mul3A_390, %add3A_392 : vector<16xi32>
    %swap3A_394 = arith.constant 160 : index
    %swap3A_395 = tpu.vector_load %arg15[%swap3A_394] {strides = array<i32>} : memref<256xi32, #tpu.memory_space<vmem>>, vector<16xi32>,
    tpu.vector_store %arg15[%swap3A_394], %add3A_393 {strides = array<i32>} : memref<256xi32, #tpu.memory_space<vmem>>, vector<16xi32>,
    %add3A_396 = arith.constant 176 : i32
    %add3A_397 = vector.broadcast %add3A_396 : i32 to vector<16xi32>
    %add3A_398 = arith.addi %iota3A, %add3A_397 : vector<16xi32>
    %mul3A_399 = arith.constant 16 : i32
    %mul3A_400 = vector.broadcast %mul3A_399 : i32 to vector<16xi32>
    %mul3A_401 = arith.muli %add3A_398, %mul3A_400 : vector<16xi32>
    %add3A_402 = arith.constant 15 : i32
    %add3A_403 = vector.broadcast %add3A_402 : i32 to vector<16xi32>
    %add3A_404 = arith.addi %mul3A_401, %add3A_403 : vector<16xi32>
    %swap3A_405 = arith.constant 176 : index
    %swap3A_406 = tpu.vector_load %arg15[%swap3A_405] {strides = array<i32>} : memref<256xi32, #tpu.memory_space<vmem>>, vector<16xi32>,
    tpu.vector_store %arg15[%swap3A_405], %add3A_404 {strides = array<i32>} : memref<256xi32, #tpu.memory_space<vmem>>, vector<16xi32>,
    %add3A_407 = arith.constant 192 : i32
    %add3A_408 = vector.broadcast %add3A_407 : i32 to vector<16xi32>
    %add3A_409 = arith.addi %iota3A, %add3A_408 : vector<16xi32>
    %mul3A_410 = arith.constant 16 : i32
    %mul3A_411 = vector.broadcast %mul3A_410 : i32 to vector<16xi32>
    %mul3A_412 = arith.muli %add3A_409, %mul3A_411 : vector<16xi32>
    %add3A_413 = arith.constant 15 : i32
    %add3A_414 = vector.broadcast %add3A_413 : i32 to vector<16xi32>
    %add3A_415 = arith.addi %mul3A_412, %add3A_414 : vector<16xi32>
    %swap3A_416 = arith.constant 192 : index
    %swap3A_417 = tpu.vector_load %arg15[%swap3A_416] {strides = array<i32>} : memref<256xi32, #tpu.memory_space<vmem>>, vector<16xi32>,
    tpu.vector_store %arg15[%swap3A_416], %add3A_415 {strides = array<i32>} : memref<256xi32, #tpu.memory_space<vmem>>, vector<16xi32>,
    %add3A_418 = arith.constant 208 : i32
    %add3A_419 = vector.broadcast %add3A_418 : i32 to vector<16xi32>
    %add3A_420 = arith.addi %iota3A, %add3A_419 : vector<16xi32>
    %mul3A_421 = arith.constant 16 : i32
    %mul3A_422 = vector.broadcast %mul3A_421 : i32 to vector<16xi32>
    %mul3A_423 = arith.muli %add3A_420, %mul3A_422 : vector<16xi32>
    %add3A_424 = arith.constant 15 : i32
    %add3A_425 = vector.broadcast %add3A_424 : i32 to vector<16xi32>
    %add3A_426 = arith.addi %mul3A_423, %add3A_425 : vector<16xi32>
    %swap3A_427 = arith.constant 208 : index
    %swap3A_428 = tpu.vector_load %arg15[%swap3A_427] {strides = array<i32>} : memref<256xi32, #tpu.memory_space<vmem>>, vector<16xi32>,
    tpu.vector_store %arg15[%swap3A_427], %add3A_426 {strides = array<i32>} : memref<256xi32, #tpu.memory_space<vmem>>, vector<16xi32>,
    %add3A_429 = arith.constant 224 : i32
    %add3A_430 = vector.broadcast %add3A_429 : i32 to vector<16xi32>
    %add3A_431 = arith.addi %iota3A, %add3A_430 : vector<16xi32>
    %mul3A_432 = arith.constant 16 : i32
    %mul3A_433 = vector.broadcast %mul3A_432 : i32 to vector<16xi32>
    %mul3A_434 = arith.muli %add3A_431, %mul3A_433 : vector<16xi32>
    %add3A_435 = arith.constant 15 : i32
    %add3A_436 = vector.broadcast %add3A_435 : i32 to vector<16xi32>
    %add3A_437 = arith.addi %mul3A_434, %add3A_436 : vector<16xi32>
    %swap3A_438 = arith.constant 224 : index
    %swap3A_439 = tpu.vector_load %arg15[%swap3A_438] {strides = array<i32>} : memref<256xi32, #tpu.memory_space<vmem>>, vector<16xi32>,
    tpu.vector_store %arg15[%swap3A_438], %add3A_437 {strides = array<i32>} : memref<256xi32, #tpu.memory_space<vmem>>, vector<16xi32>,
    %add3A_440 = arith.constant 240 : i32
    %add3A_441 = vector.broadcast %add3A_440 : i32 to vector<16xi32>
    %add3A_442 = arith.addi %iota3A, %add3A_441 : vector<16xi32>
    %mul3A_443 = arith.constant 16 : i32
    %mul3A_444 = vector.broadcast %mul3A_443 : i32 to vector<16xi32>
    %mul3A_445 = arith.muli %add3A_442, %mul3A_444 : vector<16xi32>
    %add3A_446 = arith.constant 15 : i32
    %add3A_447 = vector.broadcast %add3A_446 : i32 to vector<16xi32>
    %add3A_448 = arith.addi %mul3A_445, %add3A_447 : vector<16xi32>
    %swap3A_449 = arith.constant 240 : index
    %swap3A_450 = tpu.vector_load %arg15[%swap3A_449] {strides = array<i32>} : memref<256xi32, #tpu.memory_space<vmem>>, vector<16xi32>,
    tpu.vector_store %arg15[%swap3A_449], %add3A_448 {strides = array<i32>} : memref<256xi32, #tpu.memory_space<vmem>>, vector<16xi32>,
    %parallel_loop3A_451 = arith.constant 0 : i32
    %parallel_loop3A_452 = arith.constant 128 : i32
    %parallel_loop3A_453 = arith.constant 1 : i32
    scf.for %parallel_loop3A_520 = %parallel_loop3A_451 to %parallel_loop3A_452 step %parallel_loop3A_453  : i32 {
      %parallel_loop3A_521 = arith.constant 16 : i32
      %parallel_loop3A_522 = arith.muli %parallel_loop3A_520, %parallel_loop3A_521 : i32
      %parallel_loop3A_523 = vector.broadcast %parallel_loop3A_522 : i32 to vector<16xi32>
      %parallel_loop3A_524 = arith.addi %iota3A, %parallel_loop3A_523 : vector<16xi32>
      %parallel_loop3A_525 = arith.constant 63 : i32
      %parallel_loop3A_526 = vector.broadcast %parallel_loop3A_525 : i32 to vector<16xi32>
      %parallel_loop3A_527 = arith.andi %parallel_loop3A_524, %parallel_loop3A_526 : vector<16xi32>
      %parallel_loop3A_528 = arith.constant 1 : i32
      %parallel_loop3A_529 = vector.broadcast %parallel_loop3A_528 : i32 to vector<16xi32>
      %parallel_loop3A_530 = arith.cmpi sge, %parallel_loop3A_527, %parallel_loop3A_529 : vector<16xi32>
      %parallel_loop3A_531 = arith.constant 1 : i32
      %parallel_loop3A_532 = vector.broadcast %parallel_loop3A_531 : i32 to vector<16xi32>
      %parallel_loop3A_533 = arith.subi %parallel_loop3A_524, %parallel_loop3A_532 : vector<16xi32>
      %parallel_loop3A_534 = arith.constant 2048 : i32
      %parallel_loop3A_535 = vector.broadcast %parallel_loop3A_534 : i32 to vector<16xi32>
      %parallel_loop3A_536 = arith.select %parallel_loop3A_530, %parallel_loop3A_533, %parallel_loop3A_535 : vector<16xi1>, vector<16xi32>
      %parallel_loop3A_537 = arith.constant 16 : i32
      %parallel_loop3A_538 = arith.muli %parallel_loop3A_520, %parallel_loop3A_537 : i32
      %parallel_loop3A_539 = arith.index_cast %parallel_loop3A_538 : i32 to index
      %parallel_loop3A_540 = tpu.vector_load %arg17[%parallel_loop3A_539] {strides = array<i32>} : memref<2048xi32, #tpu.memory_space<vmem>>, vector<16xi32>,
      tpu.vector_store %arg17[%parallel_loop3A_539], %parallel_loop3A_536 {strides = array<i32>} : memref<2048xi32, #tpu.memory_space<vmem>>, vector<16xi32>,
    } {sc.loop_unroll_factor = 4 : i64, sc.parallel_access}
    %get3A_454 = arith.constant 0 : index
    %get3A_455 = tpu.vector_load %arg12[%get3A_454] {strides = array<i32>} : memref<64xi32, #tpu.memory_space<vmem>>, vector<16xi32>,
    %get3A_456 = arith.constant 16 : index
    %get3A_457 = tpu.vector_load %arg12[%get3A_456] {strides = array<i32>} : memref<64xi32, #tpu.memory_space<vmem>>, vector<16xi32>,
    %get3A_458 = arith.constant 32 : index
    %get3A_459 = tpu.vector_load %arg12[%get3A_458] {strides = array<i32>} : memref<64xi32, #tpu.memory_space<vmem>>, vector<16xi32>,
    %get3A_460 = arith.constant 48 : index
    %get3A_461 = tpu.vector_load %arg12[%get3A_460] {strides = array<i32>} : memref<64xi32, #tpu.memory_space<vmem>>, vector<16xi32>,
    %get3A_462 = arith.constant 0 : index
    %get3A_463 = tpu.vector_load %arg13[%get3A_462] {strides = array<i32>} : memref<64xi32, #tpu.memory_space<vmem>>, vector<16xi32>,
    %get3A_464 = arith.constant 16 : index
    %get3A_465 = tpu.vector_load %arg13[%get3A_464] {strides = array<i32>} : memref<64xi32, #tpu.memory_space<vmem>>, vector<16xi32>,
    %get3A_466 = arith.constant 32 : index
    %get3A_467 = tpu.vector_load %arg13[%get3A_466] {strides = array<i32>} : memref<64xi32, #tpu.memory_space<vmem>>, vector<16xi32>,
    %get3A_468 = arith.constant 48 : index
    %get3A_469 = tpu.vector_load %arg13[%get3A_468] {strides = array<i32>} : memref<64xi32, #tpu.memory_space<vmem>>, vector<16xi32>,
    %add3A_470 = arith.constant 32768 : i32
    %add3A_471 = arith.addi %mul3A_37, %add3A_470 : i32
    %dma_start3A_472 = tpu.memref_slice %arg2[%add3A_471] : memref<4194304xf32, #tpu.memory_space<hbm>> -> memref<32768xf32, #tpu.memory_space<hbm>>
    %dma_start3A_473 = tpu.memref_slice %arg2[%add3A_471] : memref<4194304xf32, #tpu.memory_space<hbm>> -> memref<32768xf32, #tpu.memory_space<hbm>>
    tpu.enqueue_dma source(%dma_start3A_473 : memref<32768xf32, #tpu.memory_space<hbm>>) target(%arg8 : memref<32768xf32, #tpu.memory_space<vmem>>) target_semaphore(%arg20 : memref<!tpu.dma_semaphore, #tpu.memory_space<semaphore_mem>>)
    %dma_wait3A = tpu.memref_slice %arg2[%mul3A_37] : memref<4194304xf32, #tpu.memory_space<hbm>> -> memref<32768xf32, #tpu.memory_space<hbm>>
    %dma_wait3A_474 = tpu.memref_slice %arg2[%mul3A_37] : memref<4194304xf32, #tpu.memory_space<hbm>> -> memref<32768xf32, #tpu.memory_space<hbm>>
    tpu.wait_dma2 semaphore(%arg19 : memref<!tpu.dma_semaphore, #tpu.memory_space<semaphore_mem>>) src(%dma_wait3A_474 : memref<32768xf32, #tpu.memory_space<hbm>>) dst(%arg7 : memref<32768xf32, #tpu.memory_space<vmem>>)
    %scan3A = arith.constant 0 : i32
    %scan3A_475 = arith.constant 0 : i32
    %scan3A_476 = arith.constant 8 : i32
    %scan3A_477 = arith.addi %scan3A_475, %scan3A_476 : i32
    %scan3A_478 = arith.constant 1 : i32
    scf.for %scan3A_520 = %scan3A_475 to %scan3A_477 step %scan3A_478  : i32 {
      %mul3A_521 = arith.constant 4096 : i32
      %mul3A_522 = arith.muli %scan3A_520, %mul3A_521 : i32
      %parallel_loop3A_523 = arith.constant 0 : i32
      %parallel_loop3A_524 = arith.constant 256 : i32
      %parallel_loop3A_525 = arith.constant 1 : i32
      scf.for %parallel_loop3A_563 = %parallel_loop3A_523 to %parallel_loop3A_524 step %parallel_loop3A_525  : i32 {
        %parallel_loop3A_564 = arith.constant 16 : i32
        %parallel_loop3A_565 = arith.muli %parallel_loop3A_563, %parallel_loop3A_564 : i32
        %parallel_loop3A_566 = arith.addi %mul3A_522, %parallel_loop3A_565 : i32
        %parallel_loop3A_567 = arith.index_cast %parallel_loop3A_566 : i32 to index
        %parallel_loop3A_568 = tpu.vector_load %arg7[%parallel_loop3A_567] {strides = array<i32>} : memref<32768xf32, #tpu.memory_space<vmem>>, vector<16xf32>,
        %parallel_loop3A_569 = arith.constant true
        %parallel_loop3A_570 = vector.broadcast %parallel_loop3A_569 : i1 to vector<16xi1>
        %parallel_loop3A_571 = tpu.scan <sum>, %parallel_loop3A_568 masked %parallel_loop3A_570 : vector<16xf32>, vector<16xi1> -> vector<16xf32>
        %parallel_loop3A_572 = arith.constant 16 : i32
        %parallel_loop3A_573 = arith.muli %parallel_loop3A_563, %parallel_loop3A_572 : i32
        %parallel_loop3A_574 = arith.index_cast %parallel_loop3A_573 : i32 to index
        %parallel_loop3A_575 = tpu.vector_load %arg9[%parallel_loop3A_574] {strides = array<i32>} : memref<4112xf32, #tpu.memory_space<vmem>>, vector<16xf32>,
        tpu.vector_store %arg9[%parallel_loop3A_574], %parallel_loop3A_571 {strides = array<i32>} : memref<4112xf32, #tpu.memory_space<vmem>>, vector<16xf32>,
      } {sc.loop_unroll_factor = 64 : i64, sc.parallel_access}
      %broadcast_in_dim3A_526 = arith.constant 0.000000e+00 : f32
      %broadcast_in_dim3A_527 = vector.broadcast %broadcast_in_dim3A_526 : f32 to vector<16xf32>
      %parallel_loop3A_528 = arith.constant 0 : i32
      %parallel_loop3A_529 = arith.constant 16 : i32
      %parallel_loop3A_530 = arith.constant 1 : i32
      %parallel_loop3A_531 = scf.for %parallel_loop3A_563 = %parallel_loop3A_528 to %parallel_loop3A_529 step %parallel_loop3A_530 iter_args(%parallel_loop3A_564 = %broadcast_in_dim3A_527) -> (vector<16xf32>)  : i32 {
        %parallel_loop3A_565 = arith.constant 16 : i32
        %parallel_loop3A_566 = arith.muli %parallel_loop3A_563, %parallel_loop3A_565 : i32
        %parallel_loop3A_567 = arith.index_cast %parallel_loop3A_566 : i32 to index
        %parallel_loop3A_568 = tpu.vector_load %arg15[%parallel_loop3A_567] {strides = array<i32>} : memref<256xi32, #tpu.memory_space<vmem>>, vector<16xi32>,
        %parallel_loop3A_569 = tpu.vector_load_idx %arg9[%parallel_loop3A_568] : memref<4112xf32, #tpu.memory_space<vmem>>[vector<16xi32>], vector<16xf32>,
        %parallel_loop3A_570 = arith.constant true
        %parallel_loop3A_571 = vector.broadcast %parallel_loop3A_570 : i1 to vector<16xi1>
        %parallel_loop3A_572 = tpu.scan <sum>, %parallel_loop3A_569 masked %parallel_loop3A_571 : vector<16xf32>, vector<16xi1> -> vector<16xf32>
        %parallel_loop3A_573 = arith.subf %parallel_loop3A_572, %parallel_loop3A_569 : vector<16xf32>
        %parallel_loop3A_574 = arith.addf %parallel_loop3A_573, %parallel_loop3A_564 : vector<16xf32>
        %parallel_loop3A_575 = arith.constant 16 : i32
        %parallel_loop3A_576 = arith.muli %parallel_loop3A_563, %parallel_loop3A_575 : i32
        %parallel_loop3A_577 = arith.index_cast %parallel_loop3A_576 : i32 to index
        %parallel_loop3A_578 = tpu.vector_load %arg10[%parallel_loop3A_577] {strides = array<i32>} : memref<272xf32, #tpu.memory_space<vmem>>, vector<16xf32>,
        tpu.vector_store %arg10[%parallel_loop3A_577], %parallel_loop3A_574 {strides = array<i32>} : memref<272xf32, #tpu.memory_space<vmem>>, vector<16xf32>,
        %parallel_loop3A_579 = arith.constant true
        %parallel_loop3A_580 = vector.broadcast %parallel_loop3A_579 : i1 to vector<16xi1>
        %parallel_loop3A_581 = tpu.scan <sum>, %parallel_loop3A_569 masked %parallel_loop3A_580 : vector<16xf32>, vector<16xi1> -> vector<16xf32>
        %parallel_loop3A_582 = vector.extract %parallel_loop3A_581[15] : f32 from vector<16xf32>
        %parallel_loop3A_583 = vector.broadcast %parallel_loop3A_582 : f32 to vector<16xf32>
        %parallel_loop3A_584 = arith.addf %parallel_loop3A_564, %parallel_loop3A_583 : vector<16xf32>
        scf.yield %parallel_loop3A_584 : vector<16xf32>
      } {sc.loop_unroll_factor = 16 : i64, sc.parallel_access}
      %add3A_532 = arith.constant 0 : i32
      %add3A_533 = arith.addi %add3A_532, %scan3A_520 : i32
      %mul3A_534 = arith.constant 64 : i32
      %mul3A_535 = arith.muli %add3A_533, %mul3A_534 : i32
      %gather3A = tpu.vector_load_idx %arg9[%get3A_455] : memref<4112xf32, #tpu.memory_space<vmem>>[vector<16xi32>], vector<16xf32>,
      %gather3A_536 = tpu.vector_load_idx %arg10[%get3A_463] : memref<272xf32, #tpu.memory_space<vmem>>[vector<16xi32>], vector<16xf32>,
      %add3A_537 = arith.addf %gather3A, %gather3A_536 : vector<16xf32>
      %add3A_538 = arith.constant 0 : i32
      %add3A_539 = arith.addi %mul3A_535, %add3A_538 : i32
      %swap3A_540 = arith.index_cast %add3A_539 : i32 to index
      %swap3A_541 = tpu.vector_load %arg16[%swap3A_540] {strides = array<i32>} : memref<2064xf32, #tpu.memory_space<vmem>>, vector<16xf32>,
      tpu.vector_store %arg16[%swap3A_540], %add3A_537 {strides = array<i32>} : memref<2064xf32, #tpu.memory_space<vmem>>, vector<16xf32>,
      %gather3A_542 = tpu.vector_load_idx %arg9[%get3A_457] : memref<4112xf32, #tpu.memory_space<vmem>>[vector<16xi32>], vector<16xf32>,
      %gather3A_543 = tpu.vector_load_idx %arg10[%get3A_465] : memref<272xf32, #tpu.memory_space<vmem>>[vector<16xi32>], vector<16xf32>,
      %add3A_544 = arith.addf %gather3A_542, %gather3A_543 : vector<16xf32>
      %add3A_545 = arith.constant 16 : i32
      %add3A_546 = arith.addi %mul3A_535, %add3A_545 : i32
      %swap3A_547 = arith.index_cast %add3A_546 : i32 to index
      %swap3A_548 = tpu.vector_load %arg16[%swap3A_547] {strides = array<i32>} : memref<2064xf32, #tpu.memory_space<vmem>>, vector<16xf32>,
      tpu.vector_store %arg16[%swap3A_547], %add3A_544 {strides = array<i32>} : memref<2064xf32, #tpu.memory_space<vmem>>, vector<16xf32>,
      %gather3A_549 = tpu.vector_load_idx %arg9[%get3A_459] : memref<4112xf32, #tpu.memory_space<vmem>>[vector<16xi32>], vector<16xf32>,
      %gather3A_550 = tpu.vector_load_idx %arg10[%get3A_467] : memref<272xf32, #tpu.memory_space<vmem>>[vector<16xi32>], vector<16xf32>,
      %add3A_551 = arith.addf %gather3A_549, %gather3A_550 : vector<16xf32>
      %add3A_552 = arith.constant 32 : i32
      %add3A_553 = arith.addi %mul3A_535, %add3A_552 : i32
      %swap3A_554 = arith.index_cast %add3A_553 : i32 to index
      %swap3A_555 = tpu.vector_load %arg16[%swap3A_554] {strides = array<i32>} : memref<2064xf32, #tpu.memory_space<vmem>>, vector<16xf32>,
      tpu.vector_store %arg16[%swap3A_554], %add3A_551 {strides = array<i32>} : memref<2064xf32, #tpu.memory_space<vmem>>, vector<16xf32>,
      %gather3A_556 = tpu.vector_load_idx %arg9[%get3A_461] : memref<4112xf32, #tpu.memory_space<vmem>>[vector<16xi32>], vector<16xf32>,
      %gather3A_557 = tpu.vector_load_idx %arg10[%get3A_469] : memref<272xf32, #tpu.memory_space<vmem>>[vector<16xi32>], vector<16xf32>,
      %add3A_558 = arith.addf %gather3A_556, %gather3A_557 : vector<16xf32>
      %add3A_559 = arith.constant 48 : i32
      %add3A_560 = arith.addi %mul3A_535, %add3A_559 : i32
      %swap3A_561 = arith.index_cast %add3A_560 : i32 to index
      %swap3A_562 = tpu.vector_load %arg16[%swap3A_561] {strides = array<i32>} : memref<2064xf32, #tpu.memory_space<vmem>>, vector<16xf32>,
      tpu.vector_store %arg16[%swap3A_561], %add3A_558 {strides = array<i32>} : memref<2064xf32, #tpu.memory_space<vmem>>, vector<16xf32>,
    }
    %scan3A_479 = arith.constant 8 : i32
    %add3A_480 = arith.constant 65536 : i32
    %add3A_481 = arith.addi %mul3A_37, %add3A_480 : i32
    %dma_start3A_482 = tpu.memref_slice %arg2[%add3A_481] : memref<4194304xf32, #tpu.memory_space<hbm>> -> memref<32768xf32, #tpu.memory_space<hbm>>
    %dma_start3A_483 = tpu.memref_slice %arg2[%add3A_481] : memref<4194304xf32, #tpu.memory_space<hbm>> -> memref<32768xf32, #tpu.memory_space<hbm>>
    tpu.enqueue_dma source(%dma_start3A_483 : memref<32768xf32, #tpu.memory_space<hbm>>) target(%arg7 : memref<32768xf32, #tpu.memory_space<vmem>>) target_semaphore(%arg19 : memref<!tpu.dma_semaphore, #tpu.memory_space<semaphore_mem>>)
    %dma_wait3A_484 = tpu.memref_slice %arg2[%add3A_471] : memref<4194304xf32, #tpu.memory_space<hbm>> -> memref<32768xf32, #tpu.memory_space<hbm>>
    %dma_wait3A_485 = tpu.memref_slice %arg2[%add3A_471] : memref<4194304xf32, #tpu.memory_space<hbm>> -> memref<32768xf32, #tpu.memory_space<hbm>>
    tpu.wait_dma2 semaphore(%arg20 : memref<!tpu.dma_semaphore, #tpu.memory_space<semaphore_mem>>) src(%dma_wait3A_485 : memref<32768xf32, #tpu.memory_space<hbm>>) dst(%arg8 : memref<32768xf32, #tpu.memory_space<vmem>>)
    %scan3A_486 = arith.constant 0 : i32
    %scan3A_487 = arith.constant 0 : i32
    %scan3A_488 = arith.constant 8 : i32
    %scan3A_489 = arith.addi %scan3A_487, %scan3A_488 : i32
    %scan3A_490 = arith.constant 1 : i32
    scf.for %scan3A_520 = %scan3A_487 to %scan3A_489 step %scan3A_490  : i32 {
      %mul3A_521 = arith.constant 4096 : i32
      %mul3A_522 = arith.muli %scan3A_520, %mul3A_521 : i32
      %parallel_loop3A_523 = arith.constant 0 : i32
      %parallel_loop3A_524 = arith.constant 256 : i32
      %parallel_loop3A_525 = arith.constant 1 : i32
      scf.for %parallel_loop3A_563 = %parallel_loop3A_523 to %parallel_loop3A_524 step %parallel_loop3A_525  : i32 {
        %parallel_loop3A_564 = arith.constant 16 : i32
        %parallel_loop3A_565 = arith.muli %parallel_loop3A_563, %parallel_loop3A_564 : i32
        %parallel_loop3A_566 = arith.addi %mul3A_522, %parallel_loop3A_565 : i32
        %parallel_loop3A_567 = arith.index_cast %parallel_loop3A_566 : i32 to index
        %parallel_loop3A_568 = tpu.vector_load %arg8[%parallel_loop3A_567] {strides = array<i32>} : memref<32768xf32, #tpu.memory_space<vmem>>, vector<16xf32>,
        %parallel_loop3A_569 = arith.constant true
        %parallel_loop3A_570 = vector.broadcast %parallel_loop3A_569 : i1 to vector<16xi1>
        %parallel_loop3A_571 = tpu.scan <sum>, %parallel_loop3A_568 masked %parallel_loop3A_570 : vector<16xf32>, vector<16xi1> -> vector<16xf32>
        %parallel_loop3A_572 = arith.constant 16 : i32
        %parallel_loop3A_573 = arith.muli %parallel_loop3A_563, %parallel_loop3A_572 : i32
        %parallel_loop3A_574 = arith.index_cast %parallel_loop3A_573 : i32 to index
        %parallel_loop3A_575 = tpu.vector_load %arg9[%parallel_loop3A_574] {strides = array<i32>} : memref<4112xf32, #tpu.memory_space<vmem>>, vector<16xf32>,
        tpu.vector_store %arg9[%parallel_loop3A_574], %parallel_loop3A_571 {strides = array<i32>} : memref<4112xf32, #tpu.memory_space<vmem>>, vector<16xf32>,
      } {sc.loop_unroll_factor = 64 : i64, sc.parallel_access}
      %broadcast_in_dim3A_526 = arith.constant 0.000000e+00 : f32
      %broadcast_in_dim3A_527 = vector.broadcast %broadcast_in_dim3A_526 : f32 to vector<16xf32>
      %parallel_loop3A_528 = arith.constant 0 : i32
      %parallel_loop3A_529 = arith.constant 16 : i32
      %parallel_loop3A_530 = arith.constant 1 : i32
      %parallel_loop3A_531 = scf.for %parallel_loop3A_563 = %parallel_loop3A_528 to %parallel_loop3A_529 step %parallel_loop3A_530 iter_args(%parallel_loop3A_564 = %broadcast_in_dim3A_527) -> (vector<16xf32>)  : i32 {
        %parallel_loop3A_565 = arith.constant 16 : i32
        %parallel_loop3A_566 = arith.muli %parallel_loop3A_563, %parallel_loop3A_565 : i32
        %parallel_loop3A_567 = arith.index_cast %parallel_loop3A_566 : i32 to index
        %parallel_loop3A_568 = tpu.vector_load %arg15[%parallel_loop3A_567] {strides = array<i32>} : memref<256xi32, #tpu.memory_space<vmem>>, vector<16xi32>,
        %parallel_loop3A_569 = tpu.vector_load_idx %arg9[%parallel_loop3A_568] : memref<4112xf32, #tpu.memory_space<vmem>>[vector<16xi32>], vector<16xf32>,
        %parallel_loop3A_570 = arith.constant true
        %parallel_loop3A_571 = vector.broadcast %parallel_loop3A_570 : i1 to vector<16xi1>
        %parallel_loop3A_572 = tpu.scan <sum>, %parallel_loop3A_569 masked %parallel_loop3A_571 : vector<16xf32>, vector<16xi1> -> vector<16xf32>
        %parallel_loop3A_573 = arith.subf %parallel_loop3A_572, %parallel_loop3A_569 : vector<16xf32>
        %parallel_loop3A_574 = arith.addf %parallel_loop3A_573, %parallel_loop3A_564 : vector<16xf32>
        %parallel_loop3A_575 = arith.constant 16 : i32
        %parallel_loop3A_576 = arith.muli %parallel_loop3A_563, %parallel_loop3A_575 : i32
        %parallel_loop3A_577 = arith.index_cast %parallel_loop3A_576 : i32 to index
        %parallel_loop3A_578 = tpu.vector_load %arg10[%parallel_loop3A_577] {strides = array<i32>} : memref<272xf32, #tpu.memory_space<vmem>>, vector<16xf32>,
        tpu.vector_store %arg10[%parallel_loop3A_577], %parallel_loop3A_574 {strides = array<i32>} : memref<272xf32, #tpu.memory_space<vmem>>, vector<16xf32>,
        %parallel_loop3A_579 = arith.constant true
        %parallel_loop3A_580 = vector.broadcast %parallel_loop3A_579 : i1 to vector<16xi1>
        %parallel_loop3A_581 = tpu.scan <sum>, %parallel_loop3A_569 masked %parallel_loop3A_580 : vector<16xf32>, vector<16xi1> -> vector<16xf32>
        %parallel_loop3A_582 = vector.extract %parallel_loop3A_581[15] : f32 from vector<16xf32>
        %parallel_loop3A_583 = vector.broadcast %parallel_loop3A_582 : f32 to vector<16xf32>
        %parallel_loop3A_584 = arith.addf %parallel_loop3A_564, %parallel_loop3A_583 : vector<16xf32>
        scf.yield %parallel_loop3A_584 : vector<16xf32>
      } {sc.loop_unroll_factor = 16 : i64, sc.parallel_access}
      %add3A_532 = arith.constant 8 : i32
      %add3A_533 = arith.addi %add3A_532, %scan3A_520 : i32
      %mul3A_534 = arith.constant 64 : i32
      %mul3A_535 = arith.muli %add3A_533, %mul3A_534 : i32
      %gather3A = tpu.vector_load_idx %arg9[%get3A_455] : memref<4112xf32, #tpu.memory_space<vmem>>[vector<16xi32>], vector<16xf32>,
      %gather3A_536 = tpu.vector_load_idx %arg10[%get3A_463] : memref<272xf32, #tpu.memory_space<vmem>>[vector<16xi32>], vector<16xf32>,
      %add3A_537 = arith.addf %gather3A, %gather3A_536 : vector<16xf32>
      %add3A_538 = arith.constant 0 : i32
      %add3A_539 = arith.addi %mul3A_535, %add3A_538 : i32
      %swap3A_540 = arith.index_cast %add3A_539 : i32 to index
      %swap3A_541 = tpu.vector_load %arg16[%swap3A_540] {strides = array<i32>} : memref<2064xf32, #tpu.memory_space<vmem>>, vector<16xf32>,
      tpu.vector_store %arg16[%swap3A_540], %add3A_537 {strides = array<i32>} : memref<2064xf32, #tpu.memory_space<vmem>>, vector<16xf32>,
      %gather3A_542 = tpu.vector_load_idx %arg9[%get3A_457] : memref<4112xf32, #tpu.memory_space<vmem>>[vector<16xi32>], vector<16xf32>,
      %gather3A_543 = tpu.vector_load_idx %arg10[%get3A_465] : memref<272xf32, #tpu.memory_space<vmem>>[vector<16xi32>], vector<16xf32>,
      %add3A_544 = arith.addf %gather3A_542, %gather3A_543 : vector<16xf32>
      %add3A_545 = arith.constant 16 : i32
      %add3A_546 = arith.addi %mul3A_535, %add3A_545 : i32
      %swap3A_547 = arith.index_cast %add3A_546 : i32 to index
      %swap3A_548 = tpu.vector_load %arg16[%swap3A_547] {strides = array<i32>} : memref<2064xf32, #tpu.memory_space<vmem>>, vector<16xf32>,
      tpu.vector_store %arg16[%swap3A_547], %add3A_544 {strides = array<i32>} : memref<2064xf32, #tpu.memory_space<vmem>>, vector<16xf32>,
      %gather3A_549 = tpu.vector_load_idx %arg9[%get3A_459] : memref<4112xf32, #tpu.memory_space<vmem>>[vector<16xi32>], vector<16xf32>,
      %gather3A_550 = tpu.vector_load_idx %arg10[%get3A_467] : memref<272xf32, #tpu.memory_space<vmem>>[vector<16xi32>], vector<16xf32>,
      %add3A_551 = arith.addf %gather3A_549, %gather3A_550 : vector<16xf32>
      %add3A_552 = arith.constant 32 : i32
      %add3A_553 = arith.addi %mul3A_535, %add3A_552 : i32
      %swap3A_554 = arith.index_cast %add3A_553 : i32 to index
      %swap3A_555 = tpu.vector_load %arg16[%swap3A_554] {strides = array<i32>} : memref<2064xf32, #tpu.memory_space<vmem>>, vector<16xf32>,
      tpu.vector_store %arg16[%swap3A_554], %add3A_551 {strides = array<i32>} : memref<2064xf32, #tpu.memory_space<vmem>>, vector<16xf32>,
      %gather3A_556 = tpu.vector_load_idx %arg9[%get3A_461] : memref<4112xf32, #tpu.memory_space<vmem>>[vector<16xi32>], vector<16xf32>,
      %gather3A_557 = tpu.vector_load_idx %arg10[%get3A_469] : memref<272xf32, #tpu.memory_space<vmem>>[vector<16xi32>], vector<16xf32>,
      %add3A_558 = arith.addf %gather3A_556, %gather3A_557 : vector<16xf32>
      %add3A_559 = arith.constant 48 : i32
      %add3A_560 = arith.addi %mul3A_535, %add3A_559 : i32
      %swap3A_561 = arith.index_cast %add3A_560 : i32 to index
      %swap3A_562 = tpu.vector_load %arg16[%swap3A_561] {strides = array<i32>} : memref<2064xf32, #tpu.memory_space<vmem>>, vector<16xf32>,
      tpu.vector_store %arg16[%swap3A_561], %add3A_558 {strides = array<i32>} : memref<2064xf32, #tpu.memory_space<vmem>>, vector<16xf32>,
    }
    %scan3A_491 = arith.constant 8 : i32
    %add3A_492 = arith.constant 98304 : i32
    %add3A_493 = arith.addi %mul3A_37, %add3A_492 : i32
    %dma_start3A_494 = tpu.memref_slice %arg2[%add3A_493] : memref<4194304xf32, #tpu.memory_space<hbm>> -> memref<32768xf32, #tpu.memory_space<hbm>>
    %dma_start3A_495 = tpu.memref_slice %arg2[%add3A_493] : memref<4194304xf32, #tpu.memory_space<hbm>> -> memref<32768xf32, #tpu.memory_space<hbm>>
    tpu.enqueue_dma source(%dma_start3A_495 : memref<32768xf32, #tpu.memory_space<hbm>>) target(%arg8 : memref<32768xf32, #tpu.memory_space<vmem>>) target_semaphore(%arg20 : memref<!tpu.dma_semaphore, #tpu.memory_space<semaphore_mem>>)
    %dma_wait3A_496 = tpu.memref_slice %arg2[%add3A_481] : memref<4194304xf32, #tpu.memory_space<hbm>> -> memref<32768xf32, #tpu.memory_space<hbm>>
    %dma_wait3A_497 = tpu.memref_slice %arg2[%add3A_481] : memref<4194304xf32, #tpu.memory_space<hbm>> -> memref<32768xf32, #tpu.memory_space<hbm>>
    tpu.wait_dma2 semaphore(%arg19 : memref<!tpu.dma_semaphore, #tpu.memory_space<semaphore_mem>>) src(%dma_wait3A_497 : memref<32768xf32, #tpu.memory_space<hbm>>) dst(%arg7 : memref<32768xf32, #tpu.memory_space<vmem>>)
    %scan3A_498 = arith.constant 0 : i32
    %scan3A_499 = arith.constant 0 : i32
    %scan3A_500 = arith.constant 8 : i32
    %scan3A_501 = arith.addi %scan3A_499, %scan3A_500 : i32
    %scan3A_502 = arith.constant 1 : i32
    scf.for %scan3A_520 = %scan3A_499 to %scan3A_501 step %scan3A_502  : i32 {
      %mul3A_521 = arith.constant 4096 : i32
      %mul3A_522 = arith.muli %scan3A_520, %mul3A_521 : i32
      %parallel_loop3A_523 = arith.constant 0 : i32
      %parallel_loop3A_524 = arith.constant 256 : i32
      %parallel_loop3A_525 = arith.constant 1 : i32
      scf.for %parallel_loop3A_563 = %parallel_loop3A_523 to %parallel_loop3A_524 step %parallel_loop3A_525  : i32 {
        %parallel_loop3A_564 = arith.constant 16 : i32
        %parallel_loop3A_565 = arith.muli %parallel_loop3A_563, %parallel_loop3A_564 : i32
        %parallel_loop3A_566 = arith.addi %mul3A_522, %parallel_loop3A_565 : i32
        %parallel_loop3A_567 = arith.index_cast %parallel_loop3A_566 : i32 to index
        %parallel_loop3A_568 = tpu.vector_load %arg7[%parallel_loop3A_567] {strides = array<i32>} : memref<32768xf32, #tpu.memory_space<vmem>>, vector<16xf32>,
        %parallel_loop3A_569 = arith.constant true
        %parallel_loop3A_570 = vector.broadcast %parallel_loop3A_569 : i1 to vector<16xi1>
        %parallel_loop3A_571 = tpu.scan <sum>, %parallel_loop3A_568 masked %parallel_loop3A_570 : vector<16xf32>, vector<16xi1> -> vector<16xf32>
        %parallel_loop3A_572 = arith.constant 16 : i32
        %parallel_loop3A_573 = arith.muli %parallel_loop3A_563, %parallel_loop3A_572 : i32
        %parallel_loop3A_574 = arith.index_cast %parallel_loop3A_573 : i32 to index
        %parallel_loop3A_575 = tpu.vector_load %arg9[%parallel_loop3A_574] {strides = array<i32>} : memref<4112xf32, #tpu.memory_space<vmem>>, vector<16xf32>,
        tpu.vector_store %arg9[%parallel_loop3A_574], %parallel_loop3A_571 {strides = array<i32>} : memref<4112xf32, #tpu.memory_space<vmem>>, vector<16xf32>,
      } {sc.loop_unroll_factor = 64 : i64, sc.parallel_access}
      %broadcast_in_dim3A_526 = arith.constant 0.000000e+00 : f32
      %broadcast_in_dim3A_527 = vector.broadcast %broadcast_in_dim3A_526 : f32 to vector<16xf32>
      %parallel_loop3A_528 = arith.constant 0 : i32
      %parallel_loop3A_529 = arith.constant 16 : i32
      %parallel_loop3A_530 = arith.constant 1 : i32
      %parallel_loop3A_531 = scf.for %parallel_loop3A_563 = %parallel_loop3A_528 to %parallel_loop3A_529 step %parallel_loop3A_530 iter_args(%parallel_loop3A_564 = %broadcast_in_dim3A_527) -> (vector<16xf32>)  : i32 {
        %parallel_loop3A_565 = arith.constant 16 : i32
        %parallel_loop3A_566 = arith.muli %parallel_loop3A_563, %parallel_loop3A_565 : i32
        %parallel_loop3A_567 = arith.index_cast %parallel_loop3A_566 : i32 to index
        %parallel_loop3A_568 = tpu.vector_load %arg15[%parallel_loop3A_567] {strides = array<i32>} : memref<256xi32, #tpu.memory_space<vmem>>, vector<16xi32>,
        %parallel_loop3A_569 = tpu.vector_load_idx %arg9[%parallel_loop3A_568] : memref<4112xf32, #tpu.memory_space<vmem>>[vector<16xi32>], vector<16xf32>,
        %parallel_loop3A_570 = arith.constant true
        %parallel_loop3A_571 = vector.broadcast %parallel_loop3A_570 : i1 to vector<16xi1>
        %parallel_loop3A_572 = tpu.scan <sum>, %parallel_loop3A_569 masked %parallel_loop3A_571 : vector<16xf32>, vector<16xi1> -> vector<16xf32>
        %parallel_loop3A_573 = arith.subf %parallel_loop3A_572, %parallel_loop3A_569 : vector<16xf32>
        %parallel_loop3A_574 = arith.addf %parallel_loop3A_573, %parallel_loop3A_564 : vector<16xf32>
        %parallel_loop3A_575 = arith.constant 16 : i32
        %parallel_loop3A_576 = arith.muli %parallel_loop3A_563, %parallel_loop3A_575 : i32
        %parallel_loop3A_577 = arith.index_cast %parallel_loop3A_576 : i32 to index
        %parallel_loop3A_578 = tpu.vector_load %arg10[%parallel_loop3A_577] {strides = array<i32>} : memref<272xf32, #tpu.memory_space<vmem>>, vector<16xf32>,
        tpu.vector_store %arg10[%parallel_loop3A_577], %parallel_loop3A_574 {strides = array<i32>} : memref<272xf32, #tpu.memory_space<vmem>>, vector<16xf32>,
        %parallel_loop3A_579 = arith.constant true
        %parallel_loop3A_580 = vector.broadcast %parallel_loop3A_579 : i1 to vector<16xi1>
        %parallel_loop3A_581 = tpu.scan <sum>, %parallel_loop3A_569 masked %parallel_loop3A_580 : vector<16xf32>, vector<16xi1> -> vector<16xf32>
        %parallel_loop3A_582 = vector.extract %parallel_loop3A_581[15] : f32 from vector<16xf32>
        %parallel_loop3A_583 = vector.broadcast %parallel_loop3A_582 : f32 to vector<16xf32>
        %parallel_loop3A_584 = arith.addf %parallel_loop3A_564, %parallel_loop3A_583 : vector<16xf32>
        scf.yield %parallel_loop3A_584 : vector<16xf32>
      } {sc.loop_unroll_factor = 16 : i64, sc.parallel_access}
      %add3A_532 = arith.constant 16 : i32
      %add3A_533 = arith.addi %add3A_532, %scan3A_520 : i32
      %mul3A_534 = arith.constant 64 : i32
      %mul3A_535 = arith.muli %add3A_533, %mul3A_534 : i32
      %gather3A = tpu.vector_load_idx %arg9[%get3A_455] : memref<4112xf32, #tpu.memory_space<vmem>>[vector<16xi32>], vector<16xf32>,
      %gather3A_536 = tpu.vector_load_idx %arg10[%get3A_463] : memref<272xf32, #tpu.memory_space<vmem>>[vector<16xi32>], vector<16xf32>,
      %add3A_537 = arith.addf %gather3A, %gather3A_536 : vector<16xf32>
      %add3A_538 = arith.constant 0 : i32
      %add3A_539 = arith.addi %mul3A_535, %add3A_538 : i32
      %swap3A_540 = arith.index_cast %add3A_539 : i32 to index
      %swap3A_541 = tpu.vector_load %arg16[%swap3A_540] {strides = array<i32>} : memref<2064xf32, #tpu.memory_space<vmem>>, vector<16xf32>,
      tpu.vector_store %arg16[%swap3A_540], %add3A_537 {strides = array<i32>} : memref<2064xf32, #tpu.memory_space<vmem>>, vector<16xf32>,
      %gather3A_542 = tpu.vector_load_idx %arg9[%get3A_457] : memref<4112xf32, #tpu.memory_space<vmem>>[vector<16xi32>], vector<16xf32>,
      %gather3A_543 = tpu.vector_load_idx %arg10[%get3A_465] : memref<272xf32, #tpu.memory_space<vmem>>[vector<16xi32>], vector<16xf32>,
      %add3A_544 = arith.addf %gather3A_542, %gather3A_543 : vector<16xf32>
      %add3A_545 = arith.constant 16 : i32
      %add3A_546 = arith.addi %mul3A_535, %add3A_545 : i32
      %swap3A_547 = arith.index_cast %add3A_546 : i32 to index
      %swap3A_548 = tpu.vector_load %arg16[%swap3A_547] {strides = array<i32>} : memref<2064xf32, #tpu.memory_space<vmem>>, vector<16xf32>,
      tpu.vector_store %arg16[%swap3A_547], %add3A_544 {strides = array<i32>} : memref<2064xf32, #tpu.memory_space<vmem>>, vector<16xf32>,
      %gather3A_549 = tpu.vector_load_idx %arg9[%get3A_459] : memref<4112xf32, #tpu.memory_space<vmem>>[vector<16xi32>], vector<16xf32>,
      %gather3A_550 = tpu.vector_load_idx %arg10[%get3A_467] : memref<272xf32, #tpu.memory_space<vmem>>[vector<16xi32>], vector<16xf32>,
      %add3A_551 = arith.addf %gather3A_549, %gather3A_550 : vector<16xf32>
      %add3A_552 = arith.constant 32 : i32
      %add3A_553 = arith.addi %mul3A_535, %add3A_552 : i32
      %swap3A_554 = arith.index_cast %add3A_553 : i32 to index
      %swap3A_555 = tpu.vector_load %arg16[%swap3A_554] {strides = array<i32>} : memref<2064xf32, #tpu.memory_space<vmem>>, vector<16xf32>,
      tpu.vector_store %arg16[%swap3A_554], %add3A_551 {strides = array<i32>} : memref<2064xf32, #tpu.memory_space<vmem>>, vector<16xf32>,
      %gather3A_556 = tpu.vector_load_idx %arg9[%get3A_461] : memref<4112xf32, #tpu.memory_space<vmem>>[vector<16xi32>], vector<16xf32>,
      %gather3A_557 = tpu.vector_load_idx %arg10[%get3A_469] : memref<272xf32, #tpu.memory_space<vmem>>[vector<16xi32>], vector<16xf32>,
      %add3A_558 = arith.addf %gather3A_556, %gather3A_557 : vector<16xf32>
      %add3A_559 = arith.constant 48 : i32
      %add3A_560 = arith.addi %mul3A_535, %add3A_559 : i32
      %swap3A_561 = arith.index_cast %add3A_560 : i32 to index
      %swap3A_562 = tpu.vector_load %arg16[%swap3A_561] {strides = array<i32>} : memref<2064xf32, #tpu.memory_space<vmem>>, vector<16xf32>,
      tpu.vector_store %arg16[%swap3A_561], %add3A_558 {strides = array<i32>} : memref<2064xf32, #tpu.memory_space<vmem>>, vector<16xf32>,
    }
    %scan3A_503 = arith.constant 8 : i32
    %dma_wait3A_504 = tpu.memref_slice %arg2[%add3A_493] : memref<4194304xf32, #tpu.memory_space<hbm>> -> memref<32768xf32, #tpu.memory_space<hbm>>
    %dma_wait3A_505 = tpu.memref_slice %arg2[%add3A_493] : memref<4194304xf32, #tpu.memory_space<hbm>> -> memref<32768xf32, #tpu.memory_space<hbm>>
    tpu.wait_dma2 semaphore(%arg20 : memref<!tpu.dma_semaphore, #tpu.memory_space<semaphore_mem>>) src(%dma_wait3A_505 : memref<32768xf32, #tpu.memory_space<hbm>>) dst(%arg8 : memref<32768xf32, #tpu.memory_space<vmem>>)
    %scan3A_506 = arith.constant 0 : i32
    %scan3A_507 = arith.constant 0 : i32
    %scan3A_508 = arith.constant 8 : i32
    %scan3A_509 = arith.addi %scan3A_507, %scan3A_508 : i32
    %scan3A_510 = arith.constant 1 : i32
    scf.for %scan3A_520 = %scan3A_507 to %scan3A_509 step %scan3A_510  : i32 {
      %mul3A_521 = arith.constant 4096 : i32
      %mul3A_522 = arith.muli %scan3A_520, %mul3A_521 : i32
      %parallel_loop3A_523 = arith.constant 0 : i32
      %parallel_loop3A_524 = arith.constant 256 : i32
      %parallel_loop3A_525 = arith.constant 1 : i32
      scf.for %parallel_loop3A_563 = %parallel_loop3A_523 to %parallel_loop3A_524 step %parallel_loop3A_525  : i32 {
        %parallel_loop3A_564 = arith.constant 16 : i32
        %parallel_loop3A_565 = arith.muli %parallel_loop3A_563, %parallel_loop3A_564 : i32
        %parallel_loop3A_566 = arith.addi %mul3A_522, %parallel_loop3A_565 : i32
        %parallel_loop3A_567 = arith.index_cast %parallel_loop3A_566 : i32 to index
        %parallel_loop3A_568 = tpu.vector_load %arg8[%parallel_loop3A_567] {strides = array<i32>} : memref<32768xf32, #tpu.memory_space<vmem>>, vector<16xf32>,
        %parallel_loop3A_569 = arith.constant true
        %parallel_loop3A_570 = vector.broadcast %parallel_loop3A_569 : i1 to vector<16xi1>
        %parallel_loop3A_571 = tpu.scan <sum>, %parallel_loop3A_568 masked %parallel_loop3A_570 : vector<16xf32>, vector<16xi1> -> vector<16xf32>
        %parallel_loop3A_572 = arith.constant 16 : i32
        %parallel_loop3A_573 = arith.muli %parallel_loop3A_563, %parallel_loop3A_572 : i32
        %parallel_loop3A_574 = arith.index_cast %parallel_loop3A_573 : i32 to index
        %parallel_loop3A_575 = tpu.vector_load %arg9[%parallel_loop3A_574] {strides = array<i32>} : memref<4112xf32, #tpu.memory_space<vmem>>, vector<16xf32>,
        tpu.vector_store %arg9[%parallel_loop3A_574], %parallel_loop3A_571 {strides = array<i32>} : memref<4112xf32, #tpu.memory_space<vmem>>, vector<16xf32>,
      } {sc.loop_unroll_factor = 64 : i64, sc.parallel_access}
      %broadcast_in_dim3A_526 = arith.constant 0.000000e+00 : f32
      %broadcast_in_dim3A_527 = vector.broadcast %broadcast_in_dim3A_526 : f32 to vector<16xf32>
      %parallel_loop3A_528 = arith.constant 0 : i32
      %parallel_loop3A_529 = arith.constant 16 : i32
      %parallel_loop3A_530 = arith.constant 1 : i32
      %parallel_loop3A_531 = scf.for %parallel_loop3A_563 = %parallel_loop3A_528 to %parallel_loop3A_529 step %parallel_loop3A_530 iter_args(%parallel_loop3A_564 = %broadcast_in_dim3A_527) -> (vector<16xf32>)  : i32 {
        %parallel_loop3A_565 = arith.constant 16 : i32
        %parallel_loop3A_566 = arith.muli %parallel_loop3A_563, %parallel_loop3A_565 : i32
        %parallel_loop3A_567 = arith.index_cast %parallel_loop3A_566 : i32 to index
        %parallel_loop3A_568 = tpu.vector_load %arg15[%parallel_loop3A_567] {strides = array<i32>} : memref<256xi32, #tpu.memory_space<vmem>>, vector<16xi32>,
        %parallel_loop3A_569 = tpu.vector_load_idx %arg9[%parallel_loop3A_568] : memref<4112xf32, #tpu.memory_space<vmem>>[vector<16xi32>], vector<16xf32>,
        %parallel_loop3A_570 = arith.constant true
        %parallel_loop3A_571 = vector.broadcast %parallel_loop3A_570 : i1 to vector<16xi1>
        %parallel_loop3A_572 = tpu.scan <sum>, %parallel_loop3A_569 masked %parallel_loop3A_571 : vector<16xf32>, vector<16xi1> -> vector<16xf32>
        %parallel_loop3A_573 = arith.subf %parallel_loop3A_572, %parallel_loop3A_569 : vector<16xf32>
        %parallel_loop3A_574 = arith.addf %parallel_loop3A_573, %parallel_loop3A_564 : vector<16xf32>
        %parallel_loop3A_575 = arith.constant 16 : i32
        %parallel_loop3A_576 = arith.muli %parallel_loop3A_563, %parallel_loop3A_575 : i32
        %parallel_loop3A_577 = arith.index_cast %parallel_loop3A_576 : i32 to index
        %parallel_loop3A_578 = tpu.vector_load %arg10[%parallel_loop3A_577] {strides = array<i32>} : memref<272xf32, #tpu.memory_space<vmem>>, vector<16xf32>,
        tpu.vector_store %arg10[%parallel_loop3A_577], %parallel_loop3A_574 {strides = array<i32>} : memref<272xf32, #tpu.memory_space<vmem>>, vector<16xf32>,
        %parallel_loop3A_579 = arith.constant true
        %parallel_loop3A_580 = vector.broadcast %parallel_loop3A_579 : i1 to vector<16xi1>
        %parallel_loop3A_581 = tpu.scan <sum>, %parallel_loop3A_569 masked %parallel_loop3A_580 : vector<16xf32>, vector<16xi1> -> vector<16xf32>
        %parallel_loop3A_582 = vector.extract %parallel_loop3A_581[15] : f32 from vector<16xf32>
        %parallel_loop3A_583 = vector.broadcast %parallel_loop3A_582 : f32 to vector<16xf32>
        %parallel_loop3A_584 = arith.addf %parallel_loop3A_564, %parallel_loop3A_583 : vector<16xf32>
        scf.yield %parallel_loop3A_584 : vector<16xf32>
      } {sc.loop_unroll_factor = 16 : i64, sc.parallel_access}
      %add3A_532 = arith.constant 24 : i32
      %add3A_533 = arith.addi %add3A_532, %scan3A_520 : i32
      %mul3A_534 = arith.constant 64 : i32
      %mul3A_535 = arith.muli %add3A_533, %mul3A_534 : i32
      %gather3A = tpu.vector_load_idx %arg9[%get3A_455] : memref<4112xf32, #tpu.memory_space<vmem>>[vector<16xi32>], vector<16xf32>,
      %gather3A_536 = tpu.vector_load_idx %arg10[%get3A_463] : memref<272xf32, #tpu.memory_space<vmem>>[vector<16xi32>], vector<16xf32>,
      %add3A_537 = arith.addf %gather3A, %gather3A_536 : vector<16xf32>
      %add3A_538 = arith.constant 0 : i32
      %add3A_539 = arith.addi %mul3A_535, %add3A_538 : i32
      %swap3A_540 = arith.index_cast %add3A_539 : i32 to index
      %swap3A_541 = tpu.vector_load %arg16[%swap3A_540] {strides = array<i32>} : memref<2064xf32, #tpu.memory_space<vmem>>, vector<16xf32>,
      tpu.vector_store %arg16[%swap3A_540], %add3A_537 {strides = array<i32>} : memref<2064xf32, #tpu.memory_space<vmem>>, vector<16xf32>,
      %gather3A_542 = tpu.vector_load_idx %arg9[%get3A_457] : memref<4112xf32, #tpu.memory_space<vmem>>[vector<16xi32>], vector<16xf32>,
      %gather3A_543 = tpu.vector_load_idx %arg10[%get3A_465] : memref<272xf32, #tpu.memory_space<vmem>>[vector<16xi32>], vector<16xf32>,
      %add3A_544 = arith.addf %gather3A_542, %gather3A_543 : vector<16xf32>
      %add3A_545 = arith.constant 16 : i32
      %add3A_546 = arith.addi %mul3A_535, %add3A_545 : i32
      %swap3A_547 = arith.index_cast %add3A_546 : i32 to index
      %swap3A_548 = tpu.vector_load %arg16[%swap3A_547] {strides = array<i32>} : memref<2064xf32, #tpu.memory_space<vmem>>, vector<16xf32>,
      tpu.vector_store %arg16[%swap3A_547], %add3A_544 {strides = array<i32>} : memref<2064xf32, #tpu.memory_space<vmem>>, vector<16xf32>,
      %gather3A_549 = tpu.vector_load_idx %arg9[%get3A_459] : memref<4112xf32, #tpu.memory_space<vmem>>[vector<16xi32>], vector<16xf32>,
      %gather3A_550 = tpu.vector_load_idx %arg10[%get3A_467] : memref<272xf32, #tpu.memory_space<vmem>>[vector<16xi32>], vector<16xf32>,
      %add3A_551 = arith.addf %gather3A_549, %gather3A_550 : vector<16xf32>
      %add3A_552 = arith.constant 32 : i32
      %add3A_553 = arith.addi %mul3A_535, %add3A_552 : i32
      %swap3A_554 = arith.index_cast %add3A_553 : i32 to index
      %swap3A_555 = tpu.vector_load %arg16[%swap3A_554] {strides = array<i32>} : memref<2064xf32, #tpu.memory_space<vmem>>, vector<16xf32>,
      tpu.vector_store %arg16[%swap3A_554], %add3A_551 {strides = array<i32>} : memref<2064xf32, #tpu.memory_space<vmem>>, vector<16xf32>,
      %gather3A_556 = tpu.vector_load_idx %arg9[%get3A_461] : memref<4112xf32, #tpu.memory_space<vmem>>[vector<16xi32>], vector<16xf32>,
      %gather3A_557 = tpu.vector_load_idx %arg10[%get3A_469] : memref<272xf32, #tpu.memory_space<vmem>>[vector<16xi32>], vector<16xf32>,
      %add3A_558 = arith.addf %gather3A_556, %gather3A_557 : vector<16xf32>
      %add3A_559 = arith.constant 48 : i32
      %add3A_560 = arith.addi %mul3A_535, %add3A_559 : i32
      %swap3A_561 = arith.index_cast %add3A_560 : i32 to index
      %swap3A_562 = tpu.vector_load %arg16[%swap3A_561] {strides = array<i32>} : memref<2064xf32, #tpu.memory_space<vmem>>, vector<16xf32>,
      tpu.vector_store %arg16[%swap3A_561], %add3A_558 {strides = array<i32>} : memref<2064xf32, #tpu.memory_space<vmem>>, vector<16xf32>,
    }
    %scan3A_511 = arith.constant 8 : i32
    %parallel_loop3A_512 = arith.constant 0 : i32
    %parallel_loop3A_513 = arith.constant 128 : i32
    %parallel_loop3A_514 = arith.constant 1 : i32
    scf.for %parallel_loop3A_520 = %parallel_loop3A_512 to %parallel_loop3A_513 step %parallel_loop3A_514  : i32 {
      %parallel_loop3A_521 = arith.constant 16 : i32
      %parallel_loop3A_522 = arith.muli %parallel_loop3A_520, %parallel_loop3A_521 : i32
      %parallel_loop3A_523 = arith.index_cast %parallel_loop3A_522 : i32 to index
      %parallel_loop3A_524 = tpu.vector_load %arg16[%parallel_loop3A_523] {strides = array<i32>} : memref<2064xf32, #tpu.memory_space<vmem>>, vector<16xf32>,
      %parallel_loop3A_525 = arith.constant 16 : i32
      %parallel_loop3A_526 = arith.muli %parallel_loop3A_520, %parallel_loop3A_525 : i32
      %parallel_loop3A_527 = arith.index_cast %parallel_loop3A_526 : i32 to index
      %parallel_loop3A_528 = tpu.vector_load %arg17[%parallel_loop3A_527] {strides = array<i32>} : memref<2048xi32, #tpu.memory_space<vmem>>, vector<16xi32>,
      %parallel_loop3A_529 = tpu.vector_load_idx %arg16[%parallel_loop3A_528] : memref<2064xf32, #tpu.memory_space<vmem>>[vector<16xi32>], vector<16xf32>,
      %parallel_loop3A_530 = arith.constant 3 : i32
      %parallel_loop3A_531 = arith.andi %parallel_loop3A_520, %parallel_loop3A_530 : i32
      %parallel_loop3A_532 = arith.constant 16 : i32
      %parallel_loop3A_533 = arith.muli %parallel_loop3A_531, %parallel_loop3A_532 : i32
      %parallel_loop3A_534 = arith.index_cast %parallel_loop3A_533 : i32 to index
      %parallel_loop3A_535 = tpu.vector_load %arg14[%parallel_loop3A_534] {strides = array<i32>} : memref<64xf32, #tpu.memory_space<vmem>>, vector<16xf32>,
      %parallel_loop3A_536 = arith.subf %parallel_loop3A_524, %parallel_loop3A_529 : vector<16xf32>
      %parallel_loop3A_537 = arith.mulf %parallel_loop3A_536, %parallel_loop3A_535 : vector<16xf32>
      %parallel_loop3A_538 = arith.constant 16 : i32
      %parallel_loop3A_539 = arith.muli %parallel_loop3A_520, %parallel_loop3A_538 : i32
      %parallel_loop3A_540 = arith.index_cast %parallel_loop3A_539 : i32 to index
      %parallel_loop3A_541 = tpu.vector_load %arg18[%parallel_loop3A_540] {strides = array<i32>} : memref<2048xf32, #tpu.memory_space<vmem>>, vector<16xf32>,
      tpu.vector_store %arg18[%parallel_loop3A_540], %parallel_loop3A_537 {strides = array<i32>} : memref<2048xf32, #tpu.memory_space<vmem>>, vector<16xf32>,
    } {sc.loop_unroll_factor = 8 : i64, sc.parallel_access}
    %mul3A_515 = arith.constant 128 : i32
    %mul3A_516 = arith.muli %select_n3A, %mul3A_515 : i32
    %add3A_517 = arith.addi %mul3A_516, %mul3A_32 : i32
    %mul3A_518 = arith.constant 64 : i32
    %mul3A_519 = arith.muli %add3A_517, %mul3A_518 : i32
    "tpu.region"() ({
      %run_scoped3A = tpu.sem_alloc : memref<!tpu.dma_semaphore, #tpu.memory_space<semaphore_mem>>
      %dma_start3A_520 = tpu.memref_slice %arg5[%mul3A_519] : memref<65536xf32, #tpu.memory_space<hbm>> -> memref<2048xf32, #tpu.memory_space<hbm>>
      %dma_start3A_521 = tpu.memref_slice %arg5[%mul3A_519] : memref<65536xf32, #tpu.memory_space<hbm>> -> memref<2048xf32, #tpu.memory_space<hbm>>
      tpu.enqueue_dma source(%arg18 : memref<2048xf32, #tpu.memory_space<vmem>>) target(%dma_start3A_521 : memref<2048xf32, #tpu.memory_space<hbm>>) target_semaphore(%run_scoped3A : memref<!tpu.dma_semaphore, #tpu.memory_space<semaphore_mem>>)
      %dma_wait3A_522 = tpu.memref_slice %arg5[%mul3A_519] : memref<65536xf32, #tpu.memory_space<hbm>> -> memref<2048xf32, #tpu.memory_space<hbm>>
      %dma_wait3A_523 = tpu.memref_slice %arg5[%mul3A_519] : memref<65536xf32, #tpu.memory_space<hbm>> -> memref<2048xf32, #tpu.memory_space<hbm>>
      tpu.wait_dma2 semaphore(%run_scoped3A : memref<!tpu.dma_semaphore, #tpu.memory_space<semaphore_mem>>) src(%arg18 : memref<2048xf32, #tpu.memory_space<vmem>>) dst(%dma_wait3A_523 : memref<2048xf32, #tpu.memory_space<hbm>>)
      tpu.yield
    }) : () -> ()
    return
  }
}

</mosaic_0001>

<sc_bundles>
// kernel: _run.3.cloned.1.call-start
scs
__scs_entry_jumppad:
0x0: {  	(pc) =	sbr.rel $0x88, $3  }
0x1: {  	(tag) =	ssettag $0x0;
	lr =	simm.s32 $0x1  }
0x2: {  	[smem:$0x3F9E] =	sst lr;
	_ =	strace $0xD0000000  }
0x3: {  	_ = 	snop  }
0x4: {  	_ = 	snop  }
0x5: {  	_ = 	snop  }
0x6: {  	_ = 	snop  }
0x7: {  	_ = 	snop  }
__scs_overlays_trampoline_lowered:
0x8: {  	[smem:$0x3FAD] =	sst s0  }
0x9: {  	[smem:$0x3FAE] =	sst s1  }
0xa: {  	[smem:$0x3FAF] =	sst s2  }
0xb: {  	[smem:$0x3FB0] =	sst s3  }
0xc: {  	[smem:$0x3FB1] =	sst s4  }
0xd: {  	[smem:$0x3FB2] =	sst s5  }
0xe: {  	[smem:$0x3FB3] =	sst s6  }
0xf: {  	[smem:$0x3FB4] =	sst s7  }
0x10: {  	[smem:$0x3FB5] =	sst s8  }
0x11: {  	[smem:$0x3FB6] =	sst s9;
	s0 =	simm.s32 @!p0 $0x0  }
0x12: {  	s1 =	sld [smem:$0x3F9C];
	s0 =	simm.s32 @p0 $0x1  }
0x13: {  	[smem:$0x3FB7] =	sst s0;
	s0 =	simm.s32 @!p1 $0x0  }
0x14: {  	s2 =	sld [smem:$0x3F9B];
	s0 =	simm.s32 @p1 $0x1  }
0x15: {  	[smem:$0x3FB8] =	sst s0;
	s0 =	simm.s32 @!p2 $0x0  }
0x16: {  	s3 =	sld [smem:$0x3FDB];
	s0 =	simm.s32 @p2 $0x1  }
0x17: {  	s4 =	simm.s32 $0x1BF5;
	[smem:$0x3FBA] =	sst s0  }
0x18: {  	s0 =	sld [smem:$0x3F9D];
	_ =	swait.ge [sflag:s4], $0x0  }
0x19: {  	s7 =	sld [smem:$0x3F9E]  }
0x1a: {  	s8 =	sadd.s32 $0xFFFFE003, lr  }
0x1b: {  	s9 =	sadd.s32 $0xFFFFFEF7, lr;
	s5 =	simm.s32 $0xFFFFFFFF;
	p2 =	slt.u32 s8, $0xFFFFF086  }
0x1c: {  	p1 =	slt.u32 s9, $0xF7A;
	s5 =	simm.s32 @!p2 $0x0  }
0x1d: {  	s5 =	simm.s32 @p1 $0x1;
	p0 =	seq.s32 s7, s2  }
0x1e: {  	s7 =	smul.u32 @!p0 $0xF7A, s2;
	p2 =	seq.s32 @!p0 s5, $0x0  }
0x1f: {  	s9 =	smul.u32 $0xF7A, s1;
	s8 =	simm.s32 @!p0 $0x1BF5;
	p2 =	por !p2, p0  }
0x20: {  	[sflag:s8] =	ssyncset.s32 @!p0 $0xFFFFF086;
	s6 =	sadd.s32 @!p0 s3, s7;
	s7 =	simm.s32 @!p0 $0x108  }
0x21: {  	s3 =	sadd.s32 s3, s9;
	s6 =	sadd.s32 @!p0 $0x88, s6;
	s7 =	simm.s32 @p2 $0x1082  }
0x22: {  	[simem:s7], [sflag:s8] =	dma.local @!p0 [hbm:s6], $0xF7A  }
0x23: {  	s9 =	sor.u32 $0xD0000000, s2;
	s6 =	simm.s32 $0x108;
	_ =	swait.ge @!p0 [sflag:s8], $0x0  }
0x24: {  	s3 =	sadd.s32 $0x88, s3;
	s6 =	simm.s32 @!p1 $0x1082;
	[sflag:s4] =	ssyncset.s32 $0xFFFFF086  }
0x25: {  	[simem:s6], [sflag:s4] =	dma.local [hbm:s3], $0xF7A  }
0x26: {  	[smem:$0x3F9E] =	sst s1;
	(tag) =	ssettag s2;
	_ =	strace s9  }
0x27: {  	s1 =	sld [smem:$0x3FAE]  }
0x28: {  	s2 =	sld [smem:$0x3FAF]  }
0x29: {  	s4 =	sld [smem:$0x3FB1]  }
0x2a: {  	p0 =	seq.s32 s5, $0x0;
	s5 =	sld [smem:$0x3FB2]  }
0x2b: {  	s6 =	sld [smem:$0x3FB3]  }
0x2c: {  	s7 =	sld [smem:$0x3FB4]  }
0x2d: {  	s3 =	simm.s32 $0x108;
	s8 =	sld [smem:$0x3FB5]  }
0x2e: {  	s3 =	simm.s32 @!p0 $0x1082;
	s9 =	sld [smem:$0x3FB6]  }
0x2f: {  	lr =	sadd.s32 s0, s3;
	s0 =	sld [smem:$0x3FAD]  }
0x30: {  	s3 =	sld [smem:$0x3FB0]  }
0x31: {  	[smem:$0x3FB9] =	sst s10  }
0x32: {  	s10 =	sld [smem:$0x3FB7];
	_ =	sdelay $0x3  }
0x33: {  	p0 =	seq.s32 s10, $0x1;
	s10 =	sld [smem:$0x3FB9];
	_ =	sdelay $0x3  }
0x34: {  	[smem:$0x3FB9] =	sst s10  }
0x35: {  	s10 =	sld [smem:$0x3FB8];
	_ =	sdelay $0x3  }
0x36: {  	p1 =	seq.s32 s10, $0x1;
	s10 =	sld [smem:$0x3FB9];
	_ =	sdelay $0x3  }
0x37: {  	[smem:$0x3FB9] =	sst s10  }
0x38: {  	s10 =	sld [smem:$0x3FBA]  }
0x39: {  	_ = 	snop;
	(pc) =	sbr.ind lr, $3  }
0x3a: {  	_ = 	snop  }
0x3b: {  	_ = 	snop  }
0x3c: {  	p2 =	seq.s32 s10, $0x1;
	s10 =	sld [smem:$0x3FB9]  }
0x3d: {  	_ =	shalt  }
0x3e: {  	_ =	shalt  }
0x3f: {  	_ =	shalt  }
0x40: {  	_ =	shalt  }
0x41: {  	_ =	shalt  }
0x42: {  	_ =	shalt  }
0x43: {  	_ =	shalt  }
0x44: {  	_ =	shalt  }
0x45: {  	_ =	shalt  }
0x46: {  	_ =	shalt  }
0x47: {  	_ =	shalt  }
0x48: {  	_ =	shalt  }
0x49: {  	_ =	shalt  }
0x4a: {  	_ =	shalt  }
0x4b: {  	_ =	shalt  }
0x4c: {  	_ =	shalt  }
0x4d: {  	_ =	shalt  }
0x4e: {  	_ =	shalt  }
0x4f: {  	_ =	shalt  }
0x50: {  	_ =	shalt  }
0x51: {  	_ =	shalt  }
0x52: {  	_ =	shalt  }
0x53: {  	_ =	shalt  }
0x54: {  	_ =	shalt  }
0x55: {  	_ =	shalt  }
0x56: {  	_ =	shalt  }
0x57: {  	_ =	shalt  }
0x58: {  	_ =	shalt  }
0x59: {  	_ =	shalt  }
0x5a: {  	_ =	shalt  }
0x5b: {  	_ =	shalt  }
0x5c: {  	_ =	shalt  }
0x5d: {  	_ =	shalt  }
0x5e: {  	_ =	shalt  }
0x5f: {  	_ =	shalt  }
0x60: {  	_ =	shalt  }
0x61: {  	_ =	shalt  }
0x62: {  	_ =	shalt  }
0x63: {  	_ =	shalt  }
0x64: {  	_ =	shalt  }
0x65: {  	_ =	shalt  }
0x66: {  	_ =	shalt  }
0x67: {  	_ =	shalt  }
0x68: {  	_ =	shalt  }
0x69: {  	_ =	shalt  }
0x6a: {  	_ =	shalt  }
0x6b: {  	_ =	shalt  }
0x6c: {  	_ =	shalt  }
0x6d: {  	_ =	shalt  }
0x6e: {  	_ =	shalt  }
0x6f: {  	_ =	shalt  }
0x70: {  	_ =	shalt  }
0x71: {  	_ =	shalt  }
0x72: {  	_ =	shalt  }
0x73: {  	_ =	shalt  }
0x74: {  	_ =	shalt  }
0x75: {  	_ =	shalt  }
0x76: {  	_ =	shalt  }
0x77: {  	_ =	shalt  }
0x78: {  	_ =	shalt  }
0x79: {  	_ =	shalt  }
0x7a: {  	_ =	shalt  }
0x7b: {  	_ =	shalt  }
0x7c: {  	_ =	shalt  }
0x7d: {  	_ =	shalt  }
0x7e: {  	_ =	shalt  }
0x7f: {  	_ =	shalt  }
0x80: {  	_ =	shalt  }
0x81: {  	_ =	shalt  }
0x82: {  	_ =	shalt  }
0x83: {  	_ =	shalt  }
0x84: {  	_ =	shalt  }
0x85: {  	_ =	shalt  }
0x86: {  	_ =	shalt  }
0x87: {  	_ =	shalt  }
.Lfunc_end0:
.L_simem_size_0:
called_computation_lowered:
.L_overlay_start_0:
0x88: {  	s2 =	sld [smem:$0x3FD9]  }
0x89: {  	s3 =	sld [smem:$0x3FFE];
	_ =	sdelay $0x1  }
0x8a: {  	s1 =	srdreg.scid  }
0x8b: {  	s0 =	sand.u32 $0x1, s1  }
0x8c: {  	s18 =	sshll.u32 s0, $0xA;
	s2 =	sadd.s32 s3, s2  }
0x8d: {  	s2 =	sadd.s32 s2, s18  }
0x8e: {  	[smem:$0x3FC5] =	sst s2  }
0x8f: {  	_ = 	snop  }
0x90: {  	s2 =	sld [smem:$0x3FC9]  }
0x91: {  	s19 =	sld [smem:$0x3FC8]  }
0x92: {  	s4 =	sld [smem:$0x3FC7]  }
0x93: {  	s5 =	sld [smem:$0x3FD0];
	(tm) =	ssettm $0x1  }
0x94: {  	s6 =	sld [smem:$0x3FFB];
	_ =	sdelay $0x3  }
0x95: {  	_ =	strace s6  }
0x96: {  	s6 =	sld [smem:$0x3FFC];
	_ =	sdelay $0x3  }
0x97: {  	_ =	strace s6  }
0x98: {  	s6 =	sld [smem:$0x3FFD];
	_ =	sdelay $0x3  }
0x99: {  	_ =	strace s6  }
0x9a: {  	_ =	strace $0x8FFFFFFF  }
0x9b: {  	s20 =	sld [smem:$0x3FDB];
	_ =	sdelay $0x1  }
0x9c: {  	s7 =	simm.s32 $_scs_section_size  }
0x9d: {  	s8 =	simm.s32 $_size__tile_overlayer_lowered;
	s9 =	simm.s32 $_tile_overlayer_lowered  }
0x9e: {  	s23 =	simm.s32 $0x1BFF;
	s22 =	sshll.u32 s9, $0x1;
	s6 =	sadd.s32 s7, s20  }
0x9f: {  	s10 =	simm.s32 $0x0;
	s21 =	sshll.u32 s8, $0x1;
	s8 =	sadd.s32 s22, s6  }
0xa0: {  	[timem:s10], [sflag:s23] =	dma.local [hbm:s8], s21  }
0xa1: {  	_ =	swait.ge [sflag:s23], s21  }
0xa2: {  	s7 =	ssub.s32 $0x0, s21;
	[sflag:s23] =	ssyncset.done $0x0  }
0xa3: {  	[sflag:s23] =	ssyncadd.s32 s7;
	_ =	sdelay $0x1  }
0xa4: {  	s24 =	simm.s32 $0x1B8B  }
0xa5: {  	_ =	swait.ge [sflag:s24], $0x1  }
0xa6: {  	[sflag:s24] =	ssyncset.done $0x0  }
0xa7: {  	s25 =	simm.s32 $0x1B8E;
	[sflag:s24] =	ssyncadd.s32 $0xFFFFFFFF  }
0xa8: {  	s26 =	simm.s32 $execute0_lowered;
	[smem:$0x3FD2] =	sst s25  }
0xa9: {  	s7 =	sshll.u32 s26, $0x1;
	_ =	strace $0x80000046;
	[dreg:$0x1] =	wrdreg $0xFFFFFFFF  }
0xaa: {  	s28 =	simm.s32 $_size_execute0_lowered;
	s6 =	sadd.s32 s6, s7;
	[dreg:$0x0] =	wrdreg $0x0  }
0xab: {  	s7 =	sshll.u32 s28, $0x1;
	[dreg:$0x2] =	wrdreg s6  }
0xac: {  	[dreg:$0x3] =	wrdreg s7  }
0xad: {  	[dreg:$0x4] =	wrdreg $0xC0  }
0xae: {  	_ =	task [dreg:s10], $0x5FFFF  }
0xaf: {  	[dreg:$0x1] =	wrdreg $0xFFFFFFFF  }
0xb0: {  	[dreg:$0x0] =	wrdreg $0x60  }
0xb1: {  	[dreg:$0x2] =	wrdreg s2  }
0xb2: {  	[dreg:$0x3] =	wrdreg s19  }
0xb3: {  	[dreg:$0x4] =	wrdreg s4  }
0xb4: {  	[dreg:$0x5] =	wrdreg s5  }
0xb5: {  	[dreg:$0x6] =	wrdreg $0x9  }
0xb6: {  	_ =	task.clear_ibuf [dreg:s10], $0x7FFFF;
	_ =	strace $0x90000046  }
0xb7: {  	s29 =	simm.s32 $0x9;
	_ =	strace $0x80000048  }
0xb8: {  	_ =	swait.ge [sflag:s29], $0x1  }
0xb9: {  	[sflag:s29] =	ssyncadd.s32 $0xFFFFFFFF  }
0xba: {  	_ =	strace $0x90000048  }
0xbb: {  	_ =	sfence  }
0xbc: {  	s30 =	sld [smem:$0x0];
	_ =	sdelay $0x2  }
0xbd: {  	s31 =	sshll.u32 s1, $0xD;
	s1 =	sshrl.u32 s1, $0x2  }
0xbe: {  	s3 =	sand.u32 $0x4000, s31;
	s1 =	sadd.s32 s1, s30  }
0xbf: {  	s0 =	sor.u32 s3, s0;
	s1 =	sshll.u32 s1, $0x11  }
0xc0: {  	s0 =	sor.u32 s1, s0  }
0xc1: {  	s0 =	sadd.s32 $0x8F2B, s0  }
0xc2: {  	[sflag:s0] =	ssyncadd.remote.s32 $0x1  }
0xc3: {  	_ =	sfence.sel $0xFFFF  }
0xc4: {  	[dreg:$0x0] =	wrdreg $0xFFFFFFFF;
	(pc) =	sbr.abs _section_cstart, $3  }
0xc5: {  	[dreg:$0x1] =	wrdreg $0xFFFFFFFF  }
0xc6: {  	_ =	task.clear_ibuf [dreg:s10], $0x2FFFF;
	_ =	strace $0x9FFFFFFF  }
0xc7: {  	(tm) =	ssettm $0x7FFFFFFF  }
tec
execute0_lowered:
.L_overlay_start_1:
0x0: {  	(tag) =	ssettag $0x1  }
0x1: {  	s3 =	rddreg [dreg:$0x0]  }
0x2: {  	s4 =	rddreg [dreg:$0x1]  }
0x3: {  	s5 =	rddreg [dreg:$0x2]  }
0x4: {  	s9 =	rddreg [dreg:$0x3]  }
0x5: {  	s0 =	rddreg [dreg:$0x4];
	s1 =	stileid.u32  }
0x6: {  	s2 =	simm.s32 $0x0;
	s6 =	srdreg.scid;
	s13 =	simm.s32 $0x12400  }
0x7: {  	s14 =	simm.s32 $0x12280;
	s15 =	simm.s32 $0x9080;
	s16 =	simm.s32 $0x1  }
0x8: {  	v0 =	vlaneseq.u32;
	s17 =	simm.s32 $0x11080;
	s18 =	simm.s32 $0x12100;
	s19 =	simm.s32 $0x2  }
0x9: {  	v1 =	vimm.s32 $0x40;
	v2 =	vimm.f32 $0.0e+00;
	v11 =	vimm.s32 $0x65432107;
	s20 =	simm.s32 $0x12580;
	s21 =	simm.s32 $0x13600;
	s22 =	simm.s32 $0x0  }
0xa: {  	v3 =	vimm.s32 $0x0;
	v12 =	vimm.s32 $0xEDCBA980;
	s7 =	sshll.u32 s1, $0x1;
	[smem:$0x7FF] =	sst s2;
	s6 =	sand.u32 $0x1, s6;
	v19 =	vmul.u32 $0x10, v0  }
0xb: {  	vm0 =	vcmask $0x3F24;
	s10 =	sshrl.u32 s1, $0x1;
	v15 =	vunpack.c.l.s4.s8 v11;
	v16 =	vunpack.c.l.s4.s8 v12;
	s7 =	sand.u32 $0x2, s7;
	s8 =	ssub.s32 $0x2, s6  }
0xc: {  	s11 =	sshll.u32 s10, $0x7;
	_ =	strace $0x80000047;
	s30 =	sshll.u32 s10, $0x9;
	v4 =	vor.u32 $0xF, v19;
	v5 =	vor.u32 $0x10F, v19;
	v6 =	vor.u32 $0x20F, v19  }
0xd: {  	s10 =	sshll.u32 s10, $0x3;
	s6 =	sor.u32 s6, s7;
	s28 =	sshrl.u32 s8, $0x1;
	v7 =	vor.u32 $0x30F, v19;
	v8 =	vor.u32 $0x40F, v19;
	v9 =	vor.u32 $0x50F, v19  }
0xe: {  	s4 =	sadd.s32 s4, s30;
	v10 =	vor.u32 $0x60F, v19;
	v11 =	vor.u32 $0x70F, v19;
	v12 =	vor.u32 $0x80F, v19;
	s6 =	sshll.u32 s6, $0x5;
	s12 =	ssub.s32 s8, s28  }
0xf: {  	s5 =	sadd.s32 s5, s10;
	v13 =	vor.u32 $0x90F, v19;
	v20 =	vunpack.c.0.s8.s32 v15;
	v21 =	vunpack.c.0.s8.s32 v16;
	s29 =	sor.u32 s11, s6;
	s10 =	smax.u32 s12, $0x1  }
0x10: {  	v14 =	vor.u32 $0xA0F, v19;
	v15 =	vor.u32 $0xB0F, v19;
	v16 =	vor.u32 $0xC0F, v19;
	s11 =	simm.s32 $0x1080;
	s6 =	sshll.u32 s29, $0x9;
	s31 =	sshll.u32 s29, $0x3  }
0x11: {  	v17 =	vor.u32 $0xD0F, v19;
	v18 =	vor.u32 $0xE0F, v19;
	s12 =	simm.s32 $0x3;
	v20 =	vsel vm0, v21, v20;
	s3 =	sadd.s32 s3, s6;
	s9 =	sadd.s32 s9, s31  }
0x12: {  	v19 =	vor.u32 $0xF0F, v19;
	v21 =	vadd.s32 $0xFFFFFFFF, v0;
	v20 =	vand.u32 $0xF, v20;
	s6 =	sadd.s32 $0x1000, s3;
	s7 =	sadd.s32 $0x2000, s3;
	s8 =	sadd.s32 $0x3000, s3  }
.LBB2_1:
0x13: {  	[tilespmem:s11], [sflag:$0x1] =	stream.linear.gather [hbm4b:s3+s2], $0x8000, $0x38;
	[tilespmem:$0x13E00] =	vst v63  }
0x14: {  	_ = 	snop  }
0x15: {  	[tilespmem:s2], [sflag:$0x3] =	stream.linear.gather [hbm4b:s4+s2], $0x1000, $0x38;
	[tilespmem:$0x13E00] =	vst v63  }
0x16: {  	_ =	swait.ge [sflag:s12], $0x1000  }
0x17: {  	[sflag:s12] =	ssyncset.done $0x0  }
0x18: {  	[sflag:s12] =	ssyncadd.s32 $0xFFFFF000  }
0x19: {  	[tilespmem:s13], [sflag:$0x3] =	stream.linear.gather [hbm4b:s5+s2], $0x40, $0x38;
	[tilespmem:$0x13E00] =	vst v63  }
0x1a: {  	_ =	swait.ge [sflag:s12], $0x40  }
0x1b: {  	[sflag:s12] =	ssyncset.done $0x0  }
0x1c: {  	[sflag:s12] =	ssyncadd.s32 $0xFFFFFFC0  }
0x1d: {  	v22 =	vld [tilespmem:$0x12400]  }
0x1e: {  	v23 =	vld [tilespmem:$0x12410];
	_ =	sdelay $0x2  }
0x1f: {  	v24 =	vld [tilespmem:$0x12420]  }
0x20: {  	(erf) = vrcp.f32 v22;
	v22 =	vld [tilespmem:$0x12430]  }
0x21: {  	(erf) = vrcp.f32 v23;
	_ =	sdelay $0x2  }
0x22: {  	[tilespmem:$0x1000] =	vst v1;
	(erf) = vrcp.f32 v24  }
0x23: {  	[tilespmem:$0x12080] =	vst v2;
	(erf) = vrcp.f32 v22  }
0x24: {  	[tilespmem:$0x12200] =	vst v2  }
0x25: {  	[tilespmem:$0x12D80] =	vst v2  }
0x26: {  	[tilespmem:$0x12280] =	vst v3  }
0x27: {  	[tilespmem:$0x12290] =	vst v3;
	v22 =	vpop (erf)  }
0x28: {  	s23 =	simm.s32 $0x31;
	[tilespmem:$0x12400] =	vst v22;
	v22 =	vpop (erf)  }
0x29: {  	s24 =	simm.s32 $0x21;
	[tilespmem:$0x12410] =	vst v22;
	v22 =	vadd.s32 s23, v0  }
0x2a: {  	[tilespmem:$0x122A0] =	vst v3;
	v23 =	vadd.s32 s24, v0  }
0x2b: {  	[tilespmem:$0x122B0] =	vst v3;
	v24 =	vpop (erf)  }
0x2c: {  	[tilespmem:$0x12420] =	vst v24;
	v25 =	vpop (erf)  }
0x2d: {  	s26 =	simm.s32 $0x11;
	[tilespmem:$0x12430] =	vst v25  }
0x2e: {  	v25 =	vadd.s32 s26, v0;
	v33 =	vld.idx.msk [tilespmem:v22+s2+$0x0], $0xffff  }
0x2f: {  	s25 =	simm.s32 $0x1;
	s28 =	simm.s32 $0x20;
	v29 =	vld.idx.msk [tilespmem:v23+s2+$0x0], $0xffff  }
0x30: {  	s29 =	simm.s32 $0x71;
	v24 =	vadd.s32 s25, v0;
	v28 =	vld [tilespmem:s28+$0x0]  }
0x31: {  	v26 =	vadd.s32 s29, v0;
	v35 =	vld [tilespmem:s28+$0xFFFFFFF0]  }
0x32: {  	s25 =	simm.s32 $0x61;
	v34 =	vld [tilespmem:s28+$0x10]  }
0x33: {  	s30 =	simm.s32 $0x41;
	v27 =	vadd.s32 s25, v0;
	v31 =	vld.idx.msk [tilespmem:v25+s2+$0x0], $0xffff  }
0x34: {  	s31 =	simm.s32 $0x51;
	v37 =	vadd.s32 s30, v0;
	v30 =	vld [tilespmem:s28+$0xFFFFFFE0]  }
0x35: {  	v38 =	vadd.s32 s31, v0;
	v40 =	vld.idx.msk [tilespmem:v24+s2+$0x0], $0xffff;
	vm0 =	vne.s32 v28, v29  }
0x36: {  	s23 =	simm.s32 $0x60;
	v32 =	vld.idx.msk [tilespmem:v26+s2+$0x0], $0xffff  }
0x37: {  	v39 =	vld [tilespmem:s23+$0x0]  }
0x38: {  	s24 =	simm.s32 $0x4;
	s25 =	simm.s32 $0xB1;
	v36 =	vld.idx.msk [tilespmem:v27+s2+$0x0], $0xffff;
	v29 =	vmov v37;
	vm1 =	vne.s32 v35, v31;
	v31 =	vmov v38  }
.LBB2_2:
0x39: {  	s26 =	sadd.s32 $0xFFFFFFD0, s25;
	s28 =	sadd.s32 $0xFFFFFFF0, s25;
	v41 =	vadd.s32 s25, v0;
	s24 =	sadd.s32 $0x4, s24;
	v42 =	vld.idx.msk [tilespmem:v37+s2+$0x0], $0xffff;
	vm2 =	vne.s32 v34, v33;
	v43 =	vmov v34  }
0x3a: {  	v37 =	vadd.s32 s26, v0;
	s26 =	sadd.s32 $0xFFFFFFE0, s25;
	v44 =	vadd.s32 s28, v0;
	p0 =	slt.u32 s24, $0xFC;
	v45 =	vld.idx.msk [tilespmem:v38+s2+$0x0], $0xffff;
	vm3 =	vne.s32 v30, v40;
	v46 =	vmovc v30  }
0x3b: {  	v38 =	vadd.s32 s26, v0;
	v47 =	vld [tilespmem:s23+$0xFFFFFFF0];
	[tilespmem:v28+s14+$0x0] =	vst.idx.msk vm0, v23;
	v23 =	vmov v27;
	v27 =	vmov v44  }
.Ltmp0:
0x3c: {  	v33 =	vmov v32;
	v34 =	vld [tilespmem:s23+$0x10];
	(pc) =	sbr.rel @p0 .LBB2_2-.Ltmp0, $4  }
0x3d: {  	v30 =	vld [tilespmem:s23+$0xFFFFFFE0];
	vm0 =	vne.s32 v39, v36;
	v28 =	vmov v39  }
0x3e: {  	v32 =	vld.idx.msk [tilespmem:v41+s2+$0x0], $0xffff;
	[tilespmem:v35+s14+$0x0] =	vst.idx.msk vm1, v25;
	v25 =	vmov v31;
	v31 =	vmov v38  }
0x3f: {  	s23 =	sadd.s32 $0x40, s23;
	v40 =	vmov v42;
	v36 =	vld.idx.msk [tilespmem:v44+s2+$0x0], $0xffff;
	[tilespmem:v43+s14+$0x0] =	vst.idx.msk vm2, v22;
	v22 =	vmov v26;
	v26 =	vmov v41  }
0x40: {  	s25 =	sadd.s32 $0x40, s25;
	v39 =	vld [tilespmem:s23+$0x0];
	vm1 =	vne.s32 v47, v45;
	[tilespmem:v46+s14+$0x0] =	vst.idx.msk vm3, v24;
	v24 =	vmovc v29;
	v29 =	vmov v37;
	v35 =	vmov v47  }
0x41: {  	_ =	sdelay $0x3  }
0x42: {  	v37 =	vld.idx.msk [tilespmem:v37+s2+$0x0], $0xffff  }
0x43: {  	v38 =	vld.idx.msk [tilespmem:v38+s2+$0x0], $0xffff  }
0x44: {  	v41 =	vld [tilespmem:s23+$0xFFFFFFF0]  }
0x45: {  	v42 =	vld [tilespmem:s23+$0x10]  }
0x46: {  	vm2 =	vne.s32 v34, v33;
	v63 =	vld [tilespmem:s23+$0xFFFFFFE0]  }
0x47: {  	vm3 =	vne.s32 v30, v40  }
0x48: {  	vm4 =	vne.s32 v39, v36  }
0x49: {  	vm5 =	vne.s32 v41, v38  }
0x4a: {  	[tilespmem:v28+s14+$0x0] =	vst.idx.msk vm0, v23;
	vm0 =	vne.s32 v42, v32  }
0x4b: {  	[tilespmem:v35+s14+$0x0] =	vst.idx.msk vm1, v25;
	vm1 =	vne.s32 v63, v37  }
0x4c: {  	[tilespmem:v34+s14+$0x0] =	vst.idx.msk vm2, v22  }
0x4d: {  	[tilespmem:v30+s14+$0x0] =	vst.idx.msk vm3, v24  }
0x4e: {  	[tilespmem:v39+s14+$0x0] =	vst.idx.msk vm4, v27  }
0x4f: {  	[tilespmem:v41+s14+$0x0] =	vst.idx.msk vm5, v31  }
0x50: {  	[tilespmem:v42+s14+$0x0] =	vst.idx.msk vm0, v26  }
0x51: {  	[tilespmem:v63+s14+$0x0] =	vst.idx.msk vm1, v29  }
0x52: {  	v22 =	vld [tilespmem:$0x12280];
	_ =	sdelay $0x4  }
0x53: {  	v22 =	vxor.u32 $0x80000000, v22  }
0x54: {  	(xrf0) =	vmax.scan.msk.u32 $0xffff, v22;
	_ =	sdelay $0x5  }
0x55: {  	v22, _, _ =	vpop (xrf0)  }
0x56: {  	v22 =	vxor.u32 $0x80000000, v22  }
0x57: {  	vm0 =	vgt.s32 v22, $0x0  }
0x58: {  	v23 =	vnsel vm0, $0x0, v22  }
0x59: {  	v24 =	vor.u32 $0x80000000, v23  }
0x5a: {  	(xrf0) =	vmax.scan.msk.u32 $0xffff, v24;
	_ =	sdelay $0x5  }
0x5b: {  	v24, _, _ =	vpop (xrf0)  }
0x5c: {  	(v2sf) =	vpush v24, $0xF;
	_ =	sdelay $0x2  }
0x5d: {  	v24 =	vld [tilespmem:$0x12290];
	_ =	sdelay $0x4  }
0x5e: {  	v24 =	vxor.u32 $0x80000000, v24  }
0x5f: {  	(xrf0) =	vmax.scan.msk.u32 $0xffff, v24;
	_ =	sdelay $0x5  }
0x60: {  	v24, _, _ =	vpop (xrf0);
	s29 =	spop (v2sf)  }
0x61: {  	v24 =	vxor.u32 $0x80000000, v24;
	s23 =	sxor.u32 $0x80000000, s29  }
0x62: {  	vm0 =	vgt.s32 v24, s23  }
0x63: {  	v24 =	vnsel vm0, s23, v24  }
0x64: {  	v25 =	vxor.u32 $0x80000000, v24  }
0x65: {  	(xrf0) =	vmax.scan.msk.u32 $0xffff, v25;
	_ =	sdelay $0x5  }
0x66: {  	v25, _, _ =	vpop (xrf0)  }
0x67: {  	(v2sf) =	vpush v25, $0xF;
	_ =	sdelay $0x2  }
0x68: {  	v25 =	vld [tilespmem:$0x122A0];
	_ =	sdelay $0x4  }
0x69: {  	v25 =	vxor.u32 $0x80000000, v25  }
0x6a: {  	(xrf0) =	vmax.scan.msk.u32 $0xffff, v25;
	_ =	sdelay $0x5  }
0x6b: {  	v25, _, _ =	vpop (xrf0);
	s30 =	spop (v2sf)  }
0x6c: {  	v25 =	vxor.u32 $0x80000000, v25;
	s23 =	sxor.u32 $0x80000000, s30  }
0x6d: {  	vm0 =	vgt.s32 v25, s23  }
0x6e: {  	v25 =	vnsel vm0, s23, v25  }
0x6f: {  	v26 =	vxor.u32 $0x80000000, v25  }
0x70: {  	(xrf0) =	vmax.scan.msk.u32 $0xffff, v26;
	_ =	sdelay $0x5  }
0x71: {  	v26, _, _ =	vpop (xrf0)  }
0x72: {  	[tilespmem:$0x12480] =	vst v4;
	(v2sf) =	vpush v26, $0xF  }
0x73: {  	[tilespmem:$0x12490] =	vst v5  }
0x74: {  	[tilespmem:$0x124A0] =	vst v6  }
0x75: {  	[tilespmem:$0x124B0] =	vst v7;
	v26 =	vld [tilespmem:$0x122B0]  }
0x76: {  	[tilespmem:$0x124C0] =	vst v8  }
0x77: {  	[tilespmem:$0x124D0] =	vst v9  }
0x78: {  	[tilespmem:$0x124E0] =	vst v10  }
0x79: {  	[tilespmem:$0x124F0] =	vst v11  }
0x7a: {  	[tilespmem:$0x12500] =	vst v12;
	v26 =	vxor.u32 $0x80000000, v26  }
0x7b: {  	[tilespmem:$0x12510] =	vst v13;
	(xrf0) =	vmax.scan.msk.u32 $0xffff, v26  }
0x7c: {  	[tilespmem:$0x12520] =	vst v14  }
0x7d: {  	[tilespmem:$0x12530] =	vst v15  }
0x7e: {  	[tilespmem:$0x12540] =	vst v16  }
0x7f: {  	[tilespmem:$0x12550] =	vst v17;
	vm0 =	vlt.s32 v22, $0x1;
	v22 =	vadd.s32 $0xFFFFFFFF, v23  }
0x80: {  	[tilespmem:$0x12560] =	vst v18;
	v23 =	vsel vm0, $0x1000, v22;
	v22 =	vshra.s32 v22, $0x4;
	v26 =	vadd.s32 $0xFFFFFFFF, v24  }
0x81: {  	[tilespmem:$0x12300] =	vst v23;
	v22 =	vsel vm0, $0x100, v22;
	vm0 =	vgt.s32 v24, $0x0;
	v23 =	vshra.s32 v26, $0x4;
	v24, _, _ =	vpop (xrf0);
	s31 =	spop (v2sf)  }
0x82: {  	[tilespmem:$0x12380] =	vst v22;
	v22 =	vnsel vm0, $0x1000, v26;
	v23 =	vnsel vm0, $0x100, v23;
	v24 =	vxor.u32 $0x80000000, v24;
	s23 =	sxor.u32 $0x80000000, s31  }
0x83: {  	[tilespmem:$0x12310] =	vst v22;
	vm0 =	vgt.s32 v25, $0x0;
	v22 =	vadd.s32 $0xFFFFFFFF, v25;
	vm1 =	vgt.s32 v24, s23  }
0x84: {  	[tilespmem:$0x12390] =	vst v23;
	v23 =	vnsel vm0, $0x1000, v22;
	v22 =	vshra.s32 v22, $0x4;
	v24 =	vnsel vm1, s23, v24  }
0x85: {  	[tilespmem:$0x12320] =	vst v23;
	v22 =	vnsel vm0, $0x100, v22;
	vm0 =	vgt.s32 v24, $0x0;
	v23 =	vadd.s32 $0xFFFFFFFF, v24  }
0x86: {  	[tilespmem:$0x123A0] =	vst v22;
	v22 =	vnsel vm0, $0x1000, v23;
	v23 =	vshra.s32 v23, $0x4  }
0x87: {  	s24 =	simm.s32 $0x0;
	[tilespmem:$0x12330] =	vst v22;
	v22 =	vnsel vm0, $0x100, v23  }
0x88: {  	s26 =	simm.s32 $0x10;
	s25 =	simm.s32 $0x0;
	s29 =	simm.s32 $0x20;
	vm0 =	veq.s32 v0, $0x0;
	[tilespmem:$0x123B0] =	vst v22;
	v22 =	vor.u32 s24, v20  }
0x89: {  	s28 =	simm.s32 $0x30;
	[tilespmem:$0x12570] =	vst v19;
	s23 =	simm.s32 $0x12E20;
	v24 =	vadd.s32 s26, v21;
	s26 =	simm.s32 $0x12E20;
	v23 =	vadd.s32 s29, v21;
	v22 =	vsel vm0, $0x800, v22  }
.LBB2_4:
0x8a: {  	s25 =	sadd.s32 $0x4, s25  }
0x8b: {  	[tilespmem:s23+$0xFFFFFFF0] =	vst v24;
	v24 =	vadd.s32 s28, v21;
	s24 =	sadd.s32 $0x40, s24;
	s26 =	sadd.s32 $0x40, s26;
	p0 =	slt.u32 s25, $0x7C  }
.Ltmp1:
0x8c: {  	[tilespmem:s23+$0x0] =	vst v23;
	(pc) =	sbr.rel @p0 .LBB2_4-.Ltmp1, $4  }
0x8d: {  	[tilespmem:s23+$0x10] =	vst v24  }
0x8e: {  	[tilespmem:s23+$0xFFFFFFE0] =	vst v22;
	s23 =	smov.u32 s26  }
0x8f: {  	s29 =	sadd.s32 $0x10, s24;
	s30 =	sadd.s32 $0x20, s24;
	s28 =	sadd.s32 $0x30, s24;
	v22 =	vor.u32 s24, v20  }
0x90: {  	v24 =	vadd.s32 s29, v21;
	v23 =	vadd.s32 s30, v21;
	v22 =	vsel vm0, $0x800, v22  }
0x91: {  	[tilespmem:s23+$0xFFFFFFF0] =	vst v24  }
0x92: {  	[tilespmem:s23+$0x0] =	vst v23  }
0x93: {  	v24 =	vadd.s32 s28, v21;
	[tilespmem:s23+$0xFFFFFFE0] =	vst v22  }
0x94: {  	[tilespmem:s23+$0x10] =	vst v24  }
0x95: {  	v22 =	vld [tilespmem:$0x12300]  }
0x96: {  	v23 =	vld [tilespmem:$0x12310]  }
0x97: {  	v24 =	vld [tilespmem:$0x12320]  }
0x98: {  	v25 =	vld [tilespmem:$0x12330]  }
0x99: {  	v26 =	vld [tilespmem:$0x12380]  }
0x9a: {  	v27 =	vld [tilespmem:$0x12390]  }
0x9b: {  	s23 =	simm.s32 $0x0;
	v28 =	vld [tilespmem:$0x123A0]  }
0x9c: {  	v29 =	vld [tilespmem:$0x123B0];
	[tilespmem:s15], [sflag:$0x2] =	stream.linear.gather [hbm4b:s6+s23], $0x8000, $0x38  }
0x9d: {  	_ =	swait.ge [sflag:s16], $0x8000  }
0x9e: {  	[sflag:s16] =	ssyncset.done $0x0  }
0x9f: {  	s24 =	simm.s32 $0x1280;
	[sflag:s16] =	ssyncadd.s32 $0xFFFF8000  }
.LBB2_6:
0xa0: {  	s25 =	simm.s32 $0xFFFFFFC0;
	s26 =	simm.s32 $0x11280;
	s28 =	smov.u32 s24  }
.LBB2_7:
0xa1: {  	v30 =	vld [tilespmem:s28+$0xFFFFFE00]  }
0xa2: {  	v31 =	vld [tilespmem:s28+$0xFFFFFE10]  }
0xa3: {  	v32 =	vld [tilespmem:s28+$0xFFFFFE20]  }
0xa4: {  	v33 =	vld [tilespmem:s28+$0xFFFFFE30]  }
0xa5: {  	v34 =	vld [tilespmem:s28+$0xFFFFFE40]  }
0xa6: {  	(xrf2) =	vadd.scan.msk.f32 $0xffff, v30;
	v30 =	vld [tilespmem:s28+$0xFFFFFE50]  }
0xa7: {  	(xrf2) =	vadd.scan.msk.f32 $0xffff, v31;
	v31 =	vld [tilespmem:s28+$0xFFFFFE60]  }
0xa8: {  	v63 =	vld [tilespmem:s28+$0xFFFFFE70];
	(xrf2) =	vadd.scan.msk.f32 $0xffff, v32  }
0xa9: {  	v36 =	vld [tilespmem:s28+$0xFFFFFE80];
	(xrf2) =	vadd.scan.msk.f32 $0xffff, v33  }
0xaa: {  	v37 =	vld [tilespmem:s28+$0xFFFFFE90];
	(xrf2) =	vadd.scan.msk.f32 $0xffff, v34  }
0xab: {  	(xrf2) =	vadd.scan.msk.f32 $0xffff, v30;
	v30 =	vld [tilespmem:s28+$0xFFFFFEA0]  }
0xac: {  	(xrf2) =	vadd.scan.msk.f32 $0xffff, v31;
	v31 =	vld [tilespmem:s28+$0xFFFFFEB0]  }
0xad: {  	v38 =	vld [tilespmem:s28+$0xFFFFFEC0];
	(xrf2) =	vadd.scan.msk.f32 $0xffff, v63  }
0xae: {  	v39 =	vld [tilespmem:s28+$0xFFFFFED0];
	(xrf2) =	vadd.scan.msk.f32 $0xffff, v36  }
0xaf: {  	v40 =	vld [tilespmem:s28+$0xFFFFFEE0];
	(xrf2) =	vadd.scan.msk.f32 $0xffff, v37  }
0xb0: {  	v35, _, _ =	vpop (xrf2);
	(xrf2) =	vadd.scan.msk.f32 $0xffff, v30;
	v30 =	vld [tilespmem:s28+$0xFFFFFEF0]  }
0xb1: {  	[tilespmem:s26+$0xFFFFFE00] =	vst v35;
	v41, _, _ =	vpop (xrf2);
	(xrf2) =	vadd.scan.msk.f32 $0xffff, v31;
	v31 =	vld [tilespmem:s28+$0xFFFFFF00]  }
0xb2: {  	v43 =	vld [tilespmem:s28+$0xFFFFFF10];
	[tilespmem:s26+$0xFFFFFE10] =	vst v41;
	v42, _, _ =	vpop (xrf2);
	(xrf2) =	vadd.scan.msk.f32 $0xffff, v38  }
0xb3: {  	v45 =	vld [tilespmem:s28+$0xFFFFFF20];
	[tilespmem:s26+$0xFFFFFE20] =	vst v42;
	v44, _, _ =	vpop (xrf2);
	(xrf2) =	vadd.scan.msk.f32 $0xffff, v39  }
0xb4: {  	v47 =	vld [tilespmem:s28+$0xFFFFFF30];
	[tilespmem:s26+$0xFFFFFE30] =	vst v44;
	v46, _, _ =	vpop (xrf2);
	(xrf2) =	vadd.scan.msk.f32 $0xffff, v40  }
0xb5: {  	[tilespmem:s26+$0xFFFFFE40] =	vst v46;
	v48, _, _ =	vpop (xrf2);
	(xrf2) =	vadd.scan.msk.f32 $0xffff, v30;
	v30 =	vld [tilespmem:s28+$0xFFFFFF40]  }
0xb6: {  	[tilespmem:s26+$0xFFFFFE50] =	vst v48;
	v49, _, _ =	vpop (xrf2);
	(xrf2) =	vadd.scan.msk.f32 $0xffff, v31;
	v31 =	vld [tilespmem:s28+$0xFFFFFF50]  }
0xb7: {  	v51 =	vld [tilespmem:s28+$0xFFFFFF60];
	[tilespmem:s26+$0xFFFFFE60] =	vst v49;
	v50, _, _ =	vpop (xrf2);
	(xrf2) =	vadd.scan.msk.f32 $0xffff, v43  }
0xb8: {  	v53 =	vld [tilespmem:s28+$0xFFFFFF70];
	[tilespmem:s26+$0xFFFFFE70] =	vst v50;
	v52, _, _ =	vpop (xrf2);
	(xrf2) =	vadd.scan.msk.f32 $0xffff, v45  }
0xb9: {  	v55 =	vld [tilespmem:s28+$0xFFFFFF80];
	[tilespmem:s26+$0xFFFFFE80] =	vst v52;
	v54, _, _ =	vpop (xrf2);
	(xrf2) =	vadd.scan.msk.f32 $0xffff, v47  }
0xba: {  	[tilespmem:s26+$0xFFFFFE90] =	vst v54;
	v56, _, _ =	vpop (xrf2);
	(xrf2) =	vadd.scan.msk.f32 $0xffff, v30;
	v30 =	vld [tilespmem:s28+$0xFFFFFF90]  }
0xbb: {  	[tilespmem:s26+$0xFFFFFEA0] =	vst v56;
	v57, _, _ =	vpop (xrf2);
	(xrf2) =	vadd.scan.msk.f32 $0xffff, v31;
	v31 =	vld [tilespmem:s28+$0xFFFFFFA0]  }
0xbc: {  	v59 =	vld [tilespmem:s28+$0xFFFFFFB0];
	[tilespmem:s26+$0xFFFFFEB0] =	vst v57;
	v58, _, _ =	vpop (xrf2);
	(xrf2) =	vadd.scan.msk.f32 $0xffff, v51  }
0xbd: {  	v61 =	vld [tilespmem:s28+$0xFFFFFFC0];
	[tilespmem:s26+$0xFFFFFEC0] =	vst v58;
	v60, _, _ =	vpop (xrf2);
	(xrf2) =	vadd.scan.msk.f32 $0xffff, v53  }
0xbe: {  	v63 =	vld [tilespmem:s28+$0xFFFFFFD0];
	[tilespmem:s26+$0xFFFFFED0] =	vst v60;
	v62, _, _ =	vpop (xrf2);
	(xrf2) =	vadd.scan.msk.f32 $0xffff, v55  }
0xbf: {  	[tilespmem:s26+$0xFFFFFEE0] =	vst v62;
	v36, _, _ =	vpop (xrf2);
	(xrf2) =	vadd.scan.msk.f32 $0xffff, v30;
	v30 =	vld [tilespmem:s28+$0xFFFFFFE0]  }
0xc0: {  	[tilespmem:s26+$0xFFFFFEF0] =	vst v36;
	v37, _, _ =	vpop (xrf2);
	(xrf2) =	vadd.scan.msk.f32 $0xffff, v31;
	v31 =	vld [tilespmem:s28+$0xFFFFFFF0]  }
0xc1: {  	v39 =	vld [tilespmem:s28+$0x0];
	[tilespmem:s26+$0xFFFFFF00] =	vst v37;
	v38, _, _ =	vpop (xrf2);
	(xrf2) =	vadd.scan.msk.f32 $0xffff, v59  }
0xc2: {  	v41 =	vld [tilespmem:s28+$0x10];
	[tilespmem:s26+$0xFFFFFF10] =	vst v38;
	v40, _, _ =	vpop (xrf2);
	(xrf2) =	vadd.scan.msk.f32 $0xffff, v61  }
0xc3: {  	v43 =	vld [tilespmem:s28+$0x20];
	[tilespmem:s26+$0xFFFFFF20] =	vst v40;
	v42, _, _ =	vpop (xrf2);
	(xrf2) =	vadd.scan.msk.f32 $0xffff, v63  }
0xc4: {  	[tilespmem:s26+$0xFFFFFF30] =	vst v42;
	v44, _, _ =	vpop (xrf2);
	(xrf2) =	vadd.scan.msk.f32 $0xffff, v30;
	v30 =	vld [tilespmem:s28+$0x30]  }
0xc5: {  	[tilespmem:s26+$0xFFFFFF40] =	vst v44;
	v45, _, _ =	vpop (xrf2);
	(xrf2) =	vadd.scan.msk.f32 $0xffff, v31;
	v31 =	vld [tilespmem:s28+$0x40]  }
0xc6: {  	v47 =	vld [tilespmem:s28+$0x50];
	[tilespmem:s26+$0xFFFFFF50] =	vst v45;
	v46, _, _ =	vpop (xrf2);
	(xrf2) =	vadd.scan.msk.f32 $0xffff, v39  }
0xc7: {  	v49 =	vld [tilespmem:s28+$0x60];
	[tilespmem:s26+$0xFFFFFF60] =	vst v46;
	v48, _, _ =	vpop (xrf2);
	(xrf2) =	vadd.scan.msk.f32 $0xffff, v41  }
0xc8: {  	v51 =	vld [tilespmem:s28+$0x70];
	[tilespmem:s26+$0xFFFFFF70] =	vst v48;
	v50, _, _ =	vpop (xrf2);
	(xrf2) =	vadd.scan.msk.f32 $0xffff, v43  }
0xc9: {  	[tilespmem:s26+$0xFFFFFF80] =	vst v50;
	v52, _, _ =	vpop (xrf2);
	(xrf2) =	vadd.scan.msk.f32 $0xffff, v30;
	v30 =	vld [tilespmem:s28+$0x80]  }
0xca: {  	[tilespmem:s26+$0xFFFFFF90] =	vst v52;
	v53, _, _ =	vpop (xrf2);
	(xrf2) =	vadd.scan.msk.f32 $0xffff, v31;
	v31 =	vld [tilespmem:s28+$0x90]  }
0xcb: {  	v55 =	vld [tilespmem:s28+$0xA0];
	[tilespmem:s26+$0xFFFFFFA0] =	vst v53;
	v54, _, _ =	vpop (xrf2);
	(xrf2) =	vadd.scan.msk.f32 $0xffff, v47  }
0xcc: {  	v57 =	vld [tilespmem:s28+$0xB0];
	[tilespmem:s26+$0xFFFFFFB0] =	vst v54;
	v56, _, _ =	vpop (xrf2);
	(xrf2) =	vadd.scan.msk.f32 $0xffff, v49  }
0xcd: {  	v59 =	vld [tilespmem:s28+$0xC0];
	[tilespmem:s26+$0xFFFFFFC0] =	vst v56;
	v58, _, _ =	vpop (xrf2);
	(xrf2) =	vadd.scan.msk.f32 $0xffff, v51  }
0xce: {  	[tilespmem:s26+$0xFFFFFFD0] =	vst v58;
	v60, _, _ =	vpop (xrf2);
	(xrf2) =	vadd.scan.msk.f32 $0xffff, v30;
	v30 =	vld [tilespmem:s28+$0xD0]  }
0xcf: {  	[tilespmem:s26+$0xFFFFFFE0] =	vst v60;
	v61, _, _ =	vpop (xrf2);
	(xrf2) =	vadd.scan.msk.f32 $0xffff, v31;
	v31 =	vld [tilespmem:s28+$0xE0]  }
0xd0: {  	v63 =	vld [tilespmem:s28+$0xF0];
	[tilespmem:s26+$0xFFFFFFF0] =	vst v61;
	v62, _, _ =	vpop (xrf2);
	(xrf2) =	vadd.scan.msk.f32 $0xffff, v55  }
0xd1: {  	v37 =	vld [tilespmem:s28+$0x100];
	[tilespmem:s26+$0x0] =	vst v62;
	v36, _, _ =	vpop (xrf2);
	(xrf2) =	vadd.scan.msk.f32 $0xffff, v57  }
0xd2: {  	v39 =	vld [tilespmem:s28+$0x110];
	[tilespmem:s26+$0x10] =	vst v36;
	v38, _, _ =	vpop (xrf2);
	(xrf2) =	vadd.scan.msk.f32 $0xffff, v59  }
0xd3: {  	[tilespmem:s26+$0x20] =	vst v38;
	v40, _, _ =	vpop (xrf2);
	(xrf2) =	vadd.scan.msk.f32 $0xffff, v30;
	v30 =	vld [tilespmem:s28+$0x120]  }
0xd4: {  	[tilespmem:s26+$0x30] =	vst v40;
	v41, _, _ =	vpop (xrf2);
	(xrf2) =	vadd.scan.msk.f32 $0xffff, v31;
	v31 =	vld [tilespmem:s28+$0x130]  }
0xd5: {  	v43 =	vld [tilespmem:s28+$0x140];
	[tilespmem:s26+$0x40] =	vst v41;
	v42, _, _ =	vpop (xrf2);
	(xrf2) =	vadd.scan.msk.f32 $0xffff, v63  }
0xd6: {  	v45 =	vld [tilespmem:s28+$0x150];
	[tilespmem:s26+$0x50] =	vst v42;
	v44, _, _ =	vpop (xrf2);
	(xrf2) =	vadd.scan.msk.f32 $0xffff, v37  }
0xd7: {  	v47 =	vld [tilespmem:s28+$0x160];
	[tilespmem:s26+$0x60] =	vst v44;
	v46, _, _ =	vpop (xrf2);
	(xrf2) =	vadd.scan.msk.f32 $0xffff, v39  }
0xd8: {  	[tilespmem:s26+$0x70] =	vst v46;
	v48, _, _ =	vpop (xrf2);
	(xrf2) =	vadd.scan.msk.f32 $0xffff, v30;
	v30 =	vld [tilespmem:s28+$0x170]  }
0xd9: {  	[tilespmem:s26+$0x80] =	vst v48;
	v49, _, _ =	vpop (xrf2);
	(xrf2) =	vadd.scan.msk.f32 $0xffff, v31;
	v31 =	vld [tilespmem:s28+$0x180]  }
0xda: {  	v51 =	vld [tilespmem:s28+$0x190];
	[tilespmem:s26+$0x90] =	vst v49;
	v50, _, _ =	vpop (xrf2);
	(xrf2) =	vadd.scan.msk.f32 $0xffff, v43  }
0xdb: {  	v53 =	vld [tilespmem:s28+$0x1A0];
	[tilespmem:s26+$0xA0] =	vst v50;
	v52, _, _ =	vpop (xrf2);
	(xrf2) =	vadd.scan.msk.f32 $0xffff, v45  }
0xdc: {  	v55 =	vld [tilespmem:s28+$0x1B0];
	[tilespmem:s26+$0xB0] =	vst v52;
	v54, _, _ =	vpop (xrf2);
	(xrf2) =	vadd.scan.msk.f32 $0xffff, v47  }
0xdd: {  	[tilespmem:s26+$0xC0] =	vst v54;
	v56, _, _ =	vpop (xrf2);
	(xrf2) =	vadd.scan.msk.f32 $0xffff, v30;
	v30 =	vld [tilespmem:s28+$0x1C0]  }
0xde: {  	[tilespmem:s26+$0xD0] =	vst v56;
	v57, _, _ =	vpop (xrf2);
	(xrf2) =	vadd.scan.msk.f32 $0xffff, v31;
	v31 =	vld [tilespmem:s28+$0x1D0]  }
0xdf: {  	v59 =	vld [tilespmem:s28+$0x1E0];
	[tilespmem:s26+$0xE0] =	vst v57;
	v58, _, _ =	vpop (xrf2);
	(xrf2) =	vadd.scan.msk.f32 $0xffff, v51  }
0xe0: {  	v61 =	vld [tilespmem:s28+$0x1F0];
	[tilespmem:s26+$0xF0] =	vst v58;
	v60, _, _ =	vpop (xrf2);
	(xrf2) =	vadd.scan.msk.f32 $0xffff, v53  }
0xe1: {  	[tilespmem:s26+$0x100] =	vst v60;
	v62, _, _ =	vpop (xrf2);
	(xrf2) =	vadd.scan.msk.f32 $0xffff, v55  }
0xe2: {  	[tilespmem:s26+$0x110] =	vst v62;
	v63, _, _ =	vpop (xrf2);
	(xrf2) =	vadd.scan.msk.f32 $0xffff, v30  }
0xe3: {  	[tilespmem:s26+$0x120] =	vst v63;
	v30, _, _ =	vpop (xrf2);
	(xrf2) =	vadd.scan.msk.f32 $0xffff, v31  }
0xe4: {  	[tilespmem:s26+$0x130] =	vst v30;
	v30, _, _ =	vpop (xrf2);
	(xrf2) =	vadd.scan.msk.f32 $0xffff, v59  }
0xe5: {  	[tilespmem:s26+$0x140] =	vst v30;
	v30, _, _ =	vpop (xrf2);
	(xrf2) =	vadd.scan.msk.f32 $0xffff, v61  }
0xe6: {  	v31, _, _ =	vpop (xrf2);
	[tilespmem:s26+$0x150] =	vst v30  }
0xe7: {  	v30, _, _ =	vpop (xrf2);
	[tilespmem:s26+$0x160] =	vst v31  }
0xe8: {  	v31, _, _ =	vpop (xrf2);
	[tilespmem:s26+$0x170] =	vst v30  }
0xe9: {  	v30, _, _ =	vpop (xrf2);
	[tilespmem:s26+$0x180] =	vst v31  }
0xea: {  	s25 =	sadd.s32 $0x40, s25;
	v31, _, _ =	vpop (xrf2);
	[tilespmem:s26+$0x190] =	vst v30  }
0xeb: {  	p0 =	slt.u32 s25, $0xC0;
	v30, _, _ =	vpop (xrf2);
	[tilespmem:s26+$0x1A0] =	vst v31  }
.Ltmp2:
0xec: {  	v31, _, _ =	vpop (xrf2);
	[tilespmem:s26+$0x1B0] =	vst v30;
	(pc) =	sbr.rel @p0 .LBB2_7-.Ltmp2, $4  }
0xed: {  	v30, _, _ =	vpop (xrf2);
	[tilespmem:s26+$0x1C0] =	vst v31  }
0xee: {  	v31, _, _ =	vpop (xrf2);
	[tilespmem:s26+$0x1D0] =	vst v30  }
0xef: {  	[tilespmem:s26+$0x1E0] =	vst v31;
	v30, _, _ =	vpop (xrf2)  }
0xf0: {  	s28 =	sadd.s32 $0x400, s28;
	[tilespmem:s26+$0x1F0] =	vst v30;
	s26 =	sadd.s32 $0x400, s26  }
0xf1: {  	v30 =	vld [tilespmem:$0x12480];
	_ =	sdelay $0x1  }
0xf2: {  	v31 =	vld [tilespmem:$0x12490];
	_ =	sdelay $0x1  }
0xf3: {  	v32 =	vld [tilespmem:$0x124A0];
	_ =	sdelay $0x1  }
0xf4: {  	v33 =	vld [tilespmem:$0x124B0]  }
0xf5: {  	v34 =	vld [tilespmem:$0x124C0]  }
0xf6: {  	v30 =	vld.idx.msk [tilespmem:v30+s17+$0x0], $0xffff  }
0xf7: {  	v35 =	vld [tilespmem:$0x124D0]  }
0xf8: {  	v31 =	vld.idx.msk [tilespmem:v31+s17+$0x0], $0xffff  }
0xf9: {  	v36 =	vld [tilespmem:$0x124E0]  }
0xfa: {  	v32 =	vld.idx.msk [tilespmem:v32+s17+$0x0], $0xffff  }
0xfb: {  	v37 =	vld [tilespmem:$0x124F0];
	(xrf2) =	vadd.scan.msk.f32 $0xffff, v30  }
0xfc: {  	v33 =	vld.idx.msk [tilespmem:v33+s17+$0x0], $0xffff  }
0xfd: {  	v38 =	vld [tilespmem:$0x12500];
	(xrf2) =	vadd.scan.msk.f32 $0xffff, v31  }
0xfe: {  	v34 =	vld.idx.msk [tilespmem:v34+s17+$0x0], $0xffff  }
0xff: {  	v39 =	vld [tilespmem:$0x12510];
	(xrf2) =	vadd.scan.msk.f32 $0xffff, v32  }
0x100: {  	v35 =	vld.idx.msk [tilespmem:v35+s17+$0x0], $0xffff  }
0x101: {  	v40 =	vld [tilespmem:$0x12520];
	(xrf2) =	vadd.scan.msk.f32 $0xffff, v33  }
0x102: {  	v36 =	vld.idx.msk [tilespmem:v36+s17+$0x0], $0xffff  }
0x103: {  	v41 =	vld [tilespmem:$0x12530];
	(xrf2) =	vadd.scan.msk.f32 $0xffff, v34  }
0x104: {  	v37 =	vld.idx.msk [tilespmem:v37+s17+$0x0], $0xffff  }
0x105: {  	v44 =	vld [tilespmem:$0x12540];
	v42, _, _ =	vpop (xrf2);
	(xrf2) =	vadd.scan.msk.f32 $0xffff, v35  }
0x106: {  	v38 =	vld.idx.msk [tilespmem:v38+s17+$0x0], $0xffff;
	v43 =	vadd.f32 $0.0e+00, v42  }
0x107: {  	v47 =	vld [tilespmem:$0x12550];
	v45, _, _ =	vpop (xrf2);
	(xrf2) =	vadd.scan.msk.f32 $0xffff, v36  }
0x108: {  	v39 =	vld.idx.msk [tilespmem:v39+s17+$0x0], $0xffff;
	v46 =	vadd.f32 v45, v43  }
0x109: {  	v50 =	vld [tilespmem:$0x12560];
	v48, _, _ =	vpop (xrf2);
	(xrf2) =	vadd.scan.msk.f32 $0xffff, v37  }
0x10a: {  	v40 =	vld.idx.msk [tilespmem:v40+s17+$0x0], $0xffff;
	v49 =	vadd.f32 v48, v46  }
0x10b: {  	v53 =	vld [tilespmem:$0x12570];
	v51, _, _ =	vpop (xrf2);
	(xrf2) =	vadd.scan.msk.f32 $0xffff, v38  }
0x10c: {  	v41 =	vld.idx.msk [tilespmem:v41+s17+$0x0], $0xffff;
	v52 =	vadd.f32 v51, v49  }
0x10d: {  	v54, _, _ =	vpop (xrf2);
	(xrf2) =	vadd.scan.msk.f32 $0xffff, v39  }
0x10e: {  	v44 =	vld.idx.msk [tilespmem:v44+s17+$0x0], $0xffff;
	v55 =	vadd.f32 v54, v52  }
0x10f: {  	v56, _, _ =	vpop (xrf2);
	(xrf2) =	vadd.scan.msk.f32 $0xffff, v40  }
0x110: {  	v47 =	vld.idx.msk [tilespmem:v47+s17+$0x0], $0xffff;
	v57 =	vadd.f32 v56, v55  }
0x111: {  	v30 =	vsub.f32 v42, v30;
	v31 =	vsub.f32 v45, v31;
	v63, _, _ =	vpop (xrf2);
	(xrf2) =	vadd.scan.msk.f32 $0xffff, v41  }
0x112: {  	v50 =	vld.idx.msk [tilespmem:v50+s17+$0x0], $0xffff;
	v32 =	vsub.f32 v48, v32;
	v46 =	vbroadcast v46, $0xF;
	v48 =	vadd.f32 v63, v57  }
0x113: {  	v43 =	vbroadcast v43, $0xF;
	v30 =	vadd.f32 $0.0e+00, v30;
	v33 =	vsub.f32 v51, v33;
	v42, _, _ =	vpop (xrf2);
	(xrf2) =	vadd.scan.msk.f32 $0xffff, v44  }
0x114: {  	v32 =	vadd.f32 v32, v46;
	v46 =	vld.idx.msk [tilespmem:v53+s17+$0x0], $0xffff;
	v49 =	vbroadcast v49, $0xF;
	v58 =	vadd.f32 v42, v48  }
0x115: {  	v31 =	vadd.f32 v31, v43;
	v34 =	vsub.f32 v54, v34;
	v52 =	vbroadcast v52, $0xF;
	v59, _, _ =	vpop (xrf2);
	(xrf2) =	vadd.scan.msk.f32 $0xffff, v47  }
0x116: {  	[tilespmem:$0x12100] =	vst v30;
	v33 =	vadd.f32 v33, v49;
	v53 =	vadd.f32 v59, v58  }
0x117: {  	v60 =	vbroadcast v55, $0xF;
	v35 =	vsub.f32 v56, v35;
	v30 =	vadd.f32 v34, v52;
	v61, _, _ =	vpop (xrf2);
	(xrf2) =	vadd.scan.msk.f32 $0xffff, v50  }
0x118: {  	v36 =	vsub.f32 v63, v36;
	v34 =	vadd.f32 v61, v53  }
0x119: {  	v35 =	vadd.f32 v35, v60;
	v62 =	vbroadcast v57, $0xF;
	v37 =	vsub.f32 v42, v37;
	v63, _, _ =	vpop (xrf2);
	(xrf2) =	vadd.scan.msk.f32 $0xffff, v46  }
0x11a: {  	[tilespmem:$0x12110] =	vst v31;
	v56 =	vsub.f32 v59, v38;
	v42 =	vadd.f32 v63, v34  }
0x11b: {  	[tilespmem:$0x12120] =	vst v32;
	v31 =	vbroadcast v48, $0xF;
	v55 =	vadd.f32 v36, v62;
	v57 =	vbroadcast v58, $0xF;
	v52, _, _ =	vpop (xrf2)  }
0x11c: {  	[tilespmem:$0x12130] =	vst v33;
	v60 =	vsub.f32 v61, v39;
	v58 =	vadd.f32 v52, v42  }
0x11d: {  	[tilespmem:$0x12140] =	vst v30;
	v31 =	vadd.f32 v37, v31;
	v30 =	vadd.f32 v56, v57;
	v61 =	vbroadcast v53, $0xF;
	v59, _, _ =	vpop (xrf2)  }
0x11e: {  	[tilespmem:$0x12150] =	vst v35;
	v34 =	vbroadcast v34, $0xF;
	v62 =	vsub.f32 v63, v40;
	v63 =	vadd.f32 v59, v58  }
0x11f: {  	[tilespmem:$0x12160] =	vst v55;
	v49 =	vadd.f32 v60, v61;
	v51 =	vsub.f32 v52, v41;
	v45, _, _ =	vpop (xrf2)  }
0x120: {  	[tilespmem:$0x12170] =	vst v31;
	v52 =	vbroadcast v42, $0xF;
	v31 =	vadd.f32 v62, v34;
	v53 =	vadd.f32 v45, v63  }
0x121: {  	[tilespmem:$0x12180] =	vst v30;
	v55 =	vsub.f32 v59, v44;
	v54, _, _ =	vpop (xrf2);
	v57 =	vsub.f32 v45, v47;
	v33 =	vbroadcast v58, $0xF  }
0x122: {  	[tilespmem:$0x12190] =	vst v49;
	v30 =	vadd.f32 v51, v52;
	v56 =	vbroadcast v63, $0xF;
	v58 =	vadd.f32 v54, v53  }
0x123: {  	[tilespmem:$0x121A0] =	vst v31;
	v60 =	vsub.f32 v54, v50;
	v31 =	vadd.f32 v55, v33;
	v59 =	vbroadcast v53, $0xF;
	v61, _, _ =	vpop (xrf2)  }
0x124: {  	[tilespmem:$0x121B0] =	vst v30;
	v30 =	vadd.f32 v57, v56;
	v62 =	vsub.f32 v61, v46;
	v63 =	vbroadcast v58, $0xF  }
0x125: {  	[tilespmem:$0x121C0] =	vst v31;
	v31 =	vadd.f32 v60, v59  }
0x126: {  	[tilespmem:$0x121D0] =	vst v30;
	v30 =	vadd.f32 v62, v63  }
0x127: {  	[tilespmem:$0x121E0] =	vst v31  }
0x128: {  	[tilespmem:$0x121F0] =	vst v30  }
0x129: {  	v30 =	vld.idx.msk [tilespmem:v22+s17+$0x0], $0xffff  }
0x12a: {  	v31 =	vld.idx.msk [tilespmem:v26+s18+$0x0], $0xffff;
	_ =	sdelay $0x4  }
0x12b: {  	s25 =	sshll.u32 s23, $0x6;
	v30 =	vadd.f32 v31, v30  }
0x12c: {  	s25 =	sand.u32 $0x3FFFFFC0, s25  }
0x12d: {  	[tilespmem:s25+$0x12580] =	vst v30  }
0x12e: {  	v30 =	vld.idx.msk [tilespmem:v23+s17+$0x0], $0xffff  }
0x12f: {  	v31 =	vld.idx.msk [tilespmem:v27+s18+$0x0], $0xffff;
	_ =	sdelay $0x4  }
0x130: {  	v30 =	vadd.f32 v31, v30;
	_ =	sdelay $0x1  }
0x131: {  	[tilespmem:s25+$0x12590] =	vst v30  }
0x132: {  	v30 =	vld.idx.msk [tilespmem:v24+s17+$0x0], $0xffff  }
0x133: {  	v31 =	vld.idx.msk [tilespmem:v28+s18+$0x0], $0xffff;
	_ =	sdelay $0x4  }
0x134: {  	v30 =	vadd.f32 v31, v30;
	_ =	sdelay $0x1  }
0x135: {  	[tilespmem:s25+$0x125A0] =	vst v30  }
0x136: {  	v30 =	vld.idx.msk [tilespmem:v25+s17+$0x0], $0xffff  }
0x137: {  	v31 =	vld.idx.msk [tilespmem:v29+s18+$0x0], $0xffff  }
0x138: {  	s23 =	sadd.s32 $0x1, s23  }
0x139: {  	p0 =	sne.s32 s23, $0x8  }
.Ltmp3:
0x13a: {  	_ = 	snop;
	(pc) =	sbr.rel @p0 .LBB2_6-.Ltmp3, $3  }
0x13b: {  	_ = 	snop  }
0x13c: {  	v30 =	vadd.f32 v31, v30;
	_ =	sdelay $0x1  }
0x13d: {  	s24 =	sadd.s32 $0x1000, s24;
	[tilespmem:s25+$0x125B0] =	vst v30  }
0x13e: {  	s23 =	simm.s32 $0x0  }
0x13f: {  	[tilespmem:s11], [sflag:$0x1] =	stream.linear.gather [hbm4b:s7+s23], $0x8000, $0x38;
	[tilespmem:$0x13E00] =	vst v63  }
0x140: {  	_ =	swait.ge [sflag:s19], $0x8000  }
0x141: {  	[sflag:s19] =	ssyncset.done $0x0  }
0x142: {  	s24 =	simm.s32 $0x9280;
	[sflag:s19] =	ssyncadd.s32 $0xFFFF8000  }
.LBB2_10:
0x143: {  	s25 =	simm.s32 $0xFFFFFFC0;
	s26 =	simm.s32 $0x11280;
	s28 =	smov.u32 s24  }
.LBB2_11:
0x144: {  	v30 =	vld [tilespmem:s28+$0xFFFFFE00]  }
0x145: {  	v31 =	vld [tilespmem:s28+$0xFFFFFE10]  }
0x146: {  	v32 =	vld [tilespmem:s28+$0xFFFFFE20]  }
0x147: {  	v33 =	vld [tilespmem:s28+$0xFFFFFE30]  }
0x148: {  	v34 =	vld [tilespmem:s28+$0xFFFFFE40]  }
0x149: {  	(xrf2) =	vadd.scan.msk.f32 $0xffff, v30;
	v30 =	vld [tilespmem:s28+$0xFFFFFE50]  }
0x14a: {  	(xrf2) =	vadd.scan.msk.f32 $0xffff, v31;
	v31 =	vld [tilespmem:s28+$0xFFFFFE60]  }
0x14b: {  	v63 =	vld [tilespmem:s28+$0xFFFFFE70];
	(xrf2) =	vadd.scan.msk.f32 $0xffff, v32  }
0x14c: {  	v36 =	vld [tilespmem:s28+$0xFFFFFE80];
	(xrf2) =	vadd.scan.msk.f32 $0xffff, v33  }
0x14d: {  	v37 =	vld [tilespmem:s28+$0xFFFFFE90];
	(xrf2) =	vadd.scan.msk.f32 $0xffff, v34  }
0x14e: {  	(xrf2) =	vadd.scan.msk.f32 $0xffff, v30;
	v30 =	vld [tilespmem:s28+$0xFFFFFEA0]  }
0x14f: {  	(xrf2) =	vadd.scan.msk.f32 $0xffff, v31;
	v31 =	vld [tilespmem:s28+$0xFFFFFEB0]  }
0x150: {  	v38 =	vld [tilespmem:s28+$0xFFFFFEC0];
	(xrf2) =	vadd.scan.msk.f32 $0xffff, v63  }
0x151: {  	v39 =	vld [tilespmem:s28+$0xFFFFFED0];
	(xrf2) =	vadd.scan.msk.f32 $0xffff, v36  }
0x152: {  	v40 =	vld [tilespmem:s28+$0xFFFFFEE0];
	(xrf2) =	vadd.scan.msk.f32 $0xffff, v37  }
0x153: {  	v35, _, _ =	vpop (xrf2);
	(xrf2) =	vadd.scan.msk.f32 $0xffff, v30;
	v30 =	vld [tilespmem:s28+$0xFFFFFEF0]  }
0x154: {  	[tilespmem:s26+$0xFFFFFE00] =	vst v35;
	v41, _, _ =	vpop (xrf2);
	(xrf2) =	vadd.scan.msk.f32 $0xffff, v31;
	v31 =	vld [tilespmem:s28+$0xFFFFFF00]  }
0x155: {  	v43 =	vld [tilespmem:s28+$0xFFFFFF10];
	[tilespmem:s26+$0xFFFFFE10] =	vst v41;
	v42, _, _ =	vpop (xrf2);
	(xrf2) =	vadd.scan.msk.f32 $0xffff, v38  }
0x156: {  	v45 =	vld [tilespmem:s28+$0xFFFFFF20];
	[tilespmem:s26+$0xFFFFFE20] =	vst v42;
	v44, _, _ =	vpop (xrf2);
	(xrf2) =	vadd.scan.msk.f32 $0xffff, v39  }
0x157: {  	v47 =	vld [tilespmem:s28+$0xFFFFFF30];
	[tilespmem:s26+$0xFFFFFE30] =	vst v44;
	v46, _, _ =	vpop (xrf2);
	(xrf2) =	vadd.scan.msk.f32 $0xffff, v40  }
0x158: {  	[tilespmem:s26+$0xFFFFFE40] =	vst v46;
	v48, _, _ =	vpop (xrf2);
	(xrf2) =	vadd.scan.msk.f32 $0xffff, v30;
	v30 =	vld [tilespmem:s28+$0xFFFFFF40]  }
0x159: {  	[tilespmem:s26+$0xFFFFFE50] =	vst v48;
	v49, _, _ =	vpop (xrf2);
	(xrf2) =	vadd.scan.msk.f32 $0xffff, v31;
	v31 =	vld [tilespmem:s28+$0xFFFFFF50]  }
0x15a: {  	v51 =	vld [tilespmem:s28+$0xFFFFFF60];
	[tilespmem:s26+$0xFFFFFE60] =	vst v49;
	v50, _, _ =	vpop (xrf2);
	(xrf2) =	vadd.scan.msk.f32 $0xffff, v43  }
0x15b: {  	v53 =	vld [tilespmem:s28+$0xFFFFFF70];
	[tilespmem:s26+$0xFFFFFE70] =	vst v50;
	v52, _, _ =	vpop (xrf2);
	(xrf2) =	vadd.scan.msk.f32 $0xffff, v45  }
0x15c: {  	v55 =	vld [tilespmem:s28+$0xFFFFFF80];
	[tilespmem:s26+$0xFFFFFE80] =	vst v52;
	v54, _, _ =	vpop (xrf2);
	(xrf2) =	vadd.scan.msk.f32 $0xffff, v47  }
0x15d: {  	[tilespmem:s26+$0xFFFFFE90] =	vst v54;
	v56, _, _ =	vpop (xrf2);
	(xrf2) =	vadd.scan.msk.f32 $0xffff, v30;
	v30 =	vld [tilespmem:s28+$0xFFFFFF90]  }
0x15e: {  	[tilespmem:s26+$0xFFFFFEA0] =	vst v56;
	v57, _, _ =	vpop (xrf2);
	(xrf2) =	vadd.scan.msk.f32 $0xffff, v31;
	v31 =	vld [tilespmem:s28+$0xFFFFFFA0]  }
0x15f: {  	v59 =	vld [tilespmem:s28+$0xFFFFFFB0];
	[tilespmem:s26+$0xFFFFFEB0] =	vst v57;
	v58, _, _ =	vpop (xrf2);
	(xrf2) =	vadd.scan.msk.f32 $0xffff, v51  }
0x160: {  	v61 =	vld [tilespmem:s28+$0xFFFFFFC0];
	[tilespmem:s26+$0xFFFFFEC0] =	vst v58;
	v60, _, _ =	vpop (xrf2);
	(xrf2) =	vadd.scan.msk.f32 $0xffff, v53  }
0x161: {  	v63 =	vld [tilespmem:s28+$0xFFFFFFD0];
	[tilespmem:s26+$0xFFFFFED0] =	vst v60;
	v62, _, _ =	vpop (xrf2);
	(xrf2) =	vadd.scan.msk.f32 $0xffff, v55  }
0x162: {  	[tilespmem:s26+$0xFFFFFEE0] =	vst v62;
	v36, _, _ =	vpop (xrf2);
	(xrf2) =	vadd.scan.msk.f32 $0xffff, v30;
	v30 =	vld [tilespmem:s28+$0xFFFFFFE0]  }
0x163: {  	[tilespmem:s26+$0xFFFFFEF0] =	vst v36;
	v37, _, _ =	vpop (xrf2);
	(xrf2) =	vadd.scan.msk.f32 $0xffff, v31;
	v31 =	vld [tilespmem:s28+$0xFFFFFFF0]  }
0x164: {  	v39 =	vld [tilespmem:s28+$0x0];
	[tilespmem:s26+$0xFFFFFF00] =	vst v37;
	v38, _, _ =	vpop (xrf2);
	(xrf2) =	vadd.scan.msk.f32 $0xffff, v59  }
0x165: {  	v41 =	vld [tilespmem:s28+$0x10];
	[tilespmem:s26+$0xFFFFFF10] =	vst v38;
	v40, _, _ =	vpop (xrf2);
	(xrf2) =	vadd.scan.msk.f32 $0xffff, v61  }
0x166: {  	v43 =	vld [tilespmem:s28+$0x20];
	[tilespmem:s26+$0xFFFFFF20] =	vst v40;
	v42, _, _ =	vpop (xrf2);
	(xrf2) =	vadd.scan.msk.f32 $0xffff, v63  }
0x167: {  	[tilespmem:s26+$0xFFFFFF30] =	vst v42;
	v44, _, _ =	vpop (xrf2);
	(xrf2) =	vadd.scan.msk.f32 $0xffff, v30;
	v30 =	vld [tilespmem:s28+$0x30]  }
0x168: {  	[tilespmem:s26+$0xFFFFFF40] =	vst v44;
	v45, _, _ =	vpop (xrf2);
	(xrf2) =	vadd.scan.msk.f32 $0xffff, v31;
	v31 =	vld [tilespmem:s28+$0x40]  }
0x169: {  	v47 =	vld [tilespmem:s28+$0x50];
	[tilespmem:s26+$0xFFFFFF50] =	vst v45;
	v46, _, _ =	vpop (xrf2);
	(xrf2) =	vadd.scan.msk.f32 $0xffff, v39  }
0x16a: {  	v49 =	vld [tilespmem:s28+$0x60];
	[tilespmem:s26+$0xFFFFFF60] =	vst v46;
	v48, _, _ =	vpop (xrf2);
	(xrf2) =	vadd.scan.msk.f32 $0xffff, v41  }
0x16b: {  	v51 =	vld [tilespmem:s28+$0x70];
	[tilespmem:s26+$0xFFFFFF70] =	vst v48;
	v50, _, _ =	vpop (xrf2);
	(xrf2) =	vadd.scan.msk.f32 $0xffff, v43  }
0x16c: {  	[tilespmem:s26+$0xFFFFFF80] =	vst v50;
	v52, _, _ =	vpop (xrf2);
	(xrf2) =	vadd.scan.msk.f32 $0xffff, v30;
	v30 =	vld [tilespmem:s28+$0x80]  }
0x16d: {  	[tilespmem:s26+$0xFFFFFF90] =	vst v52;
	v53, _, _ =	vpop (xrf2);
	(xrf2) =	vadd.scan.msk.f32 $0xffff, v31;
	v31 =	vld [tilespmem:s28+$0x90]  }
0x16e: {  	v55 =	vld [tilespmem:s28+$0xA0];
	[tilespmem:s26+$0xFFFFFFA0] =	vst v53;
	v54, _, _ =	vpop (xrf2);
	(xrf2) =	vadd.scan.msk.f32 $0xffff, v47  }
0x16f: {  	v57 =	vld [tilespmem:s28+$0xB0];
	[tilespmem:s26+$0xFFFFFFB0] =	vst v54;
	v56, _, _ =	vpop (xrf2);
	(xrf2) =	vadd.scan.msk.f32 $0xffff, v49  }
0x170: {  	v59 =	vld [tilespmem:s28+$0xC0];
	[tilespmem:s26+$0xFFFFFFC0] =	vst v56;
	v58, _, _ =	vpop (xrf2);
	(xrf2) =	vadd.scan.msk.f32 $0xffff, v51  }
0x171: {  	[tilespmem:s26+$0xFFFFFFD0] =	vst v58;
	v60, _, _ =	vpop (xrf2);
	(xrf2) =	vadd.scan.msk.f32 $0xffff, v30;
	v30 =	vld [tilespmem:s28+$0xD0]  }
0x172: {  	[tilespmem:s26+$0xFFFFFFE0] =	vst v60;
	v61, _, _ =	vpop (xrf2);
	(xrf2) =	vadd.scan.msk.f32 $0xffff, v31;
	v31 =	vld [tilespmem:s28+$0xE0]  }
0x173: {  	v63 =	vld [tilespmem:s28+$0xF0];
	[tilespmem:s26+$0xFFFFFFF0] =	vst v61;
	v62, _, _ =	vpop (xrf2);
	(xrf2) =	vadd.scan.msk.f32 $0xffff, v55  }
0x174: {  	v37 =	vld [tilespmem:s28+$0x100];
	[tilespmem:s26+$0x0] =	vst v62;
	v36, _, _ =	vpop (xrf2);
	(xrf2) =	vadd.scan.msk.f32 $0xffff, v57  }
0x175: {  	v39 =	vld [tilespmem:s28+$0x110];
	[tilespmem:s26+$0x10] =	vst v36;
	v38, _, _ =	vpop (xrf2);
	(xrf2) =	vadd.scan.msk.f32 $0xffff, v59  }
0x176: {  	[tilespmem:s26+$0x20] =	vst v38;
	v40, _, _ =	vpop (xrf2);
	(xrf2) =	vadd.scan.msk.f32 $0xffff, v30;
	v30 =	vld [tilespmem:s28+$0x120]  }
0x177: {  	[tilespmem:s26+$0x30] =	vst v40;
	v41, _, _ =	vpop (xrf2);
	(xrf2) =	vadd.scan.msk.f32 $0xffff, v31;
	v31 =	vld [tilespmem:s28+$0x130]  }
0x178: {  	v43 =	vld [tilespmem:s28+$0x140];
	[tilespmem:s26+$0x40] =	vst v41;
	v42, _, _ =	vpop (xrf2);
	(xrf2) =	vadd.scan.msk.f32 $0xffff, v63  }
0x179: {  	v45 =	vld [tilespmem:s28+$0x150];
	[tilespmem:s26+$0x50] =	vst v42;
	v44, _, _ =	vpop (xrf2);
	(xrf2) =	vadd.scan.msk.f32 $0xffff, v37  }
0x17a: {  	v47 =	vld [tilespmem:s28+$0x160];
	[tilespmem:s26+$0x60] =	vst v44;
	v46, _, _ =	vpop (xrf2);
	(xrf2) =	vadd.scan.msk.f32 $0xffff, v39  }
0x17b: {  	[tilespmem:s26+$0x70] =	vst v46;
	v48, _, _ =	vpop (xrf2);
	(xrf2) =	vadd.scan.msk.f32 $0xffff, v30;
	v30 =	vld [tilespmem:s28+$0x170]  }
0x17c: {  	[tilespmem:s26+$0x80] =	vst v48;
	v49, _, _ =	vpop (xrf2);
	(xrf2) =	vadd.scan.msk.f32 $0xffff, v31;
	v31 =	vld [tilespmem:s28+$0x180]  }
0x17d: {  	v51 =	vld [tilespmem:s28+$0x190];
	[tilespmem:s26+$0x90] =	vst v49;
	v50, _, _ =	vpop (xrf2);
	(xrf2) =	vadd.scan.msk.f32 $0xffff, v43  }
0x17e: {  	v53 =	vld [tilespmem:s28+$0x1A0];
	[tilespmem:s26+$0xA0] =	vst v50;
	v52, _, _ =	vpop (xrf2);
	(xrf2) =	vadd.scan.msk.f32 $0xffff, v45  }
0x17f: {  	v55 =	vld [tilespmem:s28+$0x1B0];
	[tilespmem:s26+$0xB0] =	vst v52;
	v54, _, _ =	vpop (xrf2);
	(xrf2) =	vadd.scan.msk.f32 $0xffff, v47  }
0x180: {  	[tilespmem:s26+$0xC0] =	vst v54;
	v56, _, _ =	vpop (xrf2);
	(xrf2) =	vadd.scan.msk.f32 $0xffff, v30;
	v30 =	vld [tilespmem:s28+$0x1C0]  }
0x181: {  	[tilespmem:s26+$0xD0] =	vst v56;
	v57, _, _ =	vpop (xrf2);
	(xrf2) =	vadd.scan.msk.f32 $0xffff, v31;
	v31 =	vld [tilespmem:s28+$0x1D0]  }
0x182: {  	v59 =	vld [tilespmem:s28+$0x1E0];
	[tilespmem:s26+$0xE0] =	vst v57;
	v58, _, _ =	vpop (xrf2);
	(xrf2) =	vadd.scan.msk.f32 $0xffff, v51  }
0x183: {  	v61 =	vld [tilespmem:s28+$0x1F0];
	[tilespmem:s26+$0xF0] =	vst v58;
	v60, _, _ =	vpop (xrf2);
	(xrf2) =	vadd.scan.msk.f32 $0xffff, v53  }
0x184: {  	[tilespmem:s26+$0x100] =	vst v60;
	v62, _, _ =	vpop (xrf2);
	(xrf2) =	vadd.scan.msk.f32 $0xffff, v55  }
0x185: {  	[tilespmem:s26+$0x110] =	vst v62;
	v63, _, _ =	vpop (xrf2);
	(xrf2) =	vadd.scan.msk.f32 $0xffff, v30  }
0x186: {  	[tilespmem:s26+$0x120] =	vst v63;
	v30, _, _ =	vpop (xrf2);
	(xrf2) =	vadd.scan.msk.f32 $0xffff, v31  }
0x187: {  	[tilespmem:s26+$0x130] =	vst v30;
	v30, _, _ =	vpop (xrf2);
	(xrf2) =	vadd.scan.msk.f32 $0xffff, v59  }
0x188: {  	[tilespmem:s26+$0x140] =	vst v30;
	v30, _, _ =	vpop (xrf2);
	(xrf2) =	vadd.scan.msk.f32 $0xffff, v61  }
0x189: {  	v31, _, _ =	vpop (xrf2);
	[tilespmem:s26+$0x150] =	vst v30  }
0x18a: {  	v30, _, _ =	vpop (xrf2);
	[tilespmem:s26+$0x160] =	vst v31  }
0x18b: {  	v31, _, _ =	vpop (xrf2);
	[tilespmem:s26+$0x170] =	vst v30  }
0x18c: {  	v30, _, _ =	vpop (xrf2);
	[tilespmem:s26+$0x180] =	vst v31  }
0x18d: {  	s25 =	sadd.s32 $0x40, s25;
	v31, _, _ =	vpop (xrf2);
	[tilespmem:s26+$0x190] =	vst v30  }
0x18e: {  	p0 =	slt.u32 s25, $0xC0;
	v30, _, _ =	vpop (xrf2);
	[tilespmem:s26+$0x1A0] =	vst v31  }
.Ltmp4:
0x18f: {  	v31, _, _ =	vpop (xrf2);
	[tilespmem:s26+$0x1B0] =	vst v30;
	(pc) =	sbr.rel @p0 .LBB2_11-.Ltmp4, $4  }
0x190: {  	v30, _, _ =	vpop (xrf2);
	[tilespmem:s26+$0x1C0] =	vst v31  }
0x191: {  	v31, _, _ =	vpop (xrf2);
	[tilespmem:s26+$0x1D0] =	vst v30  }
0x192: {  	[tilespmem:s26+$0x1E0] =	vst v31;
	v30, _, _ =	vpop (xrf2)  }
0x193: {  	s28 =	sadd.s32 $0x400, s28;
	[tilespmem:s26+$0x1F0] =	vst v30;
	s26 =	sadd.s32 $0x400, s26  }
0x194: {  	v30 =	vld [tilespmem:$0x12480];
	_ =	sdelay $0x1  }
0x195: {  	v31 =	vld [tilespmem:$0x12490];
	_ =	sdelay $0x1  }
0x196: {  	v32 =	vld [tilespmem:$0x124A0];
	_ =	sdelay $0x1  }
0x197: {  	v33 =	vld [tilespmem:$0x124B0]  }
0x198: {  	v34 =	vld [tilespmem:$0x124C0]  }
0x199: {  	v30 =	vld.idx.msk [tilespmem:v30+s17+$0x0], $0xffff  }
0x19a: {  	v35 =	vld [tilespmem:$0x124D0]  }
0x19b: {  	v31 =	vld.idx.msk [tilespmem:v31+s17+$0x0], $0xffff  }
0x19c: {  	v36 =	vld [tilespmem:$0x124E0]  }
0x19d: {  	v32 =	vld.idx.msk [tilespmem:v32+s17+$0x0], $0xffff  }
0x19e: {  	v37 =	vld [tilespmem:$0x124F0];
	(xrf2) =	vadd.scan.msk.f32 $0xffff, v30  }
0x19f: {  	v33 =	vld.idx.msk [tilespmem:v33+s17+$0x0], $0xffff  }
0x1a0: {  	v38 =	vld [tilespmem:$0x12500];
	(xrf2) =	vadd.scan.msk.f32 $0xffff, v31  }
0x1a1: {  	v34 =	vld.idx.msk [tilespmem:v34+s17+$0x0], $0xffff  }
0x1a2: {  	v39 =	vld [tilespmem:$0x12510];
	(xrf2) =	vadd.scan.msk.f32 $0xffff, v32  }
0x1a3: {  	v35 =	vld.idx.msk [tilespmem:v35+s17+$0x0], $0xffff  }
0x1a4: {  	v40 =	vld [tilespmem:$0x12520];
	(xrf2) =	vadd.scan.msk.f32 $0xffff, v33  }
0x1a5: {  	v36 =	vld.idx.msk [tilespmem:v36+s17+$0x0], $0xffff  }
0x1a6: {  	v41 =	vld [tilespmem:$0x12530];
	(xrf2) =	vadd.scan.msk.f32 $0xffff, v34  }
0x1a7: {  	v37 =	vld.idx.msk [tilespmem:v37+s17+$0x0], $0xffff  }
0x1a8: {  	v44 =	vld [tilespmem:$0x12540];
	v42, _, _ =	vpop (xrf2);
	(xrf2) =	vadd.scan.msk.f32 $0xffff, v35  }
0x1a9: {  	v38 =	vld.idx.msk [tilespmem:v38+s17+$0x0], $0xffff;
	v43 =	vadd.f32 $0.0e+00, v42  }
0x1aa: {  	v47 =	vld [tilespmem:$0x12550];
	v45, _, _ =	vpop (xrf2);
	(xrf2) =	vadd.scan.msk.f32 $0xffff, v36  }
0x1ab: {  	v39 =	vld.idx.msk [tilespmem:v39+s17+$0x0], $0xffff;
	v46 =	vadd.f32 v45, v43  }
0x1ac: {  	v50 =	vld [tilespmem:$0x12560];
	v48, _, _ =	vpop (xrf2);
	(xrf2) =	vadd.scan.msk.f32 $0xffff, v37  }
0x1ad: {  	v40 =	vld.idx.msk [tilespmem:v40+s17+$0x0], $0xffff;
	v49 =	vadd.f32 v48, v46  }
0x1ae: {  	v53 =	vld [tilespmem:$0x12570];
	v51, _, _ =	vpop (xrf2);
	(xrf2) =	vadd.scan.msk.f32 $0xffff, v38  }
0x1af: {  	v41 =	vld.idx.msk [tilespmem:v41+s17+$0x0], $0xffff;
	v52 =	vadd.f32 v51, v49  }
0x1b0: {  	v54, _, _ =	vpop (xrf2);
	(xrf2) =	vadd.scan.msk.f32 $0xffff, v39  }
0x1b1: {  	v44 =	vld.idx.msk [tilespmem:v44+s17+$0x0], $0xffff;
	v55 =	vadd.f32 v54, v52  }
0x1b2: {  	v56, _, _ =	vpop (xrf2);
	(xrf2) =	vadd.scan.msk.f32 $0xffff, v40  }
0x1b3: {  	v47 =	vld.idx.msk [tilespmem:v47+s17+$0x0], $0xffff;
	v57 =	vadd.f32 v56, v55  }
0x1b4: {  	v30 =	vsub.f32 v42, v30;
	v31 =	vsub.f32 v45, v31;
	v63, _, _ =	vpop (xrf2);
	(xrf2) =	vadd.scan.msk.f32 $0xffff, v41  }
0x1b5: {  	v50 =	vld.idx.msk [tilespmem:v50+s17+$0x0], $0xffff;
	v32 =	vsub.f32 v48, v32;
	v46 =	vbroadcast v46, $0xF;
	v48 =	vadd.f32 v63, v57  }
0x1b6: {  	v43 =	vbroadcast v43, $0xF;
	v30 =	vadd.f32 $0.0e+00, v30;
	v33 =	vsub.f32 v51, v33;
	v42, _, _ =	vpop (xrf2);
	(xrf2) =	vadd.scan.msk.f32 $0xffff, v44  }
0x1b7: {  	v32 =	vadd.f32 v32, v46;
	v46 =	vld.idx.msk [tilespmem:v53+s17+$0x0], $0xffff;
	v49 =	vbroadcast v49, $0xF;
	v58 =	vadd.f32 v42, v48  }
0x1b8: {  	v31 =	vadd.f32 v31, v43;
	v34 =	vsub.f32 v54, v34;
	v52 =	vbroadcast v52, $0xF;
	v59, _, _ =	vpop (xrf2);
	(xrf2) =	vadd.scan.msk.f32 $0xffff, v47  }
0x1b9: {  	[tilespmem:$0x12100] =	vst v30;
	v33 =	vadd.f32 v33, v49;
	v53 =	vadd.f32 v59, v58  }
0x1ba: {  	v60 =	vbroadcast v55, $0xF;
	v35 =	vsub.f32 v56, v35;
	v30 =	vadd.f32 v34, v52;
	v61, _, _ =	vpop (xrf2);
	(xrf2) =	vadd.scan.msk.f32 $0xffff, v50  }
0x1bb: {  	v36 =	vsub.f32 v63, v36;
	v34 =	vadd.f32 v61, v53  }
0x1bc: {  	v35 =	vadd.f32 v35, v60;
	v62 =	vbroadcast v57, $0xF;
	v37 =	vsub.f32 v42, v37;
	v63, _, _ =	vpop (xrf2);
	(xrf2) =	vadd.scan.msk.f32 $0xffff, v46  }
0x1bd: {  	[tilespmem:$0x12110] =	vst v31;
	v56 =	vsub.f32 v59, v38;
	v42 =	vadd.f32 v63, v34  }
0x1be: {  	[tilespmem:$0x12120] =	vst v32;
	v31 =	vbroadcast v48, $0xF;
	v55 =	vadd.f32 v36, v62;
	v57 =	vbroadcast v58, $0xF;
	v52, _, _ =	vpop (xrf2)  }
0x1bf: {  	[tilespmem:$0x12130] =	vst v33;
	v60 =	vsub.f32 v61, v39;
	v58 =	vadd.f32 v52, v42  }
0x1c0: {  	[tilespmem:$0x12140] =	vst v30;
	v31 =	vadd.f32 v37, v31;
	v30 =	vadd.f32 v56, v57;
	v61 =	vbroadcast v53, $0xF;
	v59, _, _ =	vpop (xrf2)  }
0x1c1: {  	[tilespmem:$0x12150] =	vst v35;
	v34 =	vbroadcast v34, $0xF;
	v62 =	vsub.f32 v63, v40;
	v63 =	vadd.f32 v59, v58  }
0x1c2: {  	[tilespmem:$0x12160] =	vst v55;
	v49 =	vadd.f32 v60, v61;
	v51 =	vsub.f32 v52, v41;
	v45, _, _ =	vpop (xrf2)  }
0x1c3: {  	[tilespmem:$0x12170] =	vst v31;
	v52 =	vbroadcast v42, $0xF;
	v31 =	vadd.f32 v62, v34;
	v53 =	vadd.f32 v45, v63  }
0x1c4: {  	[tilespmem:$0x12180] =	vst v30;
	v55 =	vsub.f32 v59, v44;
	v54, _, _ =	vpop (xrf2);
	v57 =	vsub.f32 v45, v47;
	v33 =	vbroadcast v58, $0xF  }
0x1c5: {  	[tilespmem:$0x12190] =	vst v49;
	v30 =	vadd.f32 v51, v52;
	v56 =	vbroadcast v63, $0xF;
	v58 =	vadd.f32 v54, v53  }
0x1c6: {  	[tilespmem:$0x121A0] =	vst v31;
	v60 =	vsub.f32 v54, v50;
	v31 =	vadd.f32 v55, v33;
	v59 =	vbroadcast v53, $0xF;
	v61, _, _ =	vpop (xrf2)  }
0x1c7: {  	[tilespmem:$0x121B0] =	vst v30;
	v30 =	vadd.f32 v57, v56;
	v62 =	vsub.f32 v61, v46;
	v63 =	vbroadcast v58, $0xF  }
0x1c8: {  	[tilespmem:$0x121C0] =	vst v31;
	v31 =	vadd.f32 v60, v59  }
0x1c9: {  	[tilespmem:$0x121D0] =	vst v30;
	v30 =	vadd.f32 v62, v63  }
0x1ca: {  	[tilespmem:$0x121E0] =	vst v31  }
0x1cb: {  	[tilespmem:$0x121F0] =	vst v30  }
0x1cc: {  	v30 =	vld.idx.msk [tilespmem:v22+s17+$0x0], $0xffff  }
0x1cd: {  	v31 =	vld.idx.msk [tilespmem:v26+s18+$0x0], $0xffff;
	_ =	sdelay $0x4  }
0x1ce: {  	s25 =	sshll.u32 s23, $0x6;
	v30 =	vadd.f32 v31, v30  }
0x1cf: {  	s26 =	sand.u32 $0x1C0, s25  }
0x1d0: {  	[tilespmem:s26+$0x12780] =	vst v30  }
0x1d1: {  	v30 =	vld.idx.msk [tilespmem:v23+s17+$0x0], $0xffff  }
0x1d2: {  	v31 =	vld.idx.msk [tilespmem:v27+s18+$0x0], $0xffff;
	_ =	sdelay $0x4  }
0x1d3: {  	v30 =	vadd.f32 v31, v30;
	_ =	sdelay $0x1  }
0x1d4: {  	[tilespmem:s25+$0x12790] =	vst v30  }
0x1d5: {  	v30 =	vld.idx.msk [tilespmem:v24+s17+$0x0], $0xffff  }
0x1d6: {  	v31 =	vld.idx.msk [tilespmem:v28+s18+$0x0], $0xffff;
	_ =	sdelay $0x4  }
0x1d7: {  	v30 =	vadd.f32 v31, v30;
	_ =	sdelay $0x1  }
0x1d8: {  	[tilespmem:s25+$0x127A0] =	vst v30  }
0x1d9: {  	v30 =	vld.idx.msk [tilespmem:v25+s17+$0x0], $0xffff  }
0x1da: {  	v31 =	vld.idx.msk [tilespmem:v29+s18+$0x0], $0xffff  }
0x1db: {  	s23 =	sadd.s32 $0x1, s23  }
0x1dc: {  	p0 =	sne.s32 s23, $0x8  }
.Ltmp5:
0x1dd: {  	_ = 	snop;
	(pc) =	sbr.rel @p0 .LBB2_10-.Ltmp5, $3  }
0x1de: {  	_ = 	snop  }
0x1df: {  	v30 =	vadd.f32 v31, v30;
	_ =	sdelay $0x1  }
0x1e0: {  	s24 =	sadd.s32 $0x1000, s24;
	[tilespmem:s25+$0x127B0] =	vst v30  }
0x1e1: {  	s23 =	simm.s32 $0x0  }
0x1e2: {  	[tilespmem:s15], [sflag:$0x2] =	stream.linear.gather [hbm4b:s8+s23], $0x8000, $0x38;
	[tilespmem:$0x13E00] =	vst v63  }
0x1e3: {  	_ =	swait.ge [sflag:s16], $0x8000  }
0x1e4: {  	[sflag:s16] =	ssyncset.done $0x0  }
0x1e5: {  	s24 =	simm.s32 $0x1280;
	[sflag:s16] =	ssyncadd.s32 $0xFFFF8000  }
.LBB2_14:
0x1e6: {  	s25 =	simm.s32 $0xFFFFFFC0;
	s26 =	simm.s32 $0x11280;
	s28 =	smov.u32 s24  }
.LBB2_15:
0x1e7: {  	v30 =	vld [tilespmem:s28+$0xFFFFFE00]  }
0x1e8: {  	v31 =	vld [tilespmem:s28+$0xFFFFFE10]  }
0x1e9: {  	v32 =	vld [tilespmem:s28+$0xFFFFFE20]  }
0x1ea: {  	v33 =	vld [tilespmem:s28+$0xFFFFFE30]  }
0x1eb: {  	v34 =	vld [tilespmem:s28+$0xFFFFFE40]  }
0x1ec: {  	(xrf2) =	vadd.scan.msk.f32 $0xffff, v30;
	v30 =	vld [tilespmem:s28+$0xFFFFFE50]  }
0x1ed: {  	(xrf2) =	vadd.scan.msk.f32 $0xffff, v31;
	v31 =	vld [tilespmem:s28+$0xFFFFFE60]  }
0x1ee: {  	v63 =	vld [tilespmem:s28+$0xFFFFFE70];
	(xrf2) =	vadd.scan.msk.f32 $0xffff, v32  }
0x1ef: {  	v36 =	vld [tilespmem:s28+$0xFFFFFE80];
	(xrf2) =	vadd.scan.msk.f32 $0xffff, v33  }
0x1f0: {  	v37 =	vld [tilespmem:s28+$0xFFFFFE90];
	(xrf2) =	vadd.scan.msk.f32 $0xffff, v34  }
0x1f1: {  	(xrf2) =	vadd.scan.msk.f32 $0xffff, v30;
	v30 =	vld [tilespmem:s28+$0xFFFFFEA0]  }
0x1f2: {  	(xrf2) =	vadd.scan.msk.f32 $0xffff, v31;
	v31 =	vld [tilespmem:s28+$0xFFFFFEB0]  }
0x1f3: {  	v38 =	vld [tilespmem:s28+$0xFFFFFEC0];
	(xrf2) =	vadd.scan.msk.f32 $0xffff, v63  }
0x1f4: {  	v39 =	vld [tilespmem:s28+$0xFFFFFED0];
	(xrf2) =	vadd.scan.msk.f32 $0xffff, v36  }
0x1f5: {  	v40 =	vld [tilespmem:s28+$0xFFFFFEE0];
	(xrf2) =	vadd.scan.msk.f32 $0xffff, v37  }
0x1f6: {  	v35, _, _ =	vpop (xrf2);
	(xrf2) =	vadd.scan.msk.f32 $0xffff, v30;
	v30 =	vld [tilespmem:s28+$0xFFFFFEF0]  }
0x1f7: {  	[tilespmem:s26+$0xFFFFFE00] =	vst v35;
	v41, _, _ =	vpop (xrf2);
	(xrf2) =	vadd.scan.msk.f32 $0xffff, v31;
	v31 =	vld [tilespmem:s28+$0xFFFFFF00]  }
0x1f8: {  	v43 =	vld [tilespmem:s28+$0xFFFFFF10];
	[tilespmem:s26+$0xFFFFFE10] =	vst v41;
	v42, _, _ =	vpop (xrf2);
	(xrf2) =	vadd.scan.msk.f32 $0xffff, v38  }
0x1f9: {  	v45 =	vld [tilespmem:s28+$0xFFFFFF20];
	[tilespmem:s26+$0xFFFFFE20] =	vst v42;
	v44, _, _ =	vpop (xrf2);
	(xrf2) =	vadd.scan.msk.f32 $0xffff, v39  }
0x1fa: {  	v47 =	vld [tilespmem:s28+$0xFFFFFF30];
	[tilespmem:s26+$0xFFFFFE30] =	vst v44;
	v46, _, _ =	vpop (xrf2);
	(xrf2) =	vadd.scan.msk.f32 $0xffff, v40  }
0x1fb: {  	[tilespmem:s26+$0xFFFFFE40] =	vst v46;
	v48, _, _ =	vpop (xrf2);
	(xrf2) =	vadd.scan.msk.f32 $0xffff, v30;
	v30 =	vld [tilespmem:s28+$0xFFFFFF40]  }
0x1fc: {  	[tilespmem:s26+$0xFFFFFE50] =	vst v48;
	v49, _, _ =	vpop (xrf2);
	(xrf2) =	vadd.scan.msk.f32 $0xffff, v31;
	v31 =	vld [tilespmem:s28+$0xFFFFFF50]  }
0x1fd: {  	v51 =	vld [tilespmem:s28+$0xFFFFFF60];
	[tilespmem:s26+$0xFFFFFE60] =	vst v49;
	v50, _, _ =	vpop (xrf2);
	(xrf2) =	vadd.scan.msk.f32 $0xffff, v43  }
0x1fe: {  	v53 =	vld [tilespmem:s28+$0xFFFFFF70];
	[tilespmem:s26+$0xFFFFFE70] =	vst v50;
	v52, _, _ =	vpop (xrf2);
	(xrf2) =	vadd.scan.msk.f32 $0xffff, v45  }
0x1ff: {  	v55 =	vld [tilespmem:s28+$0xFFFFFF80];
	[tilespmem:s26+$0xFFFFFE80] =	vst v52;
	v54, _, _ =	vpop (xrf2);
	(xrf2) =	vadd.scan.msk.f32 $0xffff, v47  }
0x200: {  	[tilespmem:s26+$0xFFFFFE90] =	vst v54;
	v56, _, _ =	vpop (xrf2);
	(xrf2) =	vadd.scan.msk.f32 $0xffff, v30;
	v30 =	vld [tilespmem:s28+$0xFFFFFF90]  }
0x201: {  	[tilespmem:s26+$0xFFFFFEA0] =	vst v56;
	v57, _, _ =	vpop (xrf2);
	(xrf2) =	vadd.scan.msk.f32 $0xffff, v31;
	v31 =	vld [tilespmem:s28+$0xFFFFFFA0]  }
0x202: {  	v59 =	vld [tilespmem:s28+$0xFFFFFFB0];
	[tilespmem:s26+$0xFFFFFEB0] =	vst v57;
	v58, _, _ =	vpop (xrf2);
	(xrf2) =	vadd.scan.msk.f32 $0xffff, v51  }
0x203: {  	v61 =	vld [tilespmem:s28+$0xFFFFFFC0];
	[tilespmem:s26+$0xFFFFFEC0] =	vst v58;
	v60, _, _ =	vpop (xrf2);
	(xrf2) =	vadd.scan.msk.f32 $0xffff, v53  }
0x204: {  	v63 =	vld [tilespmem:s28+$0xFFFFFFD0];
	[tilespmem:s26+$0xFFFFFED0] =	vst v60;
	v62, _, _ =	vpop (xrf2);
	(xrf2) =	vadd.scan.msk.f32 $0xffff, v55  }
0x205: {  	[tilespmem:s26+$0xFFFFFEE0] =	vst v62;
	v36, _, _ =	vpop (xrf2);
	(xrf2) =	vadd.scan.msk.f32 $0xffff, v30;
	v30 =	vld [tilespmem:s28+$0xFFFFFFE0]  }
0x206: {  	[tilespmem:s26+$0xFFFFFEF0] =	vst v36;
	v37, _, _ =	vpop (xrf2);
	(xrf2) =	vadd.scan.msk.f32 $0xffff, v31;
	v31 =	vld [tilespmem:s28+$0xFFFFFFF0]  }
0x207: {  	v39 =	vld [tilespmem:s28+$0x0];
	[tilespmem:s26+$0xFFFFFF00] =	vst v37;
	v38, _, _ =	vpop (xrf2);
	(xrf2) =	vadd.scan.msk.f32 $0xffff, v59  }
0x208: {  	v41 =	vld [tilespmem:s28+$0x10];
	[tilespmem:s26+$0xFFFFFF10] =	vst v38;
	v40, _, _ =	vpop (xrf2);
	(xrf2) =	vadd.scan.msk.f32 $0xffff, v61  }
0x209: {  	v43 =	vld [tilespmem:s28+$0x20];
	[tilespmem:s26+$0xFFFFFF20] =	vst v40;
	v42, _, _ =	vpop (xrf2);
	(xrf2) =	vadd.scan.msk.f32 $0xffff, v63  }
0x20a: {  	[tilespmem:s26+$0xFFFFFF30] =	vst v42;
	v44, _, _ =	vpop (xrf2);
	(xrf2) =	vadd.scan.msk.f32 $0xffff, v30;
	v30 =	vld [tilespmem:s28+$0x30]  }
0x20b: {  	[tilespmem:s26+$0xFFFFFF40] =	vst v44;
	v45, _, _ =	vpop (xrf2);
	(xrf2) =	vadd.scan.msk.f32 $0xffff, v31;
	v31 =	vld [tilespmem:s28+$0x40]  }
0x20c: {  	v47 =	vld [tilespmem:s28+$0x50];
	[tilespmem:s26+$0xFFFFFF50] =	vst v45;
	v46, _, _ =	vpop (xrf2);
	(xrf2) =	vadd.scan.msk.f32 $0xffff, v39  }
0x20d: {  	v49 =	vld [tilespmem:s28+$0x60];
	[tilespmem:s26+$0xFFFFFF60] =	vst v46;
	v48, _, _ =	vpop (xrf2);
	(xrf2) =	vadd.scan.msk.f32 $0xffff, v41  }
0x20e: {  	v51 =	vld [tilespmem:s28+$0x70];
	[tilespmem:s26+$0xFFFFFF70] =	vst v48;
	v50, _, _ =	vpop (xrf2);
	(xrf2) =	vadd.scan.msk.f32 $0xffff, v43  }
0x20f: {  	[tilespmem:s26+$0xFFFFFF80] =	vst v50;
	v52, _, _ =	vpop (xrf2);
	(xrf2) =	vadd.scan.msk.f32 $0xffff, v30;
	v30 =	vld [tilespmem:s28+$0x80]  }
0x210: {  	[tilespmem:s26+$0xFFFFFF90] =	vst v52;
	v53, _, _ =	vpop (xrf2);
	(xrf2) =	vadd.scan.msk.f32 $0xffff, v31;
	v31 =	vld [tilespmem:s28+$0x90]  }
0x211: {  	v55 =	vld [tilespmem:s28+$0xA0];
	[tilespmem:s26+$0xFFFFFFA0] =	vst v53;
	v54, _, _ =	vpop (xrf2);
	(xrf2) =	vadd.scan.msk.f32 $0xffff, v47  }
0x212: {  	v57 =	vld [tilespmem:s28+$0xB0];
	[tilespmem:s26+$0xFFFFFFB0] =	vst v54;
	v56, _, _ =	vpop (xrf2);
	(xrf2) =	vadd.scan.msk.f32 $0xffff, v49  }
0x213: {  	v59 =	vld [tilespmem:s28+$0xC0];
	[tilespmem:s26+$0xFFFFFFC0] =	vst v56;
	v58, _, _ =	vpop (xrf2);
	(xrf2) =	vadd.scan.msk.f32 $0xffff, v51  }
0x214: {  	[tilespmem:s26+$0xFFFFFFD0] =	vst v58;
	v60, _, _ =	vpop (xrf2);
	(xrf2) =	vadd.scan.msk.f32 $0xffff, v30;
	v30 =	vld [tilespmem:s28+$0xD0]  }
0x215: {  	[tilespmem:s26+$0xFFFFFFE0] =	vst v60;
	v61, _, _ =	vpop (xrf2);
	(xrf2) =	vadd.scan.msk.f32 $0xffff, v31;
	v31 =	vld [tilespmem:s28+$0xE0]  }
0x216: {  	v63 =	vld [tilespmem:s28+$0xF0];
	[tilespmem:s26+$0xFFFFFFF0] =	vst v61;
	v62, _, _ =	vpop (xrf2);
	(xrf2) =	vadd.scan.msk.f32 $0xffff, v55  }
0x217: {  	v37 =	vld [tilespmem:s28+$0x100];
	[tilespmem:s26+$0x0] =	vst v62;
	v36, _, _ =	vpop (xrf2);
	(xrf2) =	vadd.scan.msk.f32 $0xffff, v57  }
0x218: {  	v39 =	vld [tilespmem:s28+$0x110];
	[tilespmem:s26+$0x10] =	vst v36;
	v38, _, _ =	vpop (xrf2);
	(xrf2) =	vadd.scan.msk.f32 $0xffff, v59  }
0x219: {  	[tilespmem:s26+$0x20] =	vst v38;
	v40, _, _ =	vpop (xrf2);
	(xrf2) =	vadd.scan.msk.f32 $0xffff, v30;
	v30 =	vld [tilespmem:s28+$0x120]  }
0x21a: {  	[tilespmem:s26+$0x30] =	vst v40;
	v41, _, _ =	vpop (xrf2);
	(xrf2) =	vadd.scan.msk.f32 $0xffff, v31;
	v31 =	vld [tilespmem:s28+$0x130]  }
0x21b: {  	v43 =	vld [tilespmem:s28+$0x140];
	[tilespmem:s26+$0x40] =	vst v41;
	v42, _, _ =	vpop (xrf2);
	(xrf2) =	vadd.scan.msk.f32 $0xffff, v63  }
0x21c: {  	v45 =	vld [tilespmem:s28+$0x150];
	[tilespmem:s26+$0x50] =	vst v42;
	v44, _, _ =	vpop (xrf2);
	(xrf2) =	vadd.scan.msk.f32 $0xffff, v37  }
0x21d: {  	v47 =	vld [tilespmem:s28+$0x160];
	[tilespmem:s26+$0x60] =	vst v44;
	v46, _, _ =	vpop (xrf2);
	(xrf2) =	vadd.scan.msk.f32 $0xffff, v39  }
0x21e: {  	[tilespmem:s26+$0x70] =	vst v46;
	v48, _, _ =	vpop (xrf2);
	(xrf2) =	vadd.scan.msk.f32 $0xffff, v30;
	v30 =	vld [tilespmem:s28+$0x170]  }
0x21f: {  	[tilespmem:s26+$0x80] =	vst v48;
	v49, _, _ =	vpop (xrf2);
	(xrf2) =	vadd.scan.msk.f32 $0xffff, v31;
	v31 =	vld [tilespmem:s28+$0x180]  }
0x220: {  	v51 =	vld [tilespmem:s28+$0x190];
	[tilespmem:s26+$0x90] =	vst v49;
	v50, _, _ =	vpop (xrf2);
	(xrf2) =	vadd.scan.msk.f32 $0xffff, v43  }
0x221: {  	v53 =	vld [tilespmem:s28+$0x1A0];
	[tilespmem:s26+$0xA0] =	vst v50;
	v52, _, _ =	vpop (xrf2);
	(xrf2) =	vadd.scan.msk.f32 $0xffff, v45  }
0x222: {  	v55 =	vld [tilespmem:s28+$0x1B0];
	[tilespmem:s26+$0xB0] =	vst v52;
	v54, _, _ =	vpop (xrf2);
	(xrf2) =	vadd.scan.msk.f32 $0xffff, v47  }
0x223: {  	[tilespmem:s26+$0xC0] =	vst v54;
	v56, _, _ =	vpop (xrf2);
	(xrf2) =	vadd.scan.msk.f32 $0xffff, v30;
	v30 =	vld [tilespmem:s28+$0x1C0]  }
0x224: {  	[tilespmem:s26+$0xD0] =	vst v56;
	v57, _, _ =	vpop (xrf2);
	(xrf2) =	vadd.scan.msk.f32 $0xffff, v31;
	v31 =	vld [tilespmem:s28+$0x1D0]  }
0x225: {  	v59 =	vld [tilespmem:s28+$0x1E0];
	[tilespmem:s26+$0xE0] =	vst v57;
	v58, _, _ =	vpop (xrf2);
	(xrf2) =	vadd.scan.msk.f32 $0xffff, v51  }
0x226: {  	v61 =	vld [tilespmem:s28+$0x1F0];
	[tilespmem:s26+$0xF0] =	vst v58;
	v60, _, _ =	vpop (xrf2);
	(xrf2) =	vadd.scan.msk.f32 $0xffff, v53  }
0x227: {  	[tilespmem:s26+$0x100] =	vst v60;
	v62, _, _ =	vpop (xrf2);
	(xrf2) =	vadd.scan.msk.f32 $0xffff, v55  }
0x228: {  	[tilespmem:s26+$0x110] =	vst v62;
	v63, _, _ =	vpop (xrf2);
	(xrf2) =	vadd.scan.msk.f32 $0xffff, v30  }
0x229: {  	[tilespmem:s26+$0x120] =	vst v63;
	v30, _, _ =	vpop (xrf2);
	(xrf2) =	vadd.scan.msk.f32 $0xffff, v31  }
0x22a: {  	[tilespmem:s26+$0x130] =	vst v30;
	v30, _, _ =	vpop (xrf2);
	(xrf2) =	vadd.scan.msk.f32 $0xffff, v59  }
0x22b: {  	[tilespmem:s26+$0x140] =	vst v30;
	v30, _, _ =	vpop (xrf2);
	(xrf2) =	vadd.scan.msk.f32 $0xffff, v61  }
0x22c: {  	v31, _, _ =	vpop (xrf2);
	[tilespmem:s26+$0x150] =	vst v30  }
0x22d: {  	v30, _, _ =	vpop (xrf2);
	[tilespmem:s26+$0x160] =	vst v31  }
0x22e: {  	v31, _, _ =	vpop (xrf2);
	[tilespmem:s26+$0x170] =	vst v30  }
0x22f: {  	v30, _, _ =	vpop (xrf2);
	[tilespmem:s26+$0x180] =	vst v31  }
0x230: {  	s25 =	sadd.s32 $0x40, s25;
	v31, _, _ =	vpop (xrf2);
	[tilespmem:s26+$0x190] =	vst v30  }
0x231: {  	p0 =	slt.u32 s25, $0xC0;
	v30, _, _ =	vpop (xrf2);
	[tilespmem:s26+$0x1A0] =	vst v31  }
.Ltmp6:
0x232: {  	v31, _, _ =	vpop (xrf2);
	[tilespmem:s26+$0x1B0] =	vst v30;
	(pc) =	sbr.rel @p0 .LBB2_15-.Ltmp6, $4  }
0x233: {  	v30, _, _ =	vpop (xrf2);
	[tilespmem:s26+$0x1C0] =	vst v31  }
0x234: {  	v31, _, _ =	vpop (xrf2);
	[tilespmem:s26+$0x1D0] =	vst v30  }
0x235: {  	[tilespmem:s26+$0x1E0] =	vst v31;
	v30, _, _ =	vpop (xrf2)  }
0x236: {  	s28 =	sadd.s32 $0x400, s28;
	[tilespmem:s26+$0x1F0] =	vst v30;
	s26 =	sadd.s32 $0x400, s26  }
0x237: {  	v30 =	vld [tilespmem:$0x12480];
	_ =	sdelay $0x1  }
0x238: {  	v31 =	vld [tilespmem:$0x12490];
	_ =	sdelay $0x1  }
0x239: {  	v32 =	vld [tilespmem:$0x124A0];
	_ =	sdelay $0x1  }
0x23a: {  	v33 =	vld [tilespmem:$0x124B0]  }
0x23b: {  	v34 =	vld [tilespmem:$0x124C0]  }
0x23c: {  	v30 =	vld.idx.msk [tilespmem:v30+s17+$0x0], $0xffff  }
0x23d: {  	v35 =	vld [tilespmem:$0x124D0]  }
0x23e: {  	v31 =	vld.idx.msk [tilespmem:v31+s17+$0x0], $0xffff  }
0x23f: {  	v36 =	vld [tilespmem:$0x124E0]  }
0x240: {  	v32 =	vld.idx.msk [tilespmem:v32+s17+$0x0], $0xffff  }
0x241: {  	v37 =	vld [tilespmem:$0x124F0];
	(xrf2) =	vadd.scan.msk.f32 $0xffff, v30  }
0x242: {  	v33 =	vld.idx.msk [tilespmem:v33+s17+$0x0], $0xffff  }
0x243: {  	v38 =	vld [tilespmem:$0x12500];
	(xrf2) =	vadd.scan.msk.f32 $0xffff, v31  }
0x244: {  	v34 =	vld.idx.msk [tilespmem:v34+s17+$0x0], $0xffff  }
0x245: {  	v39 =	vld [tilespmem:$0x12510];
	(xrf2) =	vadd.scan.msk.f32 $0xffff, v32  }
0x246: {  	v35 =	vld.idx.msk [tilespmem:v35+s17+$0x0], $0xffff  }
0x247: {  	v40 =	vld [tilespmem:$0x12520];
	(xrf2) =	vadd.scan.msk.f32 $0xffff, v33  }
0x248: {  	v36 =	vld.idx.msk [tilespmem:v36+s17+$0x0], $0xffff  }
0x249: {  	v41 =	vld [tilespmem:$0x12530];
	(xrf2) =	vadd.scan.msk.f32 $0xffff, v34  }
0x24a: {  	v37 =	vld.idx.msk [tilespmem:v37+s17+$0x0], $0xffff  }
0x24b: {  	v44 =	vld [tilespmem:$0x12540];
	v42, _, _ =	vpop (xrf2);
	(xrf2) =	vadd.scan.msk.f32 $0xffff, v35  }
0x24c: {  	v38 =	vld.idx.msk [tilespmem:v38+s17+$0x0], $0xffff;
	v43 =	vadd.f32 $0.0e+00, v42  }
0x24d: {  	v47 =	vld [tilespmem:$0x12550];
	v45, _, _ =	vpop (xrf2);
	(xrf2) =	vadd.scan.msk.f32 $0xffff, v36  }
0x24e: {  	v39 =	vld.idx.msk [tilespmem:v39+s17+$0x0], $0xffff;
	v46 =	vadd.f32 v45, v43  }
0x24f: {  	v50 =	vld [tilespmem:$0x12560];
	v48, _, _ =	vpop (xrf2);
	(xrf2) =	vadd.scan.msk.f32 $0xffff, v37  }
0x250: {  	v40 =	vld.idx.msk [tilespmem:v40+s17+$0x0], $0xffff;
	v49 =	vadd.f32 v48, v46  }
0x251: {  	v53 =	vld [tilespmem:$0x12570];
	v51, _, _ =	vpop (xrf2);
	(xrf2) =	vadd.scan.msk.f32 $0xffff, v38  }
0x252: {  	v41 =	vld.idx.msk [tilespmem:v41+s17+$0x0], $0xffff;
	v52 =	vadd.f32 v51, v49  }
0x253: {  	v54, _, _ =	vpop (xrf2);
	(xrf2) =	vadd.scan.msk.f32 $0xffff, v39  }
0x254: {  	v44 =	vld.idx.msk [tilespmem:v44+s17+$0x0], $0xffff;
	v55 =	vadd.f32 v54, v52  }
0x255: {  	v56, _, _ =	vpop (xrf2);
	(xrf2) =	vadd.scan.msk.f32 $0xffff, v40  }
0x256: {  	v47 =	vld.idx.msk [tilespmem:v47+s17+$0x0], $0xffff;
	v57 =	vadd.f32 v56, v55  }
0x257: {  	v30 =	vsub.f32 v42, v30;
	v31 =	vsub.f32 v45, v31;
	v63, _, _ =	vpop (xrf2);
	(xrf2) =	vadd.scan.msk.f32 $0xffff, v41  }
0x258: {  	v50 =	vld.idx.msk [tilespmem:v50+s17+$0x0], $0xffff;
	v32 =	vsub.f32 v48, v32;
	v46 =	vbroadcast v46, $0xF;
	v48 =	vadd.f32 v63, v57  }
0x259: {  	v43 =	vbroadcast v43, $0xF;
	v30 =	vadd.f32 $0.0e+00, v30;
	v33 =	vsub.f32 v51, v33;
	v42, _, _ =	vpop (xrf2);
	(xrf2) =	vadd.scan.msk.f32 $0xffff, v44  }
0x25a: {  	v32 =	vadd.f32 v32, v46;
	v46 =	vld.idx.msk [tilespmem:v53+s17+$0x0], $0xffff;
	v49 =	vbroadcast v49, $0xF;
	v58 =	vadd.f32 v42, v48  }
0x25b: {  	v31 =	vadd.f32 v31, v43;
	v34 =	vsub.f32 v54, v34;
	v52 =	vbroadcast v52, $0xF;
	v59, _, _ =	vpop (xrf2);
	(xrf2) =	vadd.scan.msk.f32 $0xffff, v47  }
0x25c: {  	[tilespmem:$0x12100] =	vst v30;
	v33 =	vadd.f32 v33, v49;
	v53 =	vadd.f32 v59, v58  }
0x25d: {  	v60 =	vbroadcast v55, $0xF;
	v35 =	vsub.f32 v56, v35;
	v30 =	vadd.f32 v34, v52;
	v61, _, _ =	vpop (xrf2);
	(xrf2) =	vadd.scan.msk.f32 $0xffff, v50  }
0x25e: {  	v36 =	vsub.f32 v63, v36;
	v34 =	vadd.f32 v61, v53  }
0x25f: {  	v35 =	vadd.f32 v35, v60;
	v62 =	vbroadcast v57, $0xF;
	v37 =	vsub.f32 v42, v37;
	v63, _, _ =	vpop (xrf2);
	(xrf2) =	vadd.scan.msk.f32 $0xffff, v46  }
0x260: {  	[tilespmem:$0x12110] =	vst v31;
	v56 =	vsub.f32 v59, v38;
	v42 =	vadd.f32 v63, v34  }
0x261: {  	[tilespmem:$0x12120] =	vst v32;
	v31 =	vbroadcast v48, $0xF;
	v55 =	vadd.f32 v36, v62;
	v57 =	vbroadcast v58, $0xF;
	v52, _, _ =	vpop (xrf2)  }
0x262: {  	[tilespmem:$0x12130] =	vst v33;
	v60 =	vsub.f32 v61, v39;
	v58 =	vadd.f32 v52, v42  }
0x263: {  	[tilespmem:$0x12140] =	vst v30;
	v31 =	vadd.f32 v37, v31;
	v30 =	vadd.f32 v56, v57;
	v61 =	vbroadcast v53, $0xF;
	v59, _, _ =	vpop (xrf2)  }
0x264: {  	[tilespmem:$0x12150] =	vst v35;
	v34 =	vbroadcast v34, $0xF;
	v62 =	vsub.f32 v63, v40;
	v63 =	vadd.f32 v59, v58  }
0x265: {  	[tilespmem:$0x12160] =	vst v55;
	v49 =	vadd.f32 v60, v61;
	v51 =	vsub.f32 v52, v41;
	v45, _, _ =	vpop (xrf2)  }
0x266: {  	[tilespmem:$0x12170] =	vst v31;
	v52 =	vbroadcast v42, $0xF;
	v31 =	vadd.f32 v62, v34;
	v53 =	vadd.f32 v45, v63  }
0x267: {  	[tilespmem:$0x12180] =	vst v30;
	v55 =	vsub.f32 v59, v44;
	v54, _, _ =	vpop (xrf2);
	v57 =	vsub.f32 v45, v47;
	v33 =	vbroadcast v58, $0xF  }
0x268: {  	[tilespmem:$0x12190] =	vst v49;
	v30 =	vadd.f32 v51, v52;
	v56 =	vbroadcast v63, $0xF;
	v58 =	vadd.f32 v54, v53  }
0x269: {  	[tilespmem:$0x121A0] =	vst v31;
	v60 =	vsub.f32 v54, v50;
	v31 =	vadd.f32 v55, v33;
	v59 =	vbroadcast v53, $0xF;
	v61, _, _ =	vpop (xrf2)  }
0x26a: {  	[tilespmem:$0x121B0] =	vst v30;
	v30 =	vadd.f32 v57, v56;
	v62 =	vsub.f32 v61, v46;
	v63 =	vbroadcast v58, $0xF  }
0x26b: {  	[tilespmem:$0x121C0] =	vst v31;
	v31 =	vadd.f32 v60, v59  }
0x26c: {  	[tilespmem:$0x121D0] =	vst v30;
	v30 =	vadd.f32 v62, v63  }
0x26d: {  	[tilespmem:$0x121E0] =	vst v31  }
0x26e: {  	[tilespmem:$0x121F0] =	vst v30  }
0x26f: {  	v30 =	vld.idx.msk [tilespmem:v22+s17+$0x0], $0xffff  }
0x270: {  	v31 =	vld.idx.msk [tilespmem:v26+s18+$0x0], $0xffff;
	_ =	sdelay $0x4  }
0x271: {  	s25 =	sshll.u32 s23, $0x6;
	v30 =	vadd.f32 v31, v30  }
0x272: {  	s26 =	sand.u32 $0x1C0, s25  }
0x273: {  	[tilespmem:s26+$0x12980] =	vst v30  }
0x274: {  	v30 =	vld.idx.msk [tilespmem:v23+s17+$0x0], $0xffff  }
0x275: {  	v31 =	vld.idx.msk [tilespmem:v27+s18+$0x0], $0xffff;
	_ =	sdelay $0x4  }
0x276: {  	v30 =	vadd.f32 v31, v30;
	_ =	sdelay $0x1  }
0x277: {  	[tilespmem:s25+$0x12990] =	vst v30  }
0x278: {  	v30 =	vld.idx.msk [tilespmem:v24+s17+$0x0], $0xffff  }
0x279: {  	v31 =	vld.idx.msk [tilespmem:v28+s18+$0x0], $0xffff;
	_ =	sdelay $0x4  }
0x27a: {  	v30 =	vadd.f32 v31, v30;
	_ =	sdelay $0x1  }
0x27b: {  	[tilespmem:s25+$0x129A0] =	vst v30  }
0x27c: {  	v30 =	vld.idx.msk [tilespmem:v25+s17+$0x0], $0xffff  }
0x27d: {  	v31 =	vld.idx.msk [tilespmem:v29+s18+$0x0], $0xffff  }
0x27e: {  	s23 =	sadd.s32 $0x1, s23  }
0x27f: {  	p0 =	sne.s32 s23, $0x8  }
.Ltmp7:
0x280: {  	_ = 	snop;
	(pc) =	sbr.rel @p0 .LBB2_14-.Ltmp7, $3  }
0x281: {  	_ = 	snop  }
0x282: {  	v30 =	vadd.f32 v31, v30;
	_ =	sdelay $0x1  }
0x283: {  	s24 =	sadd.s32 $0x1000, s24;
	[tilespmem:s25+$0x129B0] =	vst v30  }
0x284: {  	_ =	swait.ge [sflag:s19], $0x8000  }
0x285: {  	[sflag:s19] =	ssyncset.done $0x0  }
0x286: {  	s23 =	simm.s32 $0x0;
	s24 =	simm.s32 $0x9280;
	[sflag:s19] =	ssyncadd.s32 $0xFFFF8000  }
.LBB2_18:
0x287: {  	s25 =	simm.s32 $0xFFFFFFC0;
	s26 =	simm.s32 $0x11280;
	s28 =	smov.u32 s24  }
.LBB2_19:
0x288: {  	v30 =	vld [tilespmem:s28+$0xFFFFFE00]  }
0x289: {  	v31 =	vld [tilespmem:s28+$0xFFFFFE10]  }
0x28a: {  	v32 =	vld [tilespmem:s28+$0xFFFFFE20]  }
0x28b: {  	v33 =	vld [tilespmem:s28+$0xFFFFFE30]  }
0x28c: {  	v34 =	vld [tilespmem:s28+$0xFFFFFE40]  }
0x28d: {  	(xrf2) =	vadd.scan.msk.f32 $0xffff, v30;
	v30 =	vld [tilespmem:s28+$0xFFFFFE50]  }
0x28e: {  	(xrf2) =	vadd.scan.msk.f32 $0xffff, v31;
	v31 =	vld [tilespmem:s28+$0xFFFFFE60]  }
0x28f: {  	v63 =	vld [tilespmem:s28+$0xFFFFFE70];
	(xrf2) =	vadd.scan.msk.f32 $0xffff, v32  }
0x290: {  	v36 =	vld [tilespmem:s28+$0xFFFFFE80];
	(xrf2) =	vadd.scan.msk.f32 $0xffff, v33  }
0x291: {  	v37 =	vld [tilespmem:s28+$0xFFFFFE90];
	(xrf2) =	vadd.scan.msk.f32 $0xffff, v34  }
0x292: {  	(xrf2) =	vadd.scan.msk.f32 $0xffff, v30;
	v30 =	vld [tilespmem:s28+$0xFFFFFEA0]  }
0x293: {  	(xrf2) =	vadd.scan.msk.f32 $0xffff, v31;
	v31 =	vld [tilespmem:s28+$0xFFFFFEB0]  }
0x294: {  	v38 =	vld [tilespmem:s28+$0xFFFFFEC0];
	(xrf2) =	vadd.scan.msk.f32 $0xffff, v63  }
0x295: {  	v39 =	vld [tilespmem:s28+$0xFFFFFED0];
	(xrf2) =	vadd.scan.msk.f32 $0xffff, v36  }
0x296: {  	v40 =	vld [tilespmem:s28+$0xFFFFFEE0];
	(xrf2) =	vadd.scan.msk.f32 $0xffff, v37  }
0x297: {  	v35, _, _ =	vpop (xrf2);
	(xrf2) =	vadd.scan.msk.f32 $0xffff, v30;
	v30 =	vld [tilespmem:s28+$0xFFFFFEF0]  }
0x298: {  	[tilespmem:s26+$0xFFFFFE00] =	vst v35;
	v41, _, _ =	vpop (xrf2);
	(xrf2) =	vadd.scan.msk.f32 $0xffff, v31;
	v31 =	vld [tilespmem:s28+$0xFFFFFF00]  }
0x299: {  	v43 =	vld [tilespmem:s28+$0xFFFFFF10];
	[tilespmem:s26+$0xFFFFFE10] =	vst v41;
	v42, _, _ =	vpop (xrf2);
	(xrf2) =	vadd.scan.msk.f32 $0xffff, v38  }
0x29a: {  	v45 =	vld [tilespmem:s28+$0xFFFFFF20];
	[tilespmem:s26+$0xFFFFFE20] =	vst v42;
	v44, _, _ =	vpop (xrf2);
	(xrf2) =	vadd.scan.msk.f32 $0xffff, v39  }
0x29b: {  	v47 =	vld [tilespmem:s28+$0xFFFFFF30];
	[tilespmem:s26+$0xFFFFFE30] =	vst v44;
	v46, _, _ =	vpop (xrf2);
	(xrf2) =	vadd.scan.msk.f32 $0xffff, v40  }
0x29c: {  	[tilespmem:s26+$0xFFFFFE40] =	vst v46;
	v48, _, _ =	vpop (xrf2);
	(xrf2) =	vadd.scan.msk.f32 $0xffff, v30;
	v30 =	vld [tilespmem:s28+$0xFFFFFF40]  }
0x29d: {  	[tilespmem:s26+$0xFFFFFE50] =	vst v48;
	v49, _, _ =	vpop (xrf2);
	(xrf2) =	vadd.scan.msk.f32 $0xffff, v31;
	v31 =	vld [tilespmem:s28+$0xFFFFFF50]  }
0x29e: {  	v51 =	vld [tilespmem:s28+$0xFFFFFF60];
	[tilespmem:s26+$0xFFFFFE60] =	vst v49;
	v50, _, _ =	vpop (xrf2);
	(xrf2) =	vadd.scan.msk.f32 $0xffff, v43  }
0x29f: {  	v53 =	vld [tilespmem:s28+$0xFFFFFF70];
	[tilespmem:s26+$0xFFFFFE70] =	vst v50;
	v52, _, _ =	vpop (xrf2);
	(xrf2) =	vadd.scan.msk.f32 $0xffff, v45  }
0x2a0: {  	v55 =	vld [tilespmem:s28+$0xFFFFFF80];
	[tilespmem:s26+$0xFFFFFE80] =	vst v52;
	v54, _, _ =	vpop (xrf2);
	(xrf2) =	vadd.scan.msk.f32 $0xffff, v47  }
0x2a1: {  	[tilespmem:s26+$0xFFFFFE90] =	vst v54;
	v56, _, _ =	vpop (xrf2);
	(xrf2) =	vadd.scan.msk.f32 $0xffff, v30;
	v30 =	vld [tilespmem:s28+$0xFFFFFF90]  }
0x2a2: {  	[tilespmem:s26+$0xFFFFFEA0] =	vst v56;
	v57, _, _ =	vpop (xrf2);
	(xrf2) =	vadd.scan.msk.f32 $0xffff, v31;
	v31 =	vld [tilespmem:s28+$0xFFFFFFA0]  }
0x2a3: {  	v59 =	vld [tilespmem:s28+$0xFFFFFFB0];
	[tilespmem:s26+$0xFFFFFEB0] =	vst v57;
	v58, _, _ =	vpop (xrf2);
	(xrf2) =	vadd.scan.msk.f32 $0xffff, v51  }
0x2a4: {  	v61 =	vld [tilespmem:s28+$0xFFFFFFC0];
	[tilespmem:s26+$0xFFFFFEC0] =	vst v58;
	v60, _, _ =	vpop (xrf2);
	(xrf2) =	vadd.scan.msk.f32 $0xffff, v53  }
0x2a5: {  	v63 =	vld [tilespmem:s28+$0xFFFFFFD0];
	[tilespmem:s26+$0xFFFFFED0] =	vst v60;
	v62, _, _ =	vpop (xrf2);
	(xrf2) =	vadd.scan.msk.f32 $0xffff, v55  }
0x2a6: {  	[tilespmem:s26+$0xFFFFFEE0] =	vst v62;
	v36, _, _ =	vpop (xrf2);
	(xrf2) =	vadd.scan.msk.f32 $0xffff, v30;
	v30 =	vld [tilespmem:s28+$0xFFFFFFE0]  }
0x2a7: {  	[tilespmem:s26+$0xFFFFFEF0] =	vst v36;
	v37, _, _ =	vpop (xrf2);
	(xrf2) =	vadd.scan.msk.f32 $0xffff, v31;
	v31 =	vld [tilespmem:s28+$0xFFFFFFF0]  }
0x2a8: {  	v39 =	vld [tilespmem:s28+$0x0];
	[tilespmem:s26+$0xFFFFFF00] =	vst v37;
	v38, _, _ =	vpop (xrf2);
	(xrf2) =	vadd.scan.msk.f32 $0xffff, v59  }
0x2a9: {  	v41 =	vld [tilespmem:s28+$0x10];
	[tilespmem:s26+$0xFFFFFF10] =	vst v38;
	v40, _, _ =	vpop (xrf2);
	(xrf2) =	vadd.scan.msk.f32 $0xffff, v61  }
0x2aa: {  	v43 =	vld [tilespmem:s28+$0x20];
	[tilespmem:s26+$0xFFFFFF20] =	vst v40;
	v42, _, _ =	vpop (xrf2);
	(xrf2) =	vadd.scan.msk.f32 $0xffff, v63  }
0x2ab: {  	[tilespmem:s26+$0xFFFFFF30] =	vst v42;
	v44, _, _ =	vpop (xrf2);
	(xrf2) =	vadd.scan.msk.f32 $0xffff, v30;
	v30 =	vld [tilespmem:s28+$0x30]  }
0x2ac: {  	[tilespmem:s26+$0xFFFFFF40] =	vst v44;
	v45, _, _ =	vpop (xrf2);
	(xrf2) =	vadd.scan.msk.f32 $0xffff, v31;
	v31 =	vld [tilespmem:s28+$0x40]  }
0x2ad: {  	v47 =	vld [tilespmem:s28+$0x50];
	[tilespmem:s26+$0xFFFFFF50] =	vst v45;
	v46, _, _ =	vpop (xrf2);
	(xrf2) =	vadd.scan.msk.f32 $0xffff, v39  }
0x2ae: {  	v49 =	vld [tilespmem:s28+$0x60];
	[tilespmem:s26+$0xFFFFFF60] =	vst v46;
	v48, _, _ =	vpop (xrf2);
	(xrf2) =	vadd.scan.msk.f32 $0xffff, v41  }
0x2af: {  	v51 =	vld [tilespmem:s28+$0x70];
	[tilespmem:s26+$0xFFFFFF70] =	vst v48;
	v50, _, _ =	vpop (xrf2);
	(xrf2) =	vadd.scan.msk.f32 $0xffff, v43  }
0x2b0: {  	[tilespmem:s26+$0xFFFFFF80] =	vst v50;
	v52, _, _ =	vpop (xrf2);
	(xrf2) =	vadd.scan.msk.f32 $0xffff, v30;
	v30 =	vld [tilespmem:s28+$0x80]  }
0x2b1: {  	[tilespmem:s26+$0xFFFFFF90] =	vst v52;
	v53, _, _ =	vpop (xrf2);
	(xrf2) =	vadd.scan.msk.f32 $0xffff, v31;
	v31 =	vld [tilespmem:s28+$0x90]  }
0x2b2: {  	v55 =	vld [tilespmem:s28+$0xA0];
	[tilespmem:s26+$0xFFFFFFA0] =	vst v53;
	v54, _, _ =	vpop (xrf2);
	(xrf2) =	vadd.scan.msk.f32 $0xffff, v47  }
0x2b3: {  	v57 =	vld [tilespmem:s28+$0xB0];
	[tilespmem:s26+$0xFFFFFFB0] =	vst v54;
	v56, _, _ =	vpop (xrf2);
	(xrf2) =	vadd.scan.msk.f32 $0xffff, v49  }
0x2b4: {  	v59 =	vld [tilespmem:s28+$0xC0];
	[tilespmem:s26+$0xFFFFFFC0] =	vst v56;
	v58, _, _ =	vpop (xrf2);
	(xrf2) =	vadd.scan.msk.f32 $0xffff, v51  }
0x2b5: {  	[tilespmem:s26+$0xFFFFFFD0] =	vst v58;
	v60, _, _ =	vpop (xrf2);
	(xrf2) =	vadd.scan.msk.f32 $0xffff, v30;
	v30 =	vld [tilespmem:s28+$0xD0]  }
0x2b6: {  	[tilespmem:s26+$0xFFFFFFE0] =	vst v60;
	v61, _, _ =	vpop (xrf2);
	(xrf2) =	vadd.scan.msk.f32 $0xffff, v31;
	v31 =	vld [tilespmem:s28+$0xE0]  }
0x2b7: {  	v63 =	vld [tilespmem:s28+$0xF0];
	[tilespmem:s26+$0xFFFFFFF0] =	vst v61;
	v62, _, _ =	vpop (xrf2);
	(xrf2) =	vadd.scan.msk.f32 $0xffff, v55  }
0x2b8: {  	v37 =	vld [tilespmem:s28+$0x100];
	[tilespmem:s26+$0x0] =	vst v62;
	v36, _, _ =	vpop (xrf2);
	(xrf2) =	vadd.scan.msk.f32 $0xffff, v57  }
0x2b9: {  	v39 =	vld [tilespmem:s28+$0x110];
	[tilespmem:s26+$0x10] =	vst v36;
	v38, _, _ =	vpop (xrf2);
	(xrf2) =	vadd.scan.msk.f32 $0xffff, v59  }
0x2ba: {  	[tilespmem:s26+$0x20] =	vst v38;
	v40, _, _ =	vpop (xrf2);
	(xrf2) =	vadd.scan.msk.f32 $0xffff, v30;
	v30 =	vld [tilespmem:s28+$0x120]  }
0x2bb: {  	[tilespmem:s26+$0x30] =	vst v40;
	v41, _, _ =	vpop (xrf2);
	(xrf2) =	vadd.scan.msk.f32 $0xffff, v31;
	v31 =	vld [tilespmem:s28+$0x130]  }
0x2bc: {  	v43 =	vld [tilespmem:s28+$0x140];
	[tilespmem:s26+$0x40] =	vst v41;
	v42, _, _ =	vpop (xrf2);
	(xrf2) =	vadd.scan.msk.f32 $0xffff, v63  }
0x2bd: {  	v45 =	vld [tilespmem:s28+$0x150];
	[tilespmem:s26+$0x50] =	vst v42;
	v44, _, _ =	vpop (xrf2);
	(xrf2) =	vadd.scan.msk.f32 $0xffff, v37  }
0x2be: {  	v47 =	vld [tilespmem:s28+$0x160];
	[tilespmem:s26+$0x60] =	vst v44;
	v46, _, _ =	vpop (xrf2);
	(xrf2) =	vadd.scan.msk.f32 $0xffff, v39  }
0x2bf: {  	[tilespmem:s26+$0x70] =	vst v46;
	v48, _, _ =	vpop (xrf2);
	(xrf2) =	vadd.scan.msk.f32 $0xffff, v30;
	v30 =	vld [tilespmem:s28+$0x170]  }
0x2c0: {  	[tilespmem:s26+$0x80] =	vst v48;
	v49, _, _ =	vpop (xrf2);
	(xrf2) =	vadd.scan.msk.f32 $0xffff, v31;
	v31 =	vld [tilespmem:s28+$0x180]  }
0x2c1: {  	v51 =	vld [tilespmem:s28+$0x190];
	[tilespmem:s26+$0x90] =	vst v49;
	v50, _, _ =	vpop (xrf2);
	(xrf2) =	vadd.scan.msk.f32 $0xffff, v43  }
0x2c2: {  	v53 =	vld [tilespmem:s28+$0x1A0];
	[tilespmem:s26+$0xA0] =	vst v50;
	v52, _, _ =	vpop (xrf2);
	(xrf2) =	vadd.scan.msk.f32 $0xffff, v45  }
0x2c3: {  	v55 =	vld [tilespmem:s28+$0x1B0];
	[tilespmem:s26+$0xB0] =	vst v52;
	v54, _, _ =	vpop (xrf2);
	(xrf2) =	vadd.scan.msk.f32 $0xffff, v47  }
0x2c4: {  	[tilespmem:s26+$0xC0] =	vst v54;
	v56, _, _ =	vpop (xrf2);
	(xrf2) =	vadd.scan.msk.f32 $0xffff, v30;
	v30 =	vld [tilespmem:s28+$0x1C0]  }
0x2c5: {  	[tilespmem:s26+$0xD0] =	vst v56;
	v57, _, _ =	vpop (xrf2);
	(xrf2) =	vadd.scan.msk.f32 $0xffff, v31;
	v31 =	vld [tilespmem:s28+$0x1D0]  }
0x2c6: {  	v59 =	vld [tilespmem:s28+$0x1E0];
	[tilespmem:s26+$0xE0] =	vst v57;
	v58, _, _ =	vpop (xrf2);
	(xrf2) =	vadd.scan.msk.f32 $0xffff, v51  }
0x2c7: {  	v61 =	vld [tilespmem:s28+$0x1F0];
	[tilespmem:s26+$0xF0] =	vst v58;
	v60, _, _ =	vpop (xrf2);
	(xrf2) =	vadd.scan.msk.f32 $0xffff, v53  }
0x2c8: {  	[tilespmem:s26+$0x100] =	vst v60;
	v62, _, _ =	vpop (xrf2);
	(xrf2) =	vadd.scan.msk.f32 $0xffff, v55  }
0x2c9: {  	[tilespmem:s26+$0x110] =	vst v62;
	v63, _, _ =	vpop (xrf2);
	(xrf2) =	vadd.scan.msk.f32 $0xffff, v30  }
0x2ca: {  	[tilespmem:s26+$0x120] =	vst v63;
	v30, _, _ =	vpop (xrf2);
	(xrf2) =	vadd.scan.msk.f32 $0xffff, v31  }
0x2cb: {  	[tilespmem:s26+$0x130] =	vst v30;
	v30, _, _ =	vpop (xrf2);
	(xrf2) =	vadd.scan.msk.f32 $0xffff, v59  }
0x2cc: {  	[tilespmem:s26+$0x140] =	vst v30;
	v30, _, _ =	vpop (xrf2);
	(xrf2) =	vadd.scan.msk.f32 $0xffff, v61  }
0x2cd: {  	v31, _, _ =	vpop (xrf2);
	[tilespmem:s26+$0x150] =	vst v30  }
0x2ce: {  	v30, _, _ =	vpop (xrf2);
	[tilespmem:s26+$0x160] =	vst v31  }
0x2cf: {  	v31, _, _ =	vpop (xrf2);
	[tilespmem:s26+$0x170] =	vst v30  }
0x2d0: {  	v30, _, _ =	vpop (xrf2);
	[tilespmem:s26+$0x180] =	vst v31  }
0x2d1: {  	s25 =	sadd.s32 $0x40, s25;
	v31, _, _ =	vpop (xrf2);
	[tilespmem:s26+$0x190] =	vst v30  }
0x2d2: {  	p0 =	slt.u32 s25, $0xC0;
	v30, _, _ =	vpop (xrf2);
	[tilespmem:s26+$0x1A0] =	vst v31  }
.Ltmp8:
0x2d3: {  	v31, _, _ =	vpop (xrf2);
	[tilespmem:s26+$0x1B0] =	vst v30;
	(pc) =	sbr.rel @p0 .LBB2_19-.Ltmp8, $4  }
0x2d4: {  	v30, _, _ =	vpop (xrf2);
	[tilespmem:s26+$0x1C0] =	vst v31  }
0x2d5: {  	v31, _, _ =	vpop (xrf2);
	[tilespmem:s26+$0x1D0] =	vst v30  }
0x2d6: {  	[tilespmem:s26+$0x1E0] =	vst v31;
	v30, _, _ =	vpop (xrf2)  }
0x2d7: {  	s28 =	sadd.s32 $0x400, s28;
	[tilespmem:s26+$0x1F0] =	vst v30;
	s26 =	sadd.s32 $0x400, s26  }
0x2d8: {  	v30 =	vld [tilespmem:$0x12480];
	_ =	sdelay $0x1  }
0x2d9: {  	v31 =	vld [tilespmem:$0x12490];
	_ =	sdelay $0x1  }
0x2da: {  	v32 =	vld [tilespmem:$0x124A0];
	_ =	sdelay $0x1  }
0x2db: {  	v33 =	vld [tilespmem:$0x124B0]  }
0x2dc: {  	v34 =	vld [tilespmem:$0x124C0]  }
0x2dd: {  	v30 =	vld.idx.msk [tilespmem:v30+s17+$0x0], $0xffff  }
0x2de: {  	v35 =	vld [tilespmem:$0x124D0]  }
0x2df: {  	v31 =	vld.idx.msk [tilespmem:v31+s17+$0x0], $0xffff  }
0x2e0: {  	v36 =	vld [tilespmem:$0x124E0]  }
0x2e1: {  	v32 =	vld.idx.msk [tilespmem:v32+s17+$0x0], $0xffff  }
0x2e2: {  	v37 =	vld [tilespmem:$0x124F0];
	(xrf2) =	vadd.scan.msk.f32 $0xffff, v30  }
0x2e3: {  	v33 =	vld.idx.msk [tilespmem:v33+s17+$0x0], $0xffff  }
0x2e4: {  	v38 =	vld [tilespmem:$0x12500];
	(xrf2) =	vadd.scan.msk.f32 $0xffff, v31  }
0x2e5: {  	v34 =	vld.idx.msk [tilespmem:v34+s17+$0x0], $0xffff  }
0x2e6: {  	v39 =	vld [tilespmem:$0x12510];
	(xrf2) =	vadd.scan.msk.f32 $0xffff, v32  }
0x2e7: {  	v35 =	vld.idx.msk [tilespmem:v35+s17+$0x0], $0xffff  }
0x2e8: {  	v40 =	vld [tilespmem:$0x12520];
	(xrf2) =	vadd.scan.msk.f32 $0xffff, v33  }
0x2e9: {  	v36 =	vld.idx.msk [tilespmem:v36+s17+$0x0], $0xffff  }
0x2ea: {  	v41 =	vld [tilespmem:$0x12530];
	(xrf2) =	vadd.scan.msk.f32 $0xffff, v34  }
0x2eb: {  	v37 =	vld.idx.msk [tilespmem:v37+s17+$0x0], $0xffff  }
0x2ec: {  	v44 =	vld [tilespmem:$0x12540];
	v42, _, _ =	vpop (xrf2);
	(xrf2) =	vadd.scan.msk.f32 $0xffff, v35  }
0x2ed: {  	v38 =	vld.idx.msk [tilespmem:v38+s17+$0x0], $0xffff;
	v43 =	vadd.f32 $0.0e+00, v42  }
0x2ee: {  	v47 =	vld [tilespmem:$0x12550];
	v45, _, _ =	vpop (xrf2);
	(xrf2) =	vadd.scan.msk.f32 $0xffff, v36  }
0x2ef: {  	v39 =	vld.idx.msk [tilespmem:v39+s17+$0x0], $0xffff;
	v46 =	vadd.f32 v45, v43  }
0x2f0: {  	v50 =	vld [tilespmem:$0x12560];
	v48, _, _ =	vpop (xrf2);
	(xrf2) =	vadd.scan.msk.f32 $0xffff, v37  }
0x2f1: {  	v40 =	vld.idx.msk [tilespmem:v40+s17+$0x0], $0xffff;
	v49 =	vadd.f32 v48, v46  }
0x2f2: {  	v53 =	vld [tilespmem:$0x12570];
	v51, _, _ =	vpop (xrf2);
	(xrf2) =	vadd.scan.msk.f32 $0xffff, v38  }
0x2f3: {  	v41 =	vld.idx.msk [tilespmem:v41+s17+$0x0], $0xffff;
	v52 =	vadd.f32 v51, v49  }
0x2f4: {  	v54, _, _ =	vpop (xrf2);
	(xrf2) =	vadd.scan.msk.f32 $0xffff, v39  }
0x2f5: {  	v44 =	vld.idx.msk [tilespmem:v44+s17+$0x0], $0xffff;
	v55 =	vadd.f32 v54, v52  }
0x2f6: {  	v56, _, _ =	vpop (xrf2);
	(xrf2) =	vadd.scan.msk.f32 $0xffff, v40  }
0x2f7: {  	v47 =	vld.idx.msk [tilespmem:v47+s17+$0x0], $0xffff;
	v57 =	vadd.f32 v56, v55  }
0x2f8: {  	v30 =	vsub.f32 v42, v30;
	v31 =	vsub.f32 v45, v31;
	v63, _, _ =	vpop (xrf2);
	(xrf2) =	vadd.scan.msk.f32 $0xffff, v41  }
0x2f9: {  	v50 =	vld.idx.msk [tilespmem:v50+s17+$0x0], $0xffff;
	v32 =	vsub.f32 v48, v32;
	v46 =	vbroadcast v46, $0xF;
	v48 =	vadd.f32 v63, v57  }
0x2fa: {  	v43 =	vbroadcast v43, $0xF;
	v30 =	vadd.f32 $0.0e+00, v30;
	v33 =	vsub.f32 v51, v33;
	v42, _, _ =	vpop (xrf2);
	(xrf2) =	vadd.scan.msk.f32 $0xffff, v44  }
0x2fb: {  	v32 =	vadd.f32 v32, v46;
	v46 =	vld.idx.msk [tilespmem:v53+s17+$0x0], $0xffff;
	v49 =	vbroadcast v49, $0xF;
	v58 =	vadd.f32 v42, v48  }
0x2fc: {  	v31 =	vadd.f32 v31, v43;
	v34 =	vsub.f32 v54, v34;
	v52 =	vbroadcast v52, $0xF;
	v59, _, _ =	vpop (xrf2);
	(xrf2) =	vadd.scan.msk.f32 $0xffff, v47  }
0x2fd: {  	[tilespmem:$0x12100] =	vst v30;
	v33 =	vadd.f32 v33, v49;
	v53 =	vadd.f32 v59, v58  }
0x2fe: {  	v60 =	vbroadcast v55, $0xF;
	v35 =	vsub.f32 v56, v35;
	v30 =	vadd.f32 v34, v52;
	v61, _, _ =	vpop (xrf2);
	(xrf2) =	vadd.scan.msk.f32 $0xffff, v50  }
0x2ff: {  	v36 =	vsub.f32 v63, v36;
	v34 =	vadd.f32 v61, v53  }
0x300: {  	v35 =	vadd.f32 v35, v60;
	v62 =	vbroadcast v57, $0xF;
	v37 =	vsub.f32 v42, v37;
	v63, _, _ =	vpop (xrf2);
	(xrf2) =	vadd.scan.msk.f32 $0xffff, v46  }
0x301: {  	[tilespmem:$0x12110] =	vst v31;
	v56 =	vsub.f32 v59, v38;
	v42 =	vadd.f32 v63, v34  }
0x302: {  	[tilespmem:$0x12120] =	vst v32;
	v31 =	vbroadcast v48, $0xF;
	v55 =	vadd.f32 v36, v62;
	v57 =	vbroadcast v58, $0xF;
	v52, _, _ =	vpop (xrf2)  }
0x303: {  	[tilespmem:$0x12130] =	vst v33;
	v60 =	vsub.f32 v61, v39;
	v58 =	vadd.f32 v52, v42  }
0x304: {  	[tilespmem:$0x12140] =	vst v30;
	v31 =	vadd.f32 v37, v31;
	v30 =	vadd.f32 v56, v57;
	v61 =	vbroadcast v53, $0xF;
	v59, _, _ =	vpop (xrf2)  }
0x305: {  	[tilespmem:$0x12150] =	vst v35;
	v34 =	vbroadcast v34, $0xF;
	v62 =	vsub.f32 v63, v40;
	v63 =	vadd.f32 v59, v58  }
0x306: {  	[tilespmem:$0x12160] =	vst v55;
	v49 =	vadd.f32 v60, v61;
	v51 =	vsub.f32 v52, v41;
	v45, _, _ =	vpop (xrf2)  }
0x307: {  	[tilespmem:$0x12170] =	vst v31;
	v52 =	vbroadcast v42, $0xF;
	v31 =	vadd.f32 v62, v34;
	v53 =	vadd.f32 v45, v63  }
0x308: {  	[tilespmem:$0x12180] =	vst v30;
	v55 =	vsub.f32 v59, v44;
	v54, _, _ =	vpop (xrf2);
	v57 =	vsub.f32 v45, v47;
	v33 =	vbroadcast v58, $0xF  }
0x309: {  	[tilespmem:$0x12190] =	vst v49;
	v30 =	vadd.f32 v51, v52;
	v56 =	vbroadcast v63, $0xF;
	v58 =	vadd.f32 v54, v53  }
0x30a: {  	[tilespmem:$0x121A0] =	vst v31;
	v60 =	vsub.f32 v54, v50;
	v31 =	vadd.f32 v55, v33;
	v59 =	vbroadcast v53, $0xF;
	v61, _, _ =	vpop (xrf2)  }
0x30b: {  	[tilespmem:$0x121B0] =	vst v30;
	v30 =	vadd.f32 v57, v56;
	v62 =	vsub.f32 v61, v46;
	v63 =	vbroadcast v58, $0xF  }
0x30c: {  	[tilespmem:$0x121C0] =	vst v31;
	v31 =	vadd.f32 v60, v59  }
0x30d: {  	[tilespmem:$0x121D0] =	vst v30;
	v30 =	vadd.f32 v62, v63  }
0x30e: {  	[tilespmem:$0x121E0] =	vst v31  }
0x30f: {  	[tilespmem:$0x121F0] =	vst v30  }
0x310: {  	v30 =	vld.idx.msk [tilespmem:v22+s17+$0x0], $0xffff  }
0x311: {  	v31 =	vld.idx.msk [tilespmem:v26+s18+$0x0], $0xffff;
	_ =	sdelay $0x4  }
0x312: {  	s25 =	sshll.u32 s23, $0x6;
	v30 =	vadd.f32 v31, v30  }
0x313: {  	s26 =	sand.u32 $0x1C0, s25  }
0x314: {  	[tilespmem:s26+$0x12B80] =	vst v30  }
0x315: {  	v30 =	vld.idx.msk [tilespmem:v23+s17+$0x0], $0xffff  }
0x316: {  	v31 =	vld.idx.msk [tilespmem:v27+s18+$0x0], $0xffff;
	_ =	sdelay $0x4  }
0x317: {  	v30 =	vadd.f32 v31, v30;
	_ =	sdelay $0x1  }
0x318: {  	[tilespmem:s25+$0x12B90] =	vst v30  }
0x319: {  	v30 =	vld.idx.msk [tilespmem:v24+s17+$0x0], $0xffff  }
0x31a: {  	v31 =	vld.idx.msk [tilespmem:v28+s18+$0x0], $0xffff;
	_ =	sdelay $0x4  }
0x31b: {  	v30 =	vadd.f32 v31, v30;
	_ =	sdelay $0x1  }
0x31c: {  	[tilespmem:s25+$0x12BA0] =	vst v30  }
0x31d: {  	v30 =	vld.idx.msk [tilespmem:v25+s17+$0x0], $0xffff  }
0x31e: {  	v31 =	vld.idx.msk [tilespmem:v29+s18+$0x0], $0xffff  }
0x31f: {  	s23 =	sadd.s32 $0x1, s23  }
0x320: {  	p0 =	sne.s32 s23, $0x8  }
.Ltmp9:
0x321: {  	_ = 	snop;
	(pc) =	sbr.rel @p0 .LBB2_18-.Ltmp9, $3  }
0x322: {  	_ = 	snop  }
0x323: {  	v30 =	vadd.f32 v31, v30;
	_ =	sdelay $0x1  }
0x324: {  	s24 =	sadd.s32 $0x1000, s24;
	[tilespmem:s25+$0x12BB0] =	vst v30  }
0x325: {  	v22 =	vld [tilespmem:$0x12400]  }
0x326: {  	v23 =	vld [tilespmem:$0x12410]  }
0x327: {  	s23 =	simm.s32 $0x12E40;
	v24 =	vld [tilespmem:$0x12420]  }
0x328: {  	v25 =	vld [tilespmem:s23+$0x30]  }
0x329: {  	v26 =	vld [tilespmem:s23+$0xFFFFFFC0]  }
0x32a: {  	v27 =	vld [tilespmem:s23+$0xFFFFFFD0]  }
0x32b: {  	v28 =	vld [tilespmem:s23+$0xFFFFFFE0]  }
0x32c: {  	v29 =	vld [tilespmem:s23+$0xFFFFFFF0]  }
0x32d: {  	v31 =	vld [tilespmem:s23+$0x0]  }
0x32e: {  	v32 =	vld [tilespmem:s23+$0x10]  }
0x32f: {  	s25 =	simm.s32 $0x125C0;
	v33 =	vld [tilespmem:s23+$0x20]  }
0x330: {  	v35 =	vld [tilespmem:s25+$0x30]  }
0x331: {  	v63 =	vld [tilespmem:s25+$0xFFFFFFD0]  }
0x332: {  	v38 =	vld [tilespmem:s25+$0xFFFFFFE0]  }
0x333: {  	v34 =	vld.idx.msk [tilespmem:v25+s20+$0x0], $0xffff  }
0x334: {  	v25 =	vld.idx.msk [tilespmem:v26+s20+$0x0], $0xffff  }
0x335: {  	v26 =	vld [tilespmem:$0x12430]  }
0x336: {  	v36 =	vld.idx.msk [tilespmem:v27+s20+$0x0], $0xffff  }
0x337: {  	v37 =	vld.idx.msk [tilespmem:v28+s20+$0x0], $0xffff  }
0x338: {  	v30 =	vld.idx.msk [tilespmem:v29+s20+$0x0], $0xffff  }
0x339: {  	v29 =	vld.idx.msk [tilespmem:v31+s20+$0x0], $0xffff  }
0x33a: {  	v28 =	vld.idx.msk [tilespmem:v32+s20+$0x0], $0xffff  }
0x33b: {  	v27 =	vld.idx.msk [tilespmem:v33+s20+$0x0], $0xffff  }
0x33c: {  	v31 =	vsub.f32 v35, v34;
	v35 =	vld [tilespmem:s25+$0xFFFFFFF0]  }
0x33d: {  	v34 =	vld [tilespmem:s25+$0x0]  }
0x33e: {  	v33 =	vld [tilespmem:s25+$0x10];
	v39 =	vmul.f32 v31, v26  }
0x33f: {  	s24 =	simm.s32 $0x13640;
	v36 =	vsub.f32 v63, v36;
	v31 =	vld [tilespmem:s25+$0x20]  }
0x340: {  	s26 =	simm.s32 $0x0;
	v32 =	vld [tilespmem:s25+$0xFFFFFFC0];
	v37 =	vsub.f32 v38, v37;
	[tilespmem:s24+$0x30] =	vst v39  }
.LBB2_22:
0x341: {  	v38 =	vld [tilespmem:$0x12400];
	v36 =	vmul.f32 v23, v36;
	v30 =	vsub.f32 v35, v30  }
0x342: {  	v35 =	vld [tilespmem:$0x12410];
	v37 =	vmul.f32 v24, v37;
	v29 =	vsub.f32 v34, v29  }
0x343: {  	s23 =	sadd.s32 $0x80, s23;
	v34 =	vld [tilespmem:$0x12420];
	[tilespmem:s24+$0xFFFFFFD0] =	vst v36;
	v26 =	vmul.f32 v26, v30;
	v28 =	vsub.f32 v33, v28  }
0x344: {  	s26 =	sadd.s32 $0x8, s26;
	v30 =	vld [tilespmem:s23+$0x30];
	[tilespmem:s24+$0xFFFFFFE0] =	vst v37;
	v29 =	vmul.f32 v29, v22;
	v27 =	vsub.f32 v31, v27  }
0x345: {  	p0 =	slt.u32 s26, $0x78;
	v31 =	vld [tilespmem:s23+$0xFFFFFFC0];
	v25 =	vsub.f32 v32, v25;
	[tilespmem:s24+$0xFFFFFFF0] =	vst v26;
	v26 =	vmul.f32 v28, v23  }
0x346: {  	v28 =	vld [tilespmem:s23+$0xFFFFFFD0];
	[tilespmem:s24+$0x0] =	vst v29;
	v32 =	vmul.f32 v27, v24  }
0x347: {  	v27 =	vld [tilespmem:s23+$0xFFFFFFE0];
	v25 =	vmul.f32 v22, v25;
	[tilespmem:s24+$0x10] =	vst v26;
	v22 =	vmov v38;
	v23 =	vmov v35  }
0x348: {  	v29 =	vld [tilespmem:s23+$0xFFFFFFF0];
	[tilespmem:s24+$0x20] =	vst v32;
	v24 =	vmov v34  }
0x349: {  	v32 =	vld [tilespmem:s23+$0x0];
	[tilespmem:s24+$0xFFFFFFC0] =	vst v25  }
0x34a: {  	v33 =	vld [tilespmem:s23+$0x10]  }
0x34b: {  	v34 =	vld [tilespmem:s23+$0x20]  }
0x34c: {  	s25 =	sadd.s32 $0x80, s25;
	v35 =	vld.idx.msk [tilespmem:v30+s20+$0x0], $0xffff  }
0x34d: {  	v36 =	vld [tilespmem:s25+$0x30]  }
0x34e: {  	v25 =	vld.idx.msk [tilespmem:v31+s20+$0x0], $0xffff  }
0x34f: {  	v26 =	vld [tilespmem:$0x12430]  }
0x350: {  	v31 =	vld.idx.msk [tilespmem:v28+s20+$0x0], $0xffff  }
0x351: {  	v37 =	vld.idx.msk [tilespmem:v27+s20+$0x0], $0xffff  }
0x352: {  	v30 =	vld.idx.msk [tilespmem:v29+s20+$0x0], $0xffff;
	v27 =	vsub.f32 v36, v35  }
0x353: {  	v29 =	vld.idx.msk [tilespmem:v32+s20+$0x0], $0xffff  }
0x354: {  	v28 =	vld.idx.msk [tilespmem:v33+s20+$0x0], $0xffff;
	v32 =	vmul.f32 v27, v26  }
0x355: {  	s24 =	sadd.s32 $0x80, s24;
	v27 =	vld.idx.msk [tilespmem:v34+s20+$0x0], $0xffff  }
0x356: {  	v36 =	vld [tilespmem:s25+$0xFFFFFFD0];
	[tilespmem:s24+$0x30] =	vst v32  }
0x357: {  	v38 =	vld [tilespmem:s25+$0xFFFFFFE0]  }
.Ltmp10:
0x358: {  	v35 =	vld [tilespmem:s25+$0xFFFFFFF0];
	(pc) =	sbr.rel @p0 .LBB2_22-.Ltmp10, $4  }
0x359: {  	v34 =	vld [tilespmem:s25+$0x0]  }
0x35a: {  	v33 =	vld [tilespmem:s25+$0x10]  }
0x35b: {  	v36 =	vsub.f32 v36, v31;
	v31 =	vld [tilespmem:s25+$0x20]  }
0x35c: {  	v32 =	vld [tilespmem:s25+$0xFFFFFFC0];
	v37 =	vsub.f32 v38, v37  }
0x35d: {  	v36 =	vmul.f32 v23, v36;
	v30 =	vsub.f32 v35, v30  }
0x35e: {  	v62 =	vmul.f32 v24, v37;
	v29 =	vsub.f32 v34, v29  }
0x35f: {  	[tilespmem:s24+$0xFFFFFFD0] =	vst v36;
	v26 =	vmul.f32 v26, v30;
	v28 =	vsub.f32 v33, v28  }
0x360: {  	[tilespmem:s24+$0xFFFFFFE0] =	vst v62;
	v29 =	vmul.f32 v29, v22;
	v27 =	vsub.f32 v31, v27  }
0x361: {  	v25 =	vsub.f32 v32, v25;
	[tilespmem:s24+$0xFFFFFFF0] =	vst v26;
	v23 =	vmul.f32 v28, v23  }
0x362: {  	[tilespmem:s24+$0x0] =	vst v29;
	v63 =	vmul.f32 v27, v24  }
0x363: {  	s22 =	sadd.s32 $0x1, s22;
	v22 =	vmul.f32 v22, v25;
	[tilespmem:s24+$0x10] =	vst v23  }
0x364: {  	p0 =	sne.s32 s22, s10;
	[tilespmem:s24+$0x20] =	vst v63  }
.Ltmp11:
0x365: {  	[tilespmem:s24+$0xFFFFFFC0] =	vst v22;
	(pc) =	sbr.rel @p0 .LBB2_1-.Ltmp11, $4  }
0x366: {  	[hbm4b:s9+s2] =	stream.linear.scatter [tilespmem:s21], [sflag:$0x3], $0x800, $0x38;
	[tilespmem:$0x13E00] =	vst v63  }
0x367: {  	_ =	swait.ge [sflag:s12], $0x800  }
0x368: {  	[sflag:s12] =	ssyncset.done $0x0  }
0x369: {  	[sflag:s12] =	ssyncadd.s32 $0xFFFFF800  }
0x36a: {  	_ =	sfence.sel $0x180000  }
0x36b: {  	[bflag:$0x0] =	sbarrier.arrive $0xFFFF  }
0x36c: {  	p0 =	sne.s32 s1, $0x0;
	_ =	strace $0x90000047  }
0x36d: {  	s0 =	sadd.s32 @!p0 $0x100000, s0;
	[bflag:$0x2] =	sbarrier.arrive $0xFFFF  }
0x36e: {  	[sflag:s0] =	ssyncadd.tile.s32 @!p0 $0x1;
	_ =	shalt  }
.Lfunc_end2:
_tile_overlayer_lowered:
.L_overlay_start_2:
0x36f: {  	(tag) =	ssettag $0x2  }
0x370: {  	s0 =	rddreg [dreg:$0x0];
	s2 =	stileid.u32  }
0x371: {  	s1 =	rddreg [dreg:$0x1];
	p0 =	sne.s32 s2, $0x0  }
0x372: {  	s3 =	rddreg [dreg:$0x2];
	[bflag:$0x3] =	sbarrier.arrive $0xFFFF;
	s2 =	simm.s32 @!p0 $0x1C03  }
0x373: {  	[timem:s3], [sflag:s2] =	dma.local @!p0 [hbm:s0], s1  }
0x374: {  	s0 =	simm.s32 @!p0 $0x3  }
0x375: {  	_ =	swait.ge @!p0 [sflag:s0], s1  }
0x376: {  	s1 =	ssub.s32 @!p0 $0x0, s1;
	[sflag:s0] =	ssyncset.done @!p0 $0x0  }
0x377: {  	[sflag:s0] =	ssyncadd.s32 @!p0 s1  }
0x378: {  	[bflag:$0x3] =	sbarrier.arrive $0xFFFF  }
0x379: {  	_ =	shalt  }

</sc_bundles>
